<compile_context>
chip_gen: v7x
topology: tpu7x:2x2x1
jax: 0.10.2.dev20260603
libtpu: 0.0.44.dev20260713+nightly
codegen_flags: <defaults>
</compile_context>

<pallas_src>
import functools

import jax
import jax.numpy as jnp
from jax import lax
from jax.experimental import pallas as pl
from jax.experimental.pallas import tpu as pltpu
from jax.experimental.pallas import tpu_sc as plsc

N = 10000
E = 320000
D = 128

NC, NS = 2, 16
NW = NC * NS
EPW = E // NW
KG = 80
NCH = EPW // KG
NP = 10240
RPT = NP // NS


def _mesh():
    return plsc.VectorSubcoreMesh(
        core_axis_name="c", subcore_axis_name="s", num_cores=NC, num_subcores=NS)


def _silu(x):
    return x * jax.nn.sigmoid(x)


def _tc_pq(feat, W1a, W1b, b_e1):
    BN = 1000

    def body(f_ref, wa, wb, b1, p_ref, q_ref):
        f = f_ref[...]
        p_ref[...] = jnp.dot(f, wa[...], preferred_element_type=jnp.float32) + b1[...]
        q_ref[...] = jnp.dot(f, wb[...], preferred_element_type=jnp.float32)

    return pl.pallas_call(
        body,
        grid=(N // BN,),
        in_specs=[
            pl.BlockSpec((BN, D), lambda i: (i, 0)),
            pl.BlockSpec((D, D), lambda i: (0, 0)),
            pl.BlockSpec((D, D), lambda i: (0, 0)),
            pl.BlockSpec((1, D), lambda i: (0, 0)),
        ],
        out_specs=[
            pl.BlockSpec((BN, D), lambda i: (i, 0)),
            pl.BlockSpec((BN, D), lambda i: (i, 0)),
        ],
        out_shape=(
            jax.ShapeDtypeStruct((N, D), jnp.float32),
            jax.ShapeDtypeStruct((N, D), jnp.float32),
        ),
    )(feat, W1a, W1b, b_e1)


def _sc_gather_combine(P, Q, copad, src, dst):
    @functools.partial(
        pl.kernel,
        out_type=(
            jax.ShapeDtypeStruct((E, D), jnp.float32),
            jax.ShapeDtypeStruct((E, 16), jnp.float32),
        ),
        mesh=_mesh(),
        scratch_types=[
            pltpu.VMEM((EPW,), jnp.int32),
            pltpu.VMEM((EPW,), jnp.int32),
            pltpu.VMEM((KG, D), jnp.float32),
            pltpu.VMEM((KG, D), jnp.float32),
            pltpu.VMEM((KG, 16), jnp.float32),
            pltpu.VMEM((KG, 16), jnp.float32),
            pltpu.VMEM((KG, D), jnp.float32),
            pltpu.VMEM((KG, D), jnp.float32),
            pltpu.VMEM((KG, 16), jnp.float32),
            pltpu.VMEM((KG, 16), jnp.float32),
            pltpu.SemaphoreType.DMA,
            pltpu.SemaphoreType.DMA,
            pltpu.SemaphoreType.DMA,
            pltpu.SemaphoreType.DMA,
        ],
        compiler_params=pltpu.CompilerParams(use_tc_tiling_on_sc=False),
    )
    def k(p_hbm, q_hbm, co_hbm, src_hbm, dst_hbm, z_hbm, dx_hbm,
          idx_s, idx_d, pv0, qv0, xsv0, xdv0, pv1, qv1, xsv1, xdv1,
          gsem0, gsem1, wsem0, wsem1):
        c = lax.axis_index("c")
        s = lax.axis_index("s")
        base = (s * NC + c) * EPW
        pltpu.sync_copy(src_hbm.at[pl.ds(base, EPW)], idx_s)
        pltpu.sync_copy(dst_hbm.at[pl.ds(base, EPW)], idx_d)

        bufs = ((pv0, qv0, xsv0, xdv0, gsem0, wsem0),
                (pv1, qv1, xsv1, xdv1, gsem1, wsem1))

        def issue_gathers(slot, b):
            pv, qv, xsv, xdv, gsem, _ = bufs[b]
            isl = idx_s.at[pl.ds(slot * KG, KG)]
            idl = idx_d.at[pl.ds(slot * KG, KG)]
            pltpu.async_copy(p_hbm.at[isl], pv, gsem)
            pltpu.async_copy(q_hbm.at[idl], qv, gsem)
            pltpu.async_copy(co_hbm.at[isl], xsv, gsem)
            pltpu.async_copy(co_hbm.at[idl], xdv, gsem)

        def wait_gathers(b):
            pv, qv, xsv, xdv, gsem, _ = bufs[b]
            pltpu.make_async_copy(p_hbm.at[idx_s.at[pl.ds(0, KG)]], pv, gsem).wait()
            pltpu.make_async_copy(q_hbm.at[idx_d.at[pl.ds(0, KG)]], qv, gsem).wait()
            pltpu.make_async_copy(co_hbm.at[idx_s.at[pl.ds(0, KG)]], xsv, gsem).wait()
            pltpu.make_async_copy(co_hbm.at[idx_d.at[pl.ds(0, KG)]], xdv, gsem).wait()

        def compute(b):
            pv, qv, xsv, xdv, _, _ = bufs[b]

            def edge(e, carry):
                for j in range(8):
                    sl = pl.ds(16 * j, 16)
                    pv[e, sl] = pv[e, sl] + qv[e, sl]
                xsv[e, :] = xsv[e, :] - xdv[e, :]
                return carry

            lax.fori_loop(0, KG, edge, 0, unroll=2)

        def issue_wb(slot, b):
            pv, _, xsv, _, _, wsem = bufs[b]
            off = base + slot * KG
            pltpu.async_copy(pv, z_hbm.at[pl.ds(off, KG)], wsem)
            pltpu.async_copy(xsv, dx_hbm.at[pl.ds(off, KG)], wsem)

        def wait_wb(b):
            pv, _, xsv, _, _, wsem = bufs[b]
            pltpu.make_async_copy(pv, z_hbm.at[pl.ds(base, KG)], wsem).wait()
            pltpu.make_async_copy(xsv, dx_hbm.at[pl.ds(base, KG)], wsem).wait()

        issue_gathers(0, 0)

        def pair(i, carry):
            slot0 = 2 * i
            wait_gathers(0)

            @pl.when(i >= 1)
            def _():
                wait_wb(1)

            issue_gathers(slot0 + 1, 1)
            compute(0)
            issue_wb(slot0, 0)
            wait_gathers(1)
            wait_wb(0)
            issue_gathers(slot0 + 2, 0)
            compute(1)
            issue_wb(slot0 + 1, 1)
            return carry

        lax.fori_loop(0, (NCH - 1) // 2, pair, 0)
        wait_gathers(0)
        compute(0)
        wait_wb(1)
        issue_wb(NCH - 1, 0)
        wait_wb(0)

    return k(P, Q, copad, src, dst)


def _tc_edge(Z0, DX, w1c, W_e2, b_e2, W_c1, b_c1, W_c2, b_c2):
    BE = 3200

    def body(z_ref, dx_ref, w1c_ref, w2, b2, wc1, bc1, wc2, bc2, he_ref, xe_ref):
        dx = dx_ref[...]
        dist2 = jnp.sum(dx * dx, axis=-1, keepdims=True)
        z = z_ref[...] + dist2 * w1c_ref[...]
        a1 = _silu(z)
        he = _silu(jnp.dot(a1, w2[...], preferred_element_type=jnp.float32) + b2[...])
        t = _silu(jnp.dot(he, wc1[...], preferred_element_type=jnp.float32) + bc1[...])
        coef = jnp.dot(t, wc2[...], preferred_element_type=jnp.float32) + bc2[...]
        he_ref[...] = he
        xe_ref[...] = dx * coef

    return pl.pallas_call(
        body,
        grid=(E // BE,),
        in_specs=[
            pl.BlockSpec((BE, D), lambda i: (i, 0)),
            pl.BlockSpec((BE, 16), lambda i: (i, 0)),
            pl.BlockSpec((1, D), lambda i: (0, 0)),
            pl.BlockSpec((D, D), lambda i: (0, 0)),
            pl.BlockSpec((1, D), lambda i: (0, 0)),
            pl.BlockSpec((D, D), lambda i: (0, 0)),
            pl.BlockSpec((1, D), lambda i: (0, 0)),
            pl.BlockSpec((D, 1), lambda i: (0, 0)),
            pl.BlockSpec((1, 1), lambda i: (0, 0)),
        ],
        out_specs=[
            pl.BlockSpec((BE, D), lambda i: (i, 0)),
            pl.BlockSpec((BE, 16), lambda i: (i, 0)),
        ],
        out_shape=(
            jax.ShapeDtypeStruct((E, D), jnp.float32),
            jax.ShapeDtypeStruct((E, 16), jnp.float32),
        ),
    )(Z0, DX, w1c, W_e2, b_e2, W_c1, b_c1, W_c2, b_c2)


def _sc_scatter(HE, XE, dst, zero_h, zero_x):
    @functools.partial(
        pl.kernel,
        out_type=(
            jax.ShapeDtypeStruct((NC, NP, D), jnp.float32),
            jax.ShapeDtypeStruct((NC, NP, 16), jnp.float32),
        ),
        mesh=_mesh(),
        scratch_types=[
            pltpu.VMEM((KG,), jnp.int32),
            pltpu.VMEM((KG,), jnp.int32),
            pltpu.VMEM((KG, D), jnp.float32),
            pltpu.VMEM((KG, D), jnp.float32),
            pltpu.VMEM((KG, 16), jnp.float32),
            pltpu.VMEM((KG, 16), jnp.float32),
            pltpu.VMEM_SHARED((NP, D), jnp.float32),
            pltpu.VMEM_SHARED((NP, 16), jnp.float32),
            pltpu.SemaphoreType.DMA,
            pltpu.SemaphoreType.DMA,
        ],
        compiler_params=pltpu.CompilerParams(use_tc_tiling_on_sc=False),
    )
    def k(he_hbm, xe_hbm, dst_hbm, zh_hbm, zx_hbm, outh_hbm, outx_hbm,
          idx0, idx1, hev0, hev1, xev0, xev1, acc_h, acc_x, lsem0, lsem1):
        c = lax.axis_index("c")
        s = lax.axis_index("s")
        rs = s * RPT
        pltpu.sync_copy(zh_hbm, acc_h.at[pl.ds(rs, RPT)])
        pltpu.sync_copy(zx_hbm, acc_x.at[pl.ds(rs, RPT)])
        w = c * NS + s
        base = w * EPW
        plsc.subcore_barrier()

        bufs = ((hev0, xev0, idx0, lsem0), (hev1, xev1, idx1, lsem1))

        def issue_loads(slot, b):
            hev, xev, idx_db, lsem = bufs[b]
            off = base + slot * KG
            pltpu.async_copy(he_hbm.at[pl.ds(off, KG)], hev, lsem)
            pltpu.async_copy(xe_hbm.at[pl.ds(off, KG)], xev, lsem)
            pltpu.async_copy(dst_hbm.at[pl.ds(off, KG)], idx_db, lsem)

        def wait_loads(b):
            hev, xev, idx_db, lsem = bufs[b]
            pltpu.make_async_copy(he_hbm.at[pl.ds(base, KG)], hev, lsem).wait()
            pltpu.make_async_copy(xe_hbm.at[pl.ds(base, KG)], xev, lsem).wait()
            pltpu.make_async_copy(dst_hbm.at[pl.ds(base, KG)], idx_db, lsem).wait()

        def scatter(b):
            hev, xev, idx_db, _ = bufs[b]
            pltpu.sync_copy(hev, acc_h.at[idx_db], add=True)
            pltpu.sync_copy(xev, acc_x.at[idx_db], add=True)

        issue_loads(0, 0)

        def pair(i, carry):
            slot0 = 2 * i
            wait_loads(0)
            issue_loads(slot0 + 1, 1)
            scatter(0)
            wait_loads(1)
            issue_loads(slot0 + 2, 0)
            scatter(1)
            return carry

        lax.fori_loop(0, (NCH - 1) // 2, pair, 0)
        wait_loads(0)
        scatter(0)

        plsc.subcore_barrier()
        pltpu.sync_copy(acc_h.at[pl.ds(rs, RPT)], outh_hbm.at[c, pl.ds(rs, RPT)])
        pltpu.sync_copy(acc_x.at[pl.ds(rs, RPT)], outx_hbm.at[c, pl.ds(rs, RPT)])

    return k(HE, XE, dst, zero_h, zero_x)


def _tc_node(feat, coordinate, PH, PX, Wn1a, Wn1b, b_n1, W_n2, b_n2):
    BN = 1000

    def body(f_ref, co_ref, ph, px, wa, wb, b1, w2, b2, h_ref, x_ref):
        hagg = ph[0] + ph[1]
        a = _silu(jnp.dot(f_ref[...], wa[...], preferred_element_type=jnp.float32)
                  + jnp.dot(hagg, wb[...], preferred_element_type=jnp.float32)
                  + b1[...])
        h_ref[...] = jnp.dot(a, w2[...], preferred_element_type=jnp.float32) + b2[...]
        xagg = px[0] + px[1]
        x_ref[...] = co_ref[...] + xagg[:, :3]

    return pl.pallas_call(
        body,
        grid=(N // BN,),
        in_specs=[
            pl.BlockSpec((BN, D), lambda i: (i, 0)),
            pl.BlockSpec((BN, 3), lambda i: (i, 0)),
            pl.BlockSpec((NC, BN, D), lambda i: (0, i, 0)),
            pl.BlockSpec((NC, BN, 16), lambda i: (0, i, 0)),
            pl.BlockSpec((D, D), lambda i: (0, 0)),
            pl.BlockSpec((D, D), lambda i: (0, 0)),
            pl.BlockSpec((1, D), lambda i: (0, 0)),
            pl.BlockSpec((D, D), lambda i: (0, 0)),
            pl.BlockSpec((1, D), lambda i: (0, 0)),
        ],
        out_specs=[
            pl.BlockSpec((BN, D), lambda i: (i, 0)),
            pl.BlockSpec((BN, 3), lambda i: (i, 0)),
        ],
        out_shape=(
            jax.ShapeDtypeStruct((N, D), jnp.float32),
            jax.ShapeDtypeStruct((N, 3), jnp.float32),
        ),
    )(feat, coordinate, PH, PX, Wn1a, Wn1b, b_n1, W_n2, b_n2)


def kernel(feat, coordinate, edge_index, W_e1, b_e1, W_e2, b_e2,
           W_c1, b_c1, W_c2, b_c2, W_n1, b_n1, W_n2, b_n2):
    src = edge_index[0]
    dst = edge_index[1]
    W1a = W_e1[:D]
    W1b = W_e1[D:2 * D]
    w1c = W_e1[2 * D].reshape(1, D)
    copad = jnp.pad(coordinate, ((0, 0), (0, 13)))

    P, Q = _tc_pq(feat, W1a, W1b, b_e1.reshape(1, D))
    Z0, DX = _sc_gather_combine(P, Q, copad, src, dst)
    HE, XE = _tc_edge(Z0, DX, w1c, W_e2, b_e2.reshape(1, D),
                      W_c1, b_c1.reshape(1, D), W_c2, b_c2.reshape(1, 1))
    zero_h = jnp.zeros((RPT, D), jnp.float32)
    zero_x = jnp.zeros((RPT, 16), jnp.float32)
    PH, PX = _sc_scatter(HE, XE, dst, zero_h, zero_x)

    h_out, x_out = _tc_node(feat, coordinate, PH, PX,
                            W_n1[:D], W_n1[D:], b_n1.reshape(1, D),
                            W_n2, b_n2.reshape(1, D))
    return (h_out, x_out)

# --- scband reference (transcript-rebuilt; emitter-appended) ---
"""Pipeline reference for scband-egnnlayer-13108240187516 (READ-ONLY COPY).

The authoritative reference and input builder live on the scoring server;
editing this copy changes nothing except your own understanding.
"""

import jax, jax.numpy as jnp
import numpy as np

N = 10000
E = 320000
D = 128   # in_features
H = 128   # hidden_features
O = 128   # out_features
S = 3     # space_dimension


def _lin(k, fi, fo):
    return jax.random.normal(k, (fi, fo), dtype=jnp.float32) * (1.0 / np.sqrt(fi))


def setup_inputs(seed: int = 0) -> dict:
    key = jax.random.key(seed)
    ks = jax.random.split(key, 16)
    inp = {}
    inp["feat"] = jax.random.normal(ks[0], (N, D), dtype=jnp.float32)
    inp["coordinate"] = jax.random.normal(ks[1], (N, S), dtype=jnp.float32)
    inp["edge_index"] = jax.random.randint(ks[2], (2, E), 0, N, dtype=jnp.int32)
    # edge_mlp: Linear(2*D+1 -> H), SiLU, Linear(H -> H), SiLU
    inp["W_e1"] = _lin(ks[3], 2 * D + 1, H); inp["b_e1"] = jnp.zeros((H,), jnp.float32)
    inp["W_e2"] = _lin(ks[4], H, H);        inp["b_e2"] = jnp.zeros((H,), jnp.float32)
    # coordinate_mlp: Linear(H -> H), SiLU, Linear(H -> 1)
    inp["W_c1"] = _lin(ks[5], H, H);        inp["b_c1"] = jnp.zeros((H,), jnp.float32)
    inp["W_c2"] = _lin(ks[6], H, 1);        inp["b_c2"] = jnp.zeros((1,), jnp.float32)
    # node_mlp: Linear(H+D -> H), SiLU, Linear(H -> O)
    inp["W_n1"] = _lin(ks[7], H + D, H);    inp["b_n1"] = jnp.zeros((H,), jnp.float32)
    inp["W_n2"] = _lin(ks[8], H, O);        inp["b_n2"] = jnp.zeros((O,), jnp.float32)
    return inp


def reference(feat, coordinate, edge_index, W_e1, b_e1, W_e2, b_e2,
              W_c1, b_c1, W_c2, b_c2, W_n1, b_n1, W_n2, b_n2):
    src = edge_index[0]
    dst = edge_index[1]
    h_src = jnp.take(feat, src, axis=0)
    h_dst = jnp.take(feat, dst, axis=0)
    x_src = jnp.take(coordinate, src, axis=0)
    x_dst = jnp.take(coordinate, dst, axis=0)
    dx = x_src - x_dst
    dist2 = jnp.sum(dx * dx, axis=-1, keepdims=True)
    # edge model (edge_features == 0, no h_e_0 term)
    e_in = jnp.concatenate([h_src, h_dst, dist2], axis=-1)
    h_e = jax.nn.silu(jax.nn.silu(e_in @ W_e1 + b_e1) @ W_e2 + b_e2)
    # coordinate edge model
    coef = jax.nn.silu(h_e @ W_c1 + b_c1) @ W_c2 + b_c2  # [E, 1]
    x_e = dx * coef
    # aggregate coordinate messages to dst and update coordinates
    x_agg = jax.ops.segment_sum(x_e, dst, num_segments=N)
    x_out = coordinate + x_agg
    # aggregate edge features to dst and update node features
    h_agg = jax.ops.segment_sum(h_e, dst, num_segments=N)
    n_in = jnp.concatenate([feat, h_agg], axis=-1)
    h_out = jax.nn.silu(n_in @ W_n1 + b_n1) @ W_n2 + b_n2
    return (h_out, x_out)

if __name__ == "__main__":
    import jax
    _d = setup_inputs()
    print(jax.jit(kernel)(*tuple(_d.values())))

</pallas_src>

<mosaic_0001>
#map = affine_map<(d0, d1) -> (0, 0)>
#map1 = affine_map<(d0, d1) -> (0)>
module attributes {stable_mosaic.version = 14 : i64} {
  func.func @k(%arg0: i32, %arg1: i32, %arg2: memref<10000x128xf32, #tpu.memory_space<hbm>>, %arg3: memref<10000x128xf32, #tpu.memory_space<hbm>>, %arg4: memref<10000x16xf32, #tpu.memory_space<hbm>>, %arg5: memref<320000xi32, #tpu.memory_space<hbm>>, %arg6: memref<320000xi32, #tpu.memory_space<hbm>>, %arg7: memref<320000x128xf32, #tpu.memory_space<hbm>>, %arg8: memref<320000x16xf32, #tpu.memory_space<hbm>>, %arg9: memref<10000xi32, #tpu.memory_space<vmem>>, %arg10: memref<10000xi32, #tpu.memory_space<vmem>>, %arg11: memref<80x128xf32, #tpu.memory_space<vmem>>, %arg12: memref<80x128xf32, #tpu.memory_space<vmem>>, %arg13: memref<80x16xf32, #tpu.memory_space<vmem>>, %arg14: memref<80x16xf32, #tpu.memory_space<vmem>>, %arg15: memref<80x128xf32, #tpu.memory_space<vmem>>, %arg16: memref<80x128xf32, #tpu.memory_space<vmem>>, %arg17: memref<80x16xf32, #tpu.memory_space<vmem>>, %arg18: memref<80x16xf32, #tpu.memory_space<vmem>>, %arg19: memref<!tpu.dma_semaphore, #tpu.memory_space<semaphore_mem>>, %arg20: memref<!tpu.dma_semaphore, #tpu.memory_space<semaphore_mem>>, %arg21: memref<!tpu.dma_semaphore, #tpu.memory_space<semaphore_mem>>, %arg22: memref<!tpu.dma_semaphore, #tpu.memory_space<semaphore_mem>>) attributes {dimension_semantics = [#tpu.dimension_semantics<core_parallel>, #tpu.dimension_semantics<subcore_parallel>], iteration_bounds = array<i64: 2, 16>, scalar_prefetch = 0 : i64, scratch_operands = 14 : i64, tpu.core_type = #tpu.core_type<sc_vector_subcore>, window_params = [{transform_indices = #map}, {transform_indices = #map}, {transform_indices = #map}, {transform_indices = #map1}, {transform_indices = #map1}, {transform_indices = #map}, {transform_indices = #map}]} {
    %mul3A = arith.constant 2 : i32
    %mul3A_0 = arith.muli %arg1, %mul3A : i32
    %add3A = arith.addi %mul3A_0, %arg0 : i32
    %mul3A_1 = arith.constant 10000 : i32
    %mul3A_2 = arith.muli %add3A, %mul3A_1 : i32
    "tpu.region"() ({
      %run_scoped3A = tpu.sem_alloc : memref<!tpu.dma_semaphore, #tpu.memory_space<semaphore_mem>>
      %dma_start3A_78 = tpu.memref_slice %arg5[%mul3A_2] : memref<320000xi32, #tpu.memory_space<hbm>> -> memref<10000xi32, #tpu.memory_space<hbm>>
      %dma_start3A_79 = tpu.memref_slice %arg5[%mul3A_2] : memref<320000xi32, #tpu.memory_space<hbm>> -> memref<10000xi32, #tpu.memory_space<hbm>>
      tpu.enqueue_dma source(%dma_start3A_79 : memref<10000xi32, #tpu.memory_space<hbm>>) target(%arg9 : memref<10000xi32, #tpu.memory_space<vmem>>) target_semaphore(%run_scoped3A : memref<!tpu.dma_semaphore, #tpu.memory_space<semaphore_mem>>)
      %dma_wait3A_80 = tpu.memref_slice %arg5[%mul3A_2] : memref<320000xi32, #tpu.memory_space<hbm>> -> memref<10000xi32, #tpu.memory_space<hbm>>
      %dma_wait3A_81 = tpu.memref_slice %arg5[%mul3A_2] : memref<320000xi32, #tpu.memory_space<hbm>> -> memref<10000xi32, #tpu.memory_space<hbm>>
      tpu.wait_dma2 semaphore(%run_scoped3A : memref<!tpu.dma_semaphore, #tpu.memory_space<semaphore_mem>>) src(%dma_wait3A_81 : memref<10000xi32, #tpu.memory_space<hbm>>) dst(%arg9 : memref<10000xi32, #tpu.memory_space<vmem>>)
      tpu.yield
    }) : () -> ()
    "tpu.region"() ({
      %run_scoped3A = tpu.sem_alloc : memref<!tpu.dma_semaphore, #tpu.memory_space<semaphore_mem>>
      %dma_start3A_78 = tpu.memref_slice %arg6[%mul3A_2] : memref<320000xi32, #tpu.memory_space<hbm>> -> memref<10000xi32, #tpu.memory_space<hbm>>
      %dma_start3A_79 = tpu.memref_slice %arg6[%mul3A_2] : memref<320000xi32, #tpu.memory_space<hbm>> -> memref<10000xi32, #tpu.memory_space<hbm>>
      tpu.enqueue_dma source(%dma_start3A_79 : memref<10000xi32, #tpu.memory_space<hbm>>) target(%arg10 : memref<10000xi32, #tpu.memory_space<vmem>>) target_semaphore(%run_scoped3A : memref<!tpu.dma_semaphore, #tpu.memory_space<semaphore_mem>>)
      %dma_wait3A_80 = tpu.memref_slice %arg6[%mul3A_2] : memref<320000xi32, #tpu.memory_space<hbm>> -> memref<10000xi32, #tpu.memory_space<hbm>>
      %dma_wait3A_81 = tpu.memref_slice %arg6[%mul3A_2] : memref<320000xi32, #tpu.memory_space<hbm>> -> memref<10000xi32, #tpu.memory_space<hbm>>
      tpu.wait_dma2 semaphore(%run_scoped3A : memref<!tpu.dma_semaphore, #tpu.memory_space<semaphore_mem>>) src(%dma_wait3A_81 : memref<10000xi32, #tpu.memory_space<hbm>>) dst(%arg10 : memref<10000xi32, #tpu.memory_space<vmem>>)
      tpu.yield
    }) : () -> ()
    %dma_start3A = arith.constant 0 : i32
    %dma_start3A_3 = tpu.memref_slice %arg9[%dma_start3A] : memref<10000xi32, #tpu.memory_space<vmem>> -> memref<80xi32, #tpu.memory_space<vmem>>
    %dma_start3A_4 = arith.constant 0 : i32
    %dma_start3A_5 = arith.constant 0 : i32
    %dma_start3A_6 = tpu.memref_slice %arg2[%dma_start3A_4, %dma_start3A_5] : memref<10000x128xf32, #tpu.memory_space<hbm>> -> memref<10000x128xf32, #tpu.memory_space<hbm>>
    tpu.enqueue_indirect_dma source(%dma_start3A_6 : memref<10000x128xf32, #tpu.memory_space<hbm>>) target(%arg11 : memref<80x128xf32, #tpu.memory_space<vmem>>) offsets(%dma_start3A_3 : memref<80xi32, #tpu.memory_space<vmem>>) semaphore(%arg19 : memref<!tpu.dma_semaphore, #tpu.memory_space<semaphore_mem>>)
    %dma_start3A_7 = arith.constant 0 : i32
    %dma_start3A_8 = tpu.memref_slice %arg10[%dma_start3A_7] : memref<10000xi32, #tpu.memory_space<vmem>> -> memref<80xi32, #tpu.memory_space<vmem>>
    %dma_start3A_9 = arith.constant 0 : i32
    %dma_start3A_10 = arith.constant 0 : i32
    %dma_start3A_11 = tpu.memref_slice %arg3[%dma_start3A_9, %dma_start3A_10] : memref<10000x128xf32, #tpu.memory_space<hbm>> -> memref<10000x128xf32, #tpu.memory_space<hbm>>
    tpu.enqueue_indirect_dma source(%dma_start3A_11 : memref<10000x128xf32, #tpu.memory_space<hbm>>) target(%arg12 : memref<80x128xf32, #tpu.memory_space<vmem>>) offsets(%dma_start3A_8 : memref<80xi32, #tpu.memory_space<vmem>>) semaphore(%arg19 : memref<!tpu.dma_semaphore, #tpu.memory_space<semaphore_mem>>)
    %dma_start3A_12 = arith.constant 0 : i32
    %dma_start3A_13 = tpu.memref_slice %arg9[%dma_start3A_12] : memref<10000xi32, #tpu.memory_space<vmem>> -> memref<80xi32, #tpu.memory_space<vmem>>
    %dma_start3A_14 = arith.constant 0 : i32
    %dma_start3A_15 = arith.constant 0 : i32
    %dma_start3A_16 = tpu.memref_slice %arg4[%dma_start3A_14, %dma_start3A_15] : memref<10000x16xf32, #tpu.memory_space<hbm>> -> memref<10000x16xf32, #tpu.memory_space<hbm>>
    tpu.enqueue_indirect_dma source(%dma_start3A_16 : memref<10000x16xf32, #tpu.memory_space<hbm>>) target(%arg13 : memref<80x16xf32, #tpu.memory_space<vmem>>) offsets(%dma_start3A_13 : memref<80xi32, #tpu.memory_space<vmem>>) semaphore(%arg19 : memref<!tpu.dma_semaphore, #tpu.memory_space<semaphore_mem>>)
    %dma_start3A_17 = arith.constant 0 : i32
    %dma_start3A_18 = tpu.memref_slice %arg10[%dma_start3A_17] : memref<10000xi32, #tpu.memory_space<vmem>> -> memref<80xi32, #tpu.memory_space<vmem>>
    %dma_start3A_19 = arith.constant 0 : i32
    %dma_start3A_20 = arith.constant 0 : i32
    %dma_start3A_21 = tpu.memref_slice %arg4[%dma_start3A_19, %dma_start3A_20] : memref<10000x16xf32, #tpu.memory_space<hbm>> -> memref<10000x16xf32, #tpu.memory_space<hbm>>
    tpu.enqueue_indirect_dma source(%dma_start3A_21 : memref<10000x16xf32, #tpu.memory_space<hbm>>) target(%arg14 : memref<80x16xf32, #tpu.memory_space<vmem>>) offsets(%dma_start3A_18 : memref<80xi32, #tpu.memory_space<vmem>>) semaphore(%arg19 : memref<!tpu.dma_semaphore, #tpu.memory_space<semaphore_mem>>)
    %scan3A = arith.constant 0 : i32
    %scan3A_22 = arith.constant 0 : i32
    %scan3A_23 = arith.constant 62 : i32
    %scan3A_24 = arith.addi %scan3A_22, %scan3A_23 : i32
    %scan3A_25 = arith.constant 1 : i32
    scf.for %scan3A_78 = %scan3A_22 to %scan3A_24 step %scan3A_25  : i32 {
      %mul3A_79 = arith.constant 2 : i32
      %mul3A_80 = arith.muli %mul3A_79, %scan3A_78 : i32
      %dma_wait3A_81 = arith.constant 0 : i32
      %dma_wait3A_82 = tpu.memref_slice %arg9[%dma_wait3A_81] : memref<10000xi32, #tpu.memory_space<vmem>> -> memref<80xi32, #tpu.memory_space<vmem>>
      %dma_wait3A_83 = arith.constant 0 : i32
      %dma_wait3A_84 = arith.constant 0 : i32
      %dma_wait3A_85 = tpu.memref_slice %arg2[%dma_wait3A_83, %dma_wait3A_84] : memref<10000x128xf32, #tpu.memory_space<hbm>> -> memref<10000x128xf32, #tpu.memory_space<hbm>>
      tpu.wait_indirect_dma semaphore(%arg19 : memref<!tpu.dma_semaphore, #tpu.memory_space<semaphore_mem>>) src(%dma_wait3A_85 : memref<10000x128xf32, #tpu.memory_space<hbm>>) dst(%arg11 : memref<80x128xf32, #tpu.memory_space<vmem>>)
      %dma_wait3A_86 = arith.constant 0 : i32
      %dma_wait3A_87 = tpu.memref_slice %arg10[%dma_wait3A_86] : memref<10000xi32, #tpu.memory_space<vmem>> -> memref<80xi32, #tpu.memory_space<vmem>>
      %dma_wait3A_88 = arith.constant 0 : i32
      %dma_wait3A_89 = arith.constant 0 : i32
      %dma_wait3A_90 = tpu.memref_slice %arg3[%dma_wait3A_88, %dma_wait3A_89] : memref<10000x128xf32, #tpu.memory_space<hbm>> -> memref<10000x128xf32, #tpu.memory_space<hbm>>
      tpu.wait_indirect_dma semaphore(%arg19 : memref<!tpu.dma_semaphore, #tpu.memory_space<semaphore_mem>>) src(%dma_wait3A_90 : memref<10000x128xf32, #tpu.memory_space<hbm>>) dst(%arg12 : memref<80x128xf32, #tpu.memory_space<vmem>>)
      %dma_wait3A_91 = arith.constant 0 : i32
      %dma_wait3A_92 = tpu.memref_slice %arg9[%dma_wait3A_91] : memref<10000xi32, #tpu.memory_space<vmem>> -> memref<80xi32, #tpu.memory_space<vmem>>
      %dma_wait3A_93 = arith.constant 0 : i32
      %dma_wait3A_94 = arith.constant 0 : i32
      %dma_wait3A_95 = tpu.memref_slice %arg4[%dma_wait3A_93, %dma_wait3A_94] : memref<10000x16xf32, #tpu.memory_space<hbm>> -> memref<10000x16xf32, #tpu.memory_space<hbm>>
      tpu.wait_indirect_dma semaphore(%arg19 : memref<!tpu.dma_semaphore, #tpu.memory_space<semaphore_mem>>) src(%dma_wait3A_95 : memref<10000x16xf32, #tpu.memory_space<hbm>>) dst(%arg13 : memref<80x16xf32, #tpu.memory_space<vmem>>)
      %dma_wait3A_96 = arith.constant 0 : i32
      %dma_wait3A_97 = tpu.memref_slice %arg10[%dma_wait3A_96] : memref<10000xi32, #tpu.memory_space<vmem>> -> memref<80xi32, #tpu.memory_space<vmem>>
      %dma_wait3A_98 = arith.constant 0 : i32
      %dma_wait3A_99 = arith.constant 0 : i32
      %dma_wait3A_100 = tpu.memref_slice %arg4[%dma_wait3A_98, %dma_wait3A_99] : memref<10000x16xf32, #tpu.memory_space<hbm>> -> memref<10000x16xf32, #tpu.memory_space<hbm>>
      tpu.wait_indirect_dma semaphore(%arg19 : memref<!tpu.dma_semaphore, #tpu.memory_space<semaphore_mem>>) src(%dma_wait3A_100 : memref<10000x16xf32, #tpu.memory_space<hbm>>) dst(%arg14 : memref<80x16xf32, #tpu.memory_space<vmem>>)
      %ge3A = arith.constant 1 : i32
      %ge3A_101 = arith.cmpi sge, %scan3A_78, %ge3A : i32
      %convert_element_type3A = arith.extui %ge3A_101 : i1 to i32
      %cond3A = arith.constant 0 : i32
      %cond3A_102 = arith.cmpi ne, %convert_element_type3A, %cond3A : i32
      scf.if %cond3A_102 {
        %dma_wait3A_211 = arith.constant 0 : i32
        %dma_wait3A_212 = tpu.memref_slice %arg7[%mul3A_2, %dma_wait3A_211] : memref<320000x128xf32, #tpu.memory_space<hbm>> -> memref<80x128xf32, #tpu.memory_space<hbm>>
        %dma_wait3A_213 = arith.constant 0 : i32
        %dma_wait3A_214 = tpu.memref_slice %arg7[%mul3A_2, %dma_wait3A_213] : memref<320000x128xf32, #tpu.memory_space<hbm>> -> memref<80x128xf32, #tpu.memory_space<hbm>>
        tpu.wait_dma2 semaphore(%arg22 : memref<!tpu.dma_semaphore, #tpu.memory_space<semaphore_mem>>) src(%arg15 : memref<80x128xf32, #tpu.memory_space<vmem>>) dst(%dma_wait3A_214 : memref<80x128xf32, #tpu.memory_space<hbm>>)
        %dma_wait3A_215 = arith.constant 0 : i32
        %dma_wait3A_216 = tpu.memref_slice %arg8[%mul3A_2, %dma_wait3A_215] : memref<320000x16xf32, #tpu.memory_space<hbm>> -> memref<80x16xf32, #tpu.memory_space<hbm>>
        %dma_wait3A_217 = arith.constant 0 : i32
        %dma_wait3A_218 = tpu.memref_slice %arg8[%mul3A_2, %dma_wait3A_217] : memref<320000x16xf32, #tpu.memory_space<hbm>> -> memref<80x16xf32, #tpu.memory_space<hbm>>
        tpu.wait_dma2 semaphore(%arg22 : memref<!tpu.dma_semaphore, #tpu.memory_space<semaphore_mem>>) src(%arg17 : memref<80x16xf32, #tpu.memory_space<vmem>>) dst(%dma_wait3A_218 : memref<80x16xf32, #tpu.memory_space<hbm>>)
      } else {
      }
      %add3A_103 = arith.constant 1 : i32
      %add3A_104 = arith.addi %mul3A_80, %add3A_103 : i32
      %mul3A_105 = arith.constant 80 : i32
      %mul3A_106 = arith.muli %add3A_104, %mul3A_105 : i32
      %mul3A_107 = arith.constant 80 : i32
      %mul3A_108 = arith.muli %add3A_104, %mul3A_107 : i32
      %dma_start3A_109 = tpu.memref_slice %arg9[%mul3A_106] : memref<10000xi32, #tpu.memory_space<vmem>> -> memref<80xi32, #tpu.memory_space<vmem>>
      %dma_start3A_110 = arith.constant 0 : i32
      %dma_start3A_111 = arith.constant 0 : i32
      %dma_start3A_112 = tpu.memref_slice %arg2[%dma_start3A_110, %dma_start3A_111] : memref<10000x128xf32, #tpu.memory_space<hbm>> -> memref<10000x128xf32, #tpu.memory_space<hbm>>
      tpu.enqueue_indirect_dma source(%dma_start3A_112 : memref<10000x128xf32, #tpu.memory_space<hbm>>) target(%arg15 : memref<80x128xf32, #tpu.memory_space<vmem>>) offsets(%dma_start3A_109 : memref<80xi32, #tpu.memory_space<vmem>>) semaphore(%arg20 : memref<!tpu.dma_semaphore, #tpu.memory_space<semaphore_mem>>)
      %dma_start3A_113 = tpu.memref_slice %arg10[%mul3A_108] : memref<10000xi32, #tpu.memory_space<vmem>> -> memref<80xi32, #tpu.memory_space<vmem>>
      %dma_start3A_114 = arith.constant 0 : i32
      %dma_start3A_115 = arith.constant 0 : i32
      %dma_start3A_116 = tpu.memref_slice %arg3[%dma_start3A_114, %dma_start3A_115] : memref<10000x128xf32, #tpu.memory_space<hbm>> -> memref<10000x128xf32, #tpu.memory_space<hbm>>
      tpu.enqueue_indirect_dma source(%dma_start3A_116 : memref<10000x128xf32, #tpu.memory_space<hbm>>) target(%arg16 : memref<80x128xf32, #tpu.memory_space<vmem>>) offsets(%dma_start3A_113 : memref<80xi32, #tpu.memory_space<vmem>>) semaphore(%arg20 : memref<!tpu.dma_semaphore, #tpu.memory_space<semaphore_mem>>)
      %dma_start3A_117 = tpu.memref_slice %arg9[%mul3A_106] : memref<10000xi32, #tpu.memory_space<vmem>> -> memref<80xi32, #tpu.memory_space<vmem>>
      %dma_start3A_118 = arith.constant 0 : i32
      %dma_start3A_119 = arith.constant 0 : i32
      %dma_start3A_120 = tpu.memref_slice %arg4[%dma_start3A_118, %dma_start3A_119] : memref<10000x16xf32, #tpu.memory_space<hbm>> -> memref<10000x16xf32, #tpu.memory_space<hbm>>
      tpu.enqueue_indirect_dma source(%dma_start3A_120 : memref<10000x16xf32, #tpu.memory_space<hbm>>) target(%arg17 : memref<80x16xf32, #tpu.memory_space<vmem>>) offsets(%dma_start3A_117 : memref<80xi32, #tpu.memory_space<vmem>>) semaphore(%arg20 : memref<!tpu.dma_semaphore, #tpu.memory_space<semaphore_mem>>)
      %dma_start3A_121 = tpu.memref_slice %arg10[%mul3A_108] : memref<10000xi32, #tpu.memory_space<vmem>> -> memref<80xi32, #tpu.memory_space<vmem>>
      %dma_start3A_122 = arith.constant 0 : i32
      %dma_start3A_123 = arith.constant 0 : i32
      %dma_start3A_124 = tpu.memref_slice %arg4[%dma_start3A_122, %dma_start3A_123] : memref<10000x16xf32, #tpu.memory_space<hbm>> -> memref<10000x16xf32, #tpu.memory_space<hbm>>
      tpu.enqueue_indirect_dma source(%dma_start3A_124 : memref<10000x16xf32, #tpu.memory_space<hbm>>) target(%arg18 : memref<80x16xf32, #tpu.memory_space<vmem>>) offsets(%dma_start3A_121 : memref<80xi32, #tpu.memory_space<vmem>>) semaphore(%arg20 : memref<!tpu.dma_semaphore, #tpu.memory_space<semaphore_mem>>)
      %scan3A_125 = arith.constant 0 : i32
      %scan3A_126 = arith.constant 0 : i32
      %scan3A_127 = arith.constant 80 : i32
      %scan3A_128 = arith.addi %scan3A_126, %scan3A_127 : i32
      %scan3A_129 = arith.constant 2 : i32
      scf.for %scan3A_211 = %scan3A_126 to %scan3A_128 step %scan3A_129  : i32 {
        %get3A = arith.index_cast %scan3A_211 : i32 to index
        %get3A_212 = arith.constant 0 : index
        %get3A_213 = tpu.vector_load %arg11[%get3A, %get3A_212] {strides = array<i32>} : memref<80x128xf32, #tpu.memory_space<vmem>>, vector<1x16xf32>,
        %get3A_214 = vector.shape_cast %get3A_213 : vector<1x16xf32> to vector<16xf32>
        %get3A_215 = arith.index_cast %scan3A_211 : i32 to index
        %get3A_216 = arith.constant 0 : index
        %get3A_217 = tpu.vector_load %arg12[%get3A_215, %get3A_216] {strides = array<i32>} : memref<80x128xf32, #tpu.memory_space<vmem>>, vector<1x16xf32>,
        %get3A_218 = vector.shape_cast %get3A_217 : vector<1x16xf32> to vector<16xf32>
        %add3A_219 = arith.addf %get3A_214, %get3A_218 : vector<16xf32>
        %swap3A = arith.index_cast %scan3A_211 : i32 to index
        %swap3A_220 = arith.constant 0 : index
        %swap3A_221 = tpu.vector_load %arg11[%swap3A, %swap3A_220] {strides = array<i32>} : memref<80x128xf32, #tpu.memory_space<vmem>>, vector<1x16xf32>,
        %swap3A_222 = vector.shape_cast %swap3A_221 : vector<1x16xf32> to vector<16xf32>
        %swap3A_223 = vector.shape_cast %add3A_219 : vector<16xf32> to vector<1x16xf32>
        tpu.vector_store %arg11[%swap3A, %swap3A_220], %swap3A_223 {strides = array<i32>} : memref<80x128xf32, #tpu.memory_space<vmem>>, vector<1x16xf32>,
        %get3A_224 = arith.index_cast %scan3A_211 : i32 to index
        %get3A_225 = arith.constant 16 : index
        %get3A_226 = tpu.vector_load %arg11[%get3A_224, %get3A_225] {strides = array<i32>} : memref<80x128xf32, #tpu.memory_space<vmem>>, vector<1x16xf32>,
        %get3A_227 = vector.shape_cast %get3A_226 : vector<1x16xf32> to vector<16xf32>
        %get3A_228 = arith.index_cast %scan3A_211 : i32 to index
        %get3A_229 = arith.constant 16 : index
        %get3A_230 = tpu.vector_load %arg12[%get3A_228, %get3A_229] {strides = array<i32>} : memref<80x128xf32, #tpu.memory_space<vmem>>, vector<1x16xf32>,
        %get3A_231 = vector.shape_cast %get3A_230 : vector<1x16xf32> to vector<16xf32>
        %add3A_232 = arith.addf %get3A_227, %get3A_231 : vector<16xf32>
        %swap3A_233 = arith.index_cast %scan3A_211 : i32 to index
        %swap3A_234 = arith.constant 16 : index
        %swap3A_235 = tpu.vector_load %arg11[%swap3A_233, %swap3A_234] {strides = array<i32>} : memref<80x128xf32, #tpu.memory_space<vmem>>, vector<1x16xf32>,
        %swap3A_236 = vector.shape_cast %swap3A_235 : vector<1x16xf32> to vector<16xf32>
        %swap3A_237 = vector.shape_cast %add3A_232 : vector<16xf32> to vector<1x16xf32>
        tpu.vector_store %arg11[%swap3A_233, %swap3A_234], %swap3A_237 {strides = array<i32>} : memref<80x128xf32, #tpu.memory_space<vmem>>, vector<1x16xf32>,
        %get3A_238 = arith.index_cast %scan3A_211 : i32 to index
        %get3A_239 = arith.constant 32 : index
        %get3A_240 = tpu.vector_load %arg11[%get3A_238, %get3A_239] {strides = array<i32>} : memref<80x128xf32, #tpu.memory_space<vmem>>, vector<1x16xf32>,
        %get3A_241 = vector.shape_cast %get3A_240 : vector<1x16xf32> to vector<16xf32>
        %get3A_242 = arith.index_cast %scan3A_211 : i32 to index
        %get3A_243 = arith.constant 32 : index
        %get3A_244 = tpu.vector_load %arg12[%get3A_242, %get3A_243] {strides = array<i32>} : memref<80x128xf32, #tpu.memory_space<vmem>>, vector<1x16xf32>,
        %get3A_245 = vector.shape_cast %get3A_244 : vector<1x16xf32> to vector<16xf32>
        %add3A_246 = arith.addf %get3A_241, %get3A_245 : vector<16xf32>
        %swap3A_247 = arith.index_cast %scan3A_211 : i32 to index
        %swap3A_248 = arith.constant 32 : index
        %swap3A_249 = tpu.vector_load %arg11[%swap3A_247, %swap3A_248] {strides = array<i32>} : memref<80x128xf32, #tpu.memory_space<vmem>>, vector<1x16xf32>,
        %swap3A_250 = vector.shape_cast %swap3A_249 : vector<1x16xf32> to vector<16xf32>
        %swap3A_251 = vector.shape_cast %add3A_246 : vector<16xf32> to vector<1x16xf32>
        tpu.vector_store %arg11[%swap3A_247, %swap3A_248], %swap3A_251 {strides = array<i32>} : memref<80x128xf32, #tpu.memory_space<vmem>>, vector<1x16xf32>,
        %get3A_252 = arith.index_cast %scan3A_211 : i32 to index
        %get3A_253 = arith.constant 48 : index
        %get3A_254 = tpu.vector_load %arg11[%get3A_252, %get3A_253] {strides = array<i32>} : memref<80x128xf32, #tpu.memory_space<vmem>>, vector<1x16xf32>,
        %get3A_255 = vector.shape_cast %get3A_254 : vector<1x16xf32> to vector<16xf32>
        %get3A_256 = arith.index_cast %scan3A_211 : i32 to index
        %get3A_257 = arith.constant 48 : index
        %get3A_258 = tpu.vector_load %arg12[%get3A_256, %get3A_257] {strides = array<i32>} : memref<80x128xf32, #tpu.memory_space<vmem>>, vector<1x16xf32>,
        %get3A_259 = vector.shape_cast %get3A_258 : vector<1x16xf32> to vector<16xf32>
        %add3A_260 = arith.addf %get3A_255, %get3A_259 : vector<16xf32>
        %swap3A_261 = arith.index_cast %scan3A_211 : i32 to index
        %swap3A_262 = arith.constant 48 : index
        %swap3A_263 = tpu.vector_load %arg11[%swap3A_261, %swap3A_262] {strides = array<i32>} : memref<80x128xf32, #tpu.memory_space<vmem>>, vector<1x16xf32>,
        %swap3A_264 = vector.shape_cast %swap3A_263 : vector<1x16xf32> to vector<16xf32>
        %swap3A_265 = vector.shape_cast %add3A_260 : vector<16xf32> to vector<1x16xf32>
        tpu.vector_store %arg11[%swap3A_261, %swap3A_262], %swap3A_265 {strides = array<i32>} : memref<80x128xf32, #tpu.memory_space<vmem>>, vector<1x16xf32>,
        %get3A_266 = arith.index_cast %scan3A_211 : i32 to index
        %get3A_267 = arith.constant 64 : index
        %get3A_268 = tpu.vector_load %arg11[%get3A_266, %get3A_267] {strides = array<i32>} : memref<80x128xf32, #tpu.memory_space<vmem>>, vector<1x16xf32>,
        %get3A_269 = vector.shape_cast %get3A_268 : vector<1x16xf32> to vector<16xf32>
        %get3A_270 = arith.index_cast %scan3A_211 : i32 to index
        %get3A_271 = arith.constant 64 : index
        %get3A_272 = tpu.vector_load %arg12[%get3A_270, %get3A_271] {strides = array<i32>} : memref<80x128xf32, #tpu.memory_space<vmem>>, vector<1x16xf32>,
        %get3A_273 = vector.shape_cast %get3A_272 : vector<1x16xf32> to vector<16xf32>
        %add3A_274 = arith.addf %get3A_269, %get3A_273 : vector<16xf32>
        %swap3A_275 = arith.index_cast %scan3A_211 : i32 to index
        %swap3A_276 = arith.constant 64 : index
        %swap3A_277 = tpu.vector_load %arg11[%swap3A_275, %swap3A_276] {strides = array<i32>} : memref<80x128xf32, #tpu.memory_space<vmem>>, vector<1x16xf32>,
        %swap3A_278 = vector.shape_cast %swap3A_277 : vector<1x16xf32> to vector<16xf32>
        %swap3A_279 = vector.shape_cast %add3A_274 : vector<16xf32> to vector<1x16xf32>
        tpu.vector_store %arg11[%swap3A_275, %swap3A_276], %swap3A_279 {strides = array<i32>} : memref<80x128xf32, #tpu.memory_space<vmem>>, vector<1x16xf32>,
        %get3A_280 = arith.index_cast %scan3A_211 : i32 to index
        %get3A_281 = arith.constant 80 : index
        %get3A_282 = tpu.vector_load %arg11[%get3A_280, %get3A_281] {strides = array<i32>} : memref<80x128xf32, #tpu.memory_space<vmem>>, vector<1x16xf32>,
        %get3A_283 = vector.shape_cast %get3A_282 : vector<1x16xf32> to vector<16xf32>
        %get3A_284 = arith.index_cast %scan3A_211 : i32 to index
        %get3A_285 = arith.constant 80 : index
        %get3A_286 = tpu.vector_load %arg12[%get3A_284, %get3A_285] {strides = array<i32>} : memref<80x128xf32, #tpu.memory_space<vmem>>, vector<1x16xf32>,
        %get3A_287 = vector.shape_cast %get3A_286 : vector<1x16xf32> to vector<16xf32>
        %add3A_288 = arith.addf %get3A_283, %get3A_287 : vector<16xf32>
        %swap3A_289 = arith.index_cast %scan3A_211 : i32 to index
        %swap3A_290 = arith.constant 80 : index
        %swap3A_291 = tpu.vector_load %arg11[%swap3A_289, %swap3A_290] {strides = array<i32>} : memref<80x128xf32, #tpu.memory_space<vmem>>, vector<1x16xf32>,
        %swap3A_292 = vector.shape_cast %swap3A_291 : vector<1x16xf32> to vector<16xf32>
        %swap3A_293 = vector.shape_cast %add3A_288 : vector<16xf32> to vector<1x16xf32>
        tpu.vector_store %arg11[%swap3A_289, %swap3A_290], %swap3A_293 {strides = array<i32>} : memref<80x128xf32, #tpu.memory_space<vmem>>, vector<1x16xf32>,
        %get3A_294 = arith.index_cast %scan3A_211 : i32 to index
        %get3A_295 = arith.constant 96 : index
        %get3A_296 = tpu.vector_load %arg11[%get3A_294, %get3A_295] {strides = array<i32>} : memref<80x128xf32, #tpu.memory_space<vmem>>, vector<1x16xf32>,
        %get3A_297 = vector.shape_cast %get3A_296 : vector<1x16xf32> to vector<16xf32>
        %get3A_298 = arith.index_cast %scan3A_211 : i32 to index
        %get3A_299 = arith.constant 96 : index
        %get3A_300 = tpu.vector_load %arg12[%get3A_298, %get3A_299] {strides = array<i32>} : memref<80x128xf32, #tpu.memory_space<vmem>>, vector<1x16xf32>,
        %get3A_301 = vector.shape_cast %get3A_300 : vector<1x16xf32> to vector<16xf32>
        %add3A_302 = arith.addf %get3A_297, %get3A_301 : vector<16xf32>
        %swap3A_303 = arith.index_cast %scan3A_211 : i32 to index
        %swap3A_304 = arith.constant 96 : index
        %swap3A_305 = tpu.vector_load %arg11[%swap3A_303, %swap3A_304] {strides = array<i32>} : memref<80x128xf32, #tpu.memory_space<vmem>>, vector<1x16xf32>,
        %swap3A_306 = vector.shape_cast %swap3A_305 : vector<1x16xf32> to vector<16xf32>
        %swap3A_307 = vector.shape_cast %add3A_302 : vector<16xf32> to vector<1x16xf32>
        tpu.vector_store %arg11[%swap3A_303, %swap3A_304], %swap3A_307 {strides = array<i32>} : memref<80x128xf32, #tpu.memory_space<vmem>>, vector<1x16xf32>,
        %get3A_308 = arith.index_cast %scan3A_211 : i32 to index
        %get3A_309 = arith.constant 112 : index
        %get3A_310 = tpu.vector_load %arg11[%get3A_308, %get3A_309] {strides = array<i32>} : memref<80x128xf32, #tpu.memory_space<vmem>>, vector<1x16xf32>,
        %get3A_311 = vector.shape_cast %get3A_310 : vector<1x16xf32> to vector<16xf32>
        %get3A_312 = arith.index_cast %scan3A_211 : i32 to index
        %get3A_313 = arith.constant 112 : index
        %get3A_314 = tpu.vector_load %arg12[%get3A_312, %get3A_313] {strides = array<i32>} : memref<80x128xf32, #tpu.memory_space<vmem>>, vector<1x16xf32>,
        %get3A_315 = vector.shape_cast %get3A_314 : vector<1x16xf32> to vector<16xf32>
        %add3A_316 = arith.addf %get3A_311, %get3A_315 : vector<16xf32>
        %swap3A_317 = arith.index_cast %scan3A_211 : i32 to index
        %swap3A_318 = arith.constant 112 : index
        %swap3A_319 = tpu.vector_load %arg11[%swap3A_317, %swap3A_318] {strides = array<i32>} : memref<80x128xf32, #tpu.memory_space<vmem>>, vector<1x16xf32>,
        %swap3A_320 = vector.shape_cast %swap3A_319 : vector<1x16xf32> to vector<16xf32>
        %swap3A_321 = vector.shape_cast %add3A_316 : vector<16xf32> to vector<1x16xf32>
        tpu.vector_store %arg11[%swap3A_317, %swap3A_318], %swap3A_321 {strides = array<i32>} : memref<80x128xf32, #tpu.memory_space<vmem>>, vector<1x16xf32>,
        %get3A_322 = arith.index_cast %scan3A_211 : i32 to index
        %get3A_323 = arith.constant 0 : index
        %get3A_324 = tpu.vector_load %arg13[%get3A_322, %get3A_323] {strides = array<i32>} : memref<80x16xf32, #tpu.memory_space<vmem>>, vector<1x16xf32>,
        %get3A_325 = vector.shape_cast %get3A_324 : vector<1x16xf32> to vector<16xf32>
        %get3A_326 = arith.index_cast %scan3A_211 : i32 to index
        %get3A_327 = arith.constant 0 : index
        %get3A_328 = tpu.vector_load %arg14[%get3A_326, %get3A_327] {strides = array<i32>} : memref<80x16xf32, #tpu.memory_space<vmem>>, vector<1x16xf32>,
        %get3A_329 = vector.shape_cast %get3A_328 : vector<1x16xf32> to vector<16xf32>
        %sub3A = arith.subf %get3A_325, %get3A_329 : vector<16xf32>
        %swap3A_330 = arith.index_cast %scan3A_211 : i32 to index
        %swap3A_331 = arith.constant 0 : index
        %swap3A_332 = tpu.vector_load %arg13[%swap3A_330, %swap3A_331] {strides = array<i32>} : memref<80x16xf32, #tpu.memory_space<vmem>>, vector<1x16xf32>,
        %swap3A_333 = vector.shape_cast %swap3A_332 : vector<1x16xf32> to vector<16xf32>
        %swap3A_334 = vector.shape_cast %sub3A : vector<16xf32> to vector<1x16xf32>
        tpu.vector_store %arg13[%swap3A_330, %swap3A_331], %swap3A_334 {strides = array<i32>} : memref<80x16xf32, #tpu.memory_space<vmem>>, vector<1x16xf32>,
        %scan3A_335 = arith.constant 1 : i32
        %scan3A_336 = arith.addi %scan3A_211, %scan3A_335 : i32
        %get3A_337 = arith.index_cast %scan3A_336 : i32 to index
        %get3A_338 = arith.constant 0 : index
        %get3A_339 = tpu.vector_load %arg11[%get3A_337, %get3A_338] {strides = array<i32>} : memref<80x128xf32, #tpu.memory_space<vmem>>, vector<1x16xf32>,
        %get3A_340 = vector.shape_cast %get3A_339 : vector<1x16xf32> to vector<16xf32>
        %get3A_341 = arith.index_cast %scan3A_336 : i32 to index
        %get3A_342 = arith.constant 0 : index
        %get3A_343 = tpu.vector_load %arg12[%get3A_341, %get3A_342] {strides = array<i32>} : memref<80x128xf32, #tpu.memory_space<vmem>>, vector<1x16xf32>,
        %get3A_344 = vector.shape_cast %get3A_343 : vector<1x16xf32> to vector<16xf32>
        %add3A_345 = arith.addf %get3A_340, %get3A_344 : vector<16xf32>
        %swap3A_346 = arith.index_cast %scan3A_336 : i32 to index
        %swap3A_347 = arith.constant 0 : index
        %swap3A_348 = tpu.vector_load %arg11[%swap3A_346, %swap3A_347] {strides = array<i32>} : memref<80x128xf32, #tpu.memory_space<vmem>>, vector<1x16xf32>,
        %swap3A_349 = vector.shape_cast %swap3A_348 : vector<1x16xf32> to vector<16xf32>
        %swap3A_350 = vector.shape_cast %add3A_345 : vector<16xf32> to vector<1x16xf32>
        tpu.vector_store %arg11[%swap3A_346, %swap3A_347], %swap3A_350 {strides = array<i32>} : memref<80x128xf32, #tpu.memory_space<vmem>>, vector<1x16xf32>,
        %get3A_351 = arith.index_cast %scan3A_336 : i32 to index
        %get3A_352 = arith.constant 16 : index
        %get3A_353 = tpu.vector_load %arg11[%get3A_351, %get3A_352] {strides = array<i32>} : memref<80x128xf32, #tpu.memory_space<vmem>>, vector<1x16xf32>,
        %get3A_354 = vector.shape_cast %get3A_353 : vector<1x16xf32> to vector<16xf32>
        %get3A_355 = arith.index_cast %scan3A_336 : i32 to index
        %get3A_356 = arith.constant 16 : index
        %get3A_357 = tpu.vector_load %arg12[%get3A_355, %get3A_356] {strides = array<i32>} : memref<80x128xf32, #tpu.memory_space<vmem>>, vector<1x16xf32>,
        %get3A_358 = vector.shape_cast %get3A_357 : vector<1x16xf32> to vector<16xf32>
        %add3A_359 = arith.addf %get3A_354, %get3A_358 : vector<16xf32>
        %swap3A_360 = arith.index_cast %scan3A_336 : i32 to index
        %swap3A_361 = arith.constant 16 : index
        %swap3A_362 = tpu.vector_load %arg11[%swap3A_360, %swap3A_361] {strides = array<i32>} : memref<80x128xf32, #tpu.memory_space<vmem>>, vector<1x16xf32>,
        %swap3A_363 = vector.shape_cast %swap3A_362 : vector<1x16xf32> to vector<16xf32>
        %swap3A_364 = vector.shape_cast %add3A_359 : vector<16xf32> to vector<1x16xf32>
        tpu.vector_store %arg11[%swap3A_360, %swap3A_361], %swap3A_364 {strides = array<i32>} : memref<80x128xf32, #tpu.memory_space<vmem>>, vector<1x16xf32>,
        %get3A_365 = arith.index_cast %scan3A_336 : i32 to index
        %get3A_366 = arith.constant 32 : index
        %get3A_367 = tpu.vector_load %arg11[%get3A_365, %get3A_366] {strides = array<i32>} : memref<80x128xf32, #tpu.memory_space<vmem>>, vector<1x16xf32>,
        %get3A_368 = vector.shape_cast %get3A_367 : vector<1x16xf32> to vector<16xf32>
        %get3A_369 = arith.index_cast %scan3A_336 : i32 to index
        %get3A_370 = arith.constant 32 : index
        %get3A_371 = tpu.vector_load %arg12[%get3A_369, %get3A_370] {strides = array<i32>} : memref<80x128xf32, #tpu.memory_space<vmem>>, vector<1x16xf32>,
        %get3A_372 = vector.shape_cast %get3A_371 : vector<1x16xf32> to vector<16xf32>
        %add3A_373 = arith.addf %get3A_368, %get3A_372 : vector<16xf32>
        %swap3A_374 = arith.index_cast %scan3A_336 : i32 to index
        %swap3A_375 = arith.constant 32 : index
        %swap3A_376 = tpu.vector_load %arg11[%swap3A_374, %swap3A_375] {strides = array<i32>} : memref<80x128xf32, #tpu.memory_space<vmem>>, vector<1x16xf32>,
        %swap3A_377 = vector.shape_cast %swap3A_376 : vector<1x16xf32> to vector<16xf32>
        %swap3A_378 = vector.shape_cast %add3A_373 : vector<16xf32> to vector<1x16xf32>
        tpu.vector_store %arg11[%swap3A_374, %swap3A_375], %swap3A_378 {strides = array<i32>} : memref<80x128xf32, #tpu.memory_space<vmem>>, vector<1x16xf32>,
        %get3A_379 = arith.index_cast %scan3A_336 : i32 to index
        %get3A_380 = arith.constant 48 : index
        %get3A_381 = tpu.vector_load %arg11[%get3A_379, %get3A_380] {strides = array<i32>} : memref<80x128xf32, #tpu.memory_space<vmem>>, vector<1x16xf32>,
        %get3A_382 = vector.shape_cast %get3A_381 : vector<1x16xf32> to vector<16xf32>
        %get3A_383 = arith.index_cast %scan3A_336 : i32 to index
        %get3A_384 = arith.constant 48 : index
        %get3A_385 = tpu.vector_load %arg12[%get3A_383, %get3A_384] {strides = array<i32>} : memref<80x128xf32, #tpu.memory_space<vmem>>, vector<1x16xf32>,
        %get3A_386 = vector.shape_cast %get3A_385 : vector<1x16xf32> to vector<16xf32>
        %add3A_387 = arith.addf %get3A_382, %get3A_386 : vector<16xf32>
        %swap3A_388 = arith.index_cast %scan3A_336 : i32 to index
        %swap3A_389 = arith.constant 48 : index
        %swap3A_390 = tpu.vector_load %arg11[%swap3A_388, %swap3A_389] {strides = array<i32>} : memref<80x128xf32, #tpu.memory_space<vmem>>, vector<1x16xf32>,
        %swap3A_391 = vector.shape_cast %swap3A_390 : vector<1x16xf32> to vector<16xf32>
        %swap3A_392 = vector.shape_cast %add3A_387 : vector<16xf32> to vector<1x16xf32>
        tpu.vector_store %arg11[%swap3A_388, %swap3A_389], %swap3A_392 {strides = array<i32>} : memref<80x128xf32, #tpu.memory_space<vmem>>, vector<1x16xf32>,
        %get3A_393 = arith.index_cast %scan3A_336 : i32 to index
        %get3A_394 = arith.constant 64 : index
        %get3A_395 = tpu.vector_load %arg11[%get3A_393, %get3A_394] {strides = array<i32>} : memref<80x128xf32, #tpu.memory_space<vmem>>, vector<1x16xf32>,
        %get3A_396 = vector.shape_cast %get3A_395 : vector<1x16xf32> to vector<16xf32>
        %get3A_397 = arith.index_cast %scan3A_336 : i32 to index
        %get3A_398 = arith.constant 64 : index
        %get3A_399 = tpu.vector_load %arg12[%get3A_397, %get3A_398] {strides = array<i32>} : memref<80x128xf32, #tpu.memory_space<vmem>>, vector<1x16xf32>,
        %get3A_400 = vector.shape_cast %get3A_399 : vector<1x16xf32> to vector<16xf32>
        %add3A_401 = arith.addf %get3A_396, %get3A_400 : vector<16xf32>
        %swap3A_402 = arith.index_cast %scan3A_336 : i32 to index
        %swap3A_403 = arith.constant 64 : index
        %swap3A_404 = tpu.vector_load %arg11[%swap3A_402, %swap3A_403] {strides = array<i32>} : memref<80x128xf32, #tpu.memory_space<vmem>>, vector<1x16xf32>,
        %swap3A_405 = vector.shape_cast %swap3A_404 : vector<1x16xf32> to vector<16xf32>
        %swap3A_406 = vector.shape_cast %add3A_401 : vector<16xf32> to vector<1x16xf32>
        tpu.vector_store %arg11[%swap3A_402, %swap3A_403], %swap3A_406 {strides = array<i32>} : memref<80x128xf32, #tpu.memory_space<vmem>>, vector<1x16xf32>,
        %get3A_407 = arith.index_cast %scan3A_336 : i32 to index
        %get3A_408 = arith.constant 80 : index
        %get3A_409 = tpu.vector_load %arg11[%get3A_407, %get3A_408] {strides = array<i32>} : memref<80x128xf32, #tpu.memory_space<vmem>>, vector<1x16xf32>,
        %get3A_410 = vector.shape_cast %get3A_409 : vector<1x16xf32> to vector<16xf32>
        %get3A_411 = arith.index_cast %scan3A_336 : i32 to index
        %get3A_412 = arith.constant 80 : index
        %get3A_413 = tpu.vector_load %arg12[%get3A_411, %get3A_412] {strides = array<i32>} : memref<80x128xf32, #tpu.memory_space<vmem>>, vector<1x16xf32>,
        %get3A_414 = vector.shape_cast %get3A_413 : vector<1x16xf32> to vector<16xf32>
        %add3A_415 = arith.addf %get3A_410, %get3A_414 : vector<16xf32>
        %swap3A_416 = arith.index_cast %scan3A_336 : i32 to index
        %swap3A_417 = arith.constant 80 : index
        %swap3A_418 = tpu.vector_load %arg11[%swap3A_416, %swap3A_417] {strides = array<i32>} : memref<80x128xf32, #tpu.memory_space<vmem>>, vector<1x16xf32>,
        %swap3A_419 = vector.shape_cast %swap3A_418 : vector<1x16xf32> to vector<16xf32>
        %swap3A_420 = vector.shape_cast %add3A_415 : vector<16xf32> to vector<1x16xf32>
        tpu.vector_store %arg11[%swap3A_416, %swap3A_417], %swap3A_420 {strides = array<i32>} : memref<80x128xf32, #tpu.memory_space<vmem>>, vector<1x16xf32>,
        %get3A_421 = arith.index_cast %scan3A_336 : i32 to index
        %get3A_422 = arith.constant 96 : index
        %get3A_423 = tpu.vector_load %arg11[%get3A_421, %get3A_422] {strides = array<i32>} : memref<80x128xf32, #tpu.memory_space<vmem>>, vector<1x16xf32>,
        %get3A_424 = vector.shape_cast %get3A_423 : vector<1x16xf32> to vector<16xf32>
        %get3A_425 = arith.index_cast %scan3A_336 : i32 to index
        %get3A_426 = arith.constant 96 : index
        %get3A_427 = tpu.vector_load %arg12[%get3A_425, %get3A_426] {strides = array<i32>} : memref<80x128xf32, #tpu.memory_space<vmem>>, vector<1x16xf32>,
        %get3A_428 = vector.shape_cast %get3A_427 : vector<1x16xf32> to vector<16xf32>
        %add3A_429 = arith.addf %get3A_424, %get3A_428 : vector<16xf32>
        %swap3A_430 = arith.index_cast %scan3A_336 : i32 to index
        %swap3A_431 = arith.constant 96 : index
        %swap3A_432 = tpu.vector_load %arg11[%swap3A_430, %swap3A_431] {strides = array<i32>} : memref<80x128xf32, #tpu.memory_space<vmem>>, vector<1x16xf32>,
        %swap3A_433 = vector.shape_cast %swap3A_432 : vector<1x16xf32> to vector<16xf32>
        %swap3A_434 = vector.shape_cast %add3A_429 : vector<16xf32> to vector<1x16xf32>
        tpu.vector_store %arg11[%swap3A_430, %swap3A_431], %swap3A_434 {strides = array<i32>} : memref<80x128xf32, #tpu.memory_space<vmem>>, vector<1x16xf32>,
        %get3A_435 = arith.index_cast %scan3A_336 : i32 to index
        %get3A_436 = arith.constant 112 : index
        %get3A_437 = tpu.vector_load %arg11[%get3A_435, %get3A_436] {strides = array<i32>} : memref<80x128xf32, #tpu.memory_space<vmem>>, vector<1x16xf32>,
        %get3A_438 = vector.shape_cast %get3A_437 : vector<1x16xf32> to vector<16xf32>
        %get3A_439 = arith.index_cast %scan3A_336 : i32 to index
        %get3A_440 = arith.constant 112 : index
        %get3A_441 = tpu.vector_load %arg12[%get3A_439, %get3A_440] {strides = array<i32>} : memref<80x128xf32, #tpu.memory_space<vmem>>, vector<1x16xf32>,
        %get3A_442 = vector.shape_cast %get3A_441 : vector<1x16xf32> to vector<16xf32>
        %add3A_443 = arith.addf %get3A_438, %get3A_442 : vector<16xf32>
        %swap3A_444 = arith.index_cast %scan3A_336 : i32 to index
        %swap3A_445 = arith.constant 112 : index
        %swap3A_446 = tpu.vector_load %arg11[%swap3A_444, %swap3A_445] {strides = array<i32>} : memref<80x128xf32, #tpu.memory_space<vmem>>, vector<1x16xf32>,
        %swap3A_447 = vector.shape_cast %swap3A_446 : vector<1x16xf32> to vector<16xf32>
        %swap3A_448 = vector.shape_cast %add3A_443 : vector<16xf32> to vector<1x16xf32>
        tpu.vector_store %arg11[%swap3A_444, %swap3A_445], %swap3A_448 {strides = array<i32>} : memref<80x128xf32, #tpu.memory_space<vmem>>, vector<1x16xf32>,
        %get3A_449 = arith.index_cast %scan3A_336 : i32 to index
        %get3A_450 = arith.constant 0 : index
        %get3A_451 = tpu.vector_load %arg13[%get3A_449, %get3A_450] {strides = array<i32>} : memref<80x16xf32, #tpu.memory_space<vmem>>, vector<1x16xf32>,
        %get3A_452 = vector.shape_cast %get3A_451 : vector<1x16xf32> to vector<16xf32>
        %get3A_453 = arith.index_cast %scan3A_336 : i32 to index
        %get3A_454 = arith.constant 0 : index
        %get3A_455 = tpu.vector_load %arg14[%get3A_453, %get3A_454] {strides = array<i32>} : memref<80x16xf32, #tpu.memory_space<vmem>>, vector<1x16xf32>,
        %get3A_456 = vector.shape_cast %get3A_455 : vector<1x16xf32> to vector<16xf32>
        %sub3A_457 = arith.subf %get3A_452, %get3A_456 : vector<16xf32>
        %swap3A_458 = arith.index_cast %scan3A_336 : i32 to index
        %swap3A_459 = arith.constant 0 : index
        %swap3A_460 = tpu.vector_load %arg13[%swap3A_458, %swap3A_459] {strides = array<i32>} : memref<80x16xf32, #tpu.memory_space<vmem>>, vector<1x16xf32>,
        %swap3A_461 = vector.shape_cast %swap3A_460 : vector<1x16xf32> to vector<16xf32>
        %swap3A_462 = vector.shape_cast %sub3A_457 : vector<16xf32> to vector<1x16xf32>
        tpu.vector_store %arg13[%swap3A_458, %swap3A_459], %swap3A_462 {strides = array<i32>} : memref<80x16xf32, #tpu.memory_space<vmem>>, vector<1x16xf32>,
      }
      %scan3A_130 = arith.constant 80 : i32
      %mul3A_131 = arith.constant 80 : i32
      %mul3A_132 = arith.muli %mul3A_80, %mul3A_131 : i32
      %add3A_133 = arith.addi %mul3A_2, %mul3A_132 : i32
      %dma_start3A_134 = arith.constant 0 : i32
      %dma_start3A_135 = tpu.memref_slice %arg7[%add3A_133, %dma_start3A_134] : memref<320000x128xf32, #tpu.memory_space<hbm>> -> memref<80x128xf32, #tpu.memory_space<hbm>>
      %dma_start3A_136 = arith.constant 0 : i32
      %dma_start3A_137 = tpu.memref_slice %arg7[%add3A_133, %dma_start3A_136] : memref<320000x128xf32, #tpu.memory_space<hbm>> -> memref<80x128xf32, #tpu.memory_space<hbm>>
      tpu.enqueue_dma source(%arg11 : memref<80x128xf32, #tpu.memory_space<vmem>>) target(%dma_start3A_137 : memref<80x128xf32, #tpu.memory_space<hbm>>) target_semaphore(%arg21 : memref<!tpu.dma_semaphore, #tpu.memory_space<semaphore_mem>>)
      %dma_start3A_138 = arith.constant 0 : i32
      %dma_start3A_139 = tpu.memref_slice %arg8[%add3A_133, %dma_start3A_138] : memref<320000x16xf32, #tpu.memory_space<hbm>> -> memref<80x16xf32, #tpu.memory_space<hbm>>
      %dma_start3A_140 = arith.constant 0 : i32
      %dma_start3A_141 = tpu.memref_slice %arg8[%add3A_133, %dma_start3A_140] : memref<320000x16xf32, #tpu.memory_space<hbm>> -> memref<80x16xf32, #tpu.memory_space<hbm>>
      tpu.enqueue_dma source(%arg13 : memref<80x16xf32, #tpu.memory_space<vmem>>) target(%dma_start3A_141 : memref<80x16xf32, #tpu.memory_space<hbm>>) target_semaphore(%arg21 : memref<!tpu.dma_semaphore, #tpu.memory_space<semaphore_mem>>)
      %dma_wait3A_142 = arith.constant 0 : i32
      %dma_wait3A_143 = tpu.memref_slice %arg9[%dma_wait3A_142] : memref<10000xi32, #tpu.memory_space<vmem>> -> memref<80xi32, #tpu.memory_space<vmem>>
      %dma_wait3A_144 = arith.constant 0 : i32
      %dma_wait3A_145 = arith.constant 0 : i32
      %dma_wait3A_146 = tpu.memref_slice %arg2[%dma_wait3A_144, %dma_wait3A_145] : memref<10000x128xf32, #tpu.memory_space<hbm>> -> memref<10000x128xf32, #tpu.memory_space<hbm>>
      tpu.wait_indirect_dma semaphore(%arg20 : memref<!tpu.dma_semaphore, #tpu.memory_space<semaphore_mem>>) src(%dma_wait3A_146 : memref<10000x128xf32, #tpu.memory_space<hbm>>) dst(%arg15 : memref<80x128xf32, #tpu.memory_space<vmem>>)
      %dma_wait3A_147 = arith.constant 0 : i32
      %dma_wait3A_148 = tpu.memref_slice %arg10[%dma_wait3A_147] : memref<10000xi32, #tpu.memory_space<vmem>> -> memref<80xi32, #tpu.memory_space<vmem>>
      %dma_wait3A_149 = arith.constant 0 : i32
      %dma_wait3A_150 = arith.constant 0 : i32
      %dma_wait3A_151 = tpu.memref_slice %arg3[%dma_wait3A_149, %dma_wait3A_150] : memref<10000x128xf32, #tpu.memory_space<hbm>> -> memref<10000x128xf32, #tpu.memory_space<hbm>>
      tpu.wait_indirect_dma semaphore(%arg20 : memref<!tpu.dma_semaphore, #tpu.memory_space<semaphore_mem>>) src(%dma_wait3A_151 : memref<10000x128xf32, #tpu.memory_space<hbm>>) dst(%arg16 : memref<80x128xf32, #tpu.memory_space<vmem>>)
      %dma_wait3A_152 = arith.constant 0 : i32
      %dma_wait3A_153 = tpu.memref_slice %arg9[%dma_wait3A_152] : memref<10000xi32, #tpu.memory_space<vmem>> -> memref<80xi32, #tpu.memory_space<vmem>>
      %dma_wait3A_154 = arith.constant 0 : i32
      %dma_wait3A_155 = arith.constant 0 : i32
      %dma_wait3A_156 = tpu.memref_slice %arg4[%dma_wait3A_154, %dma_wait3A_155] : memref<10000x16xf32, #tpu.memory_space<hbm>> -> memref<10000x16xf32, #tpu.memory_space<hbm>>
      tpu.wait_indirect_dma semaphore(%arg20 : memref<!tpu.dma_semaphore, #tpu.memory_space<semaphore_mem>>) src(%dma_wait3A_156 : memref<10000x16xf32, #tpu.memory_space<hbm>>) dst(%arg17 : memref<80x16xf32, #tpu.memory_space<vmem>>)
      %dma_wait3A_157 = arith.constant 0 : i32
      %dma_wait3A_158 = tpu.memref_slice %arg10[%dma_wait3A_157] : memref<10000xi32, #tpu.memory_space<vmem>> -> memref<80xi32, #tpu.memory_space<vmem>>
      %dma_wait3A_159 = arith.constant 0 : i32
      %dma_wait3A_160 = arith.constant 0 : i32
      %dma_wait3A_161 = tpu.memref_slice %arg4[%dma_wait3A_159, %dma_wait3A_160] : memref<10000x16xf32, #tpu.memory_space<hbm>> -> memref<10000x16xf32, #tpu.memory_space<hbm>>
      tpu.wait_indirect_dma semaphore(%arg20 : memref<!tpu.dma_semaphore, #tpu.memory_space<semaphore_mem>>) src(%dma_wait3A_161 : memref<10000x16xf32, #tpu.memory_space<hbm>>) dst(%arg18 : memref<80x16xf32, #tpu.memory_space<vmem>>)
      %dma_wait3A_162 = arith.constant 0 : i32
      %dma_wait3A_163 = tpu.memref_slice %arg7[%mul3A_2, %dma_wait3A_162] : memref<320000x128xf32, #tpu.memory_space<hbm>> -> memref<80x128xf32, #tpu.memory_space<hbm>>
      %dma_wait3A_164 = arith.constant 0 : i32
      %dma_wait3A_165 = tpu.memref_slice %arg7[%mul3A_2, %dma_wait3A_164] : memref<320000x128xf32, #tpu.memory_space<hbm>> -> memref<80x128xf32, #tpu.memory_space<hbm>>
      tpu.wait_dma2 semaphore(%arg21 : memref<!tpu.dma_semaphore, #tpu.memory_space<semaphore_mem>>) src(%arg11 : memref<80x128xf32, #tpu.memory_space<vmem>>) dst(%dma_wait3A_165 : memref<80x128xf32, #tpu.memory_space<hbm>>)
      %dma_wait3A_166 = arith.constant 0 : i32
      %dma_wait3A_167 = tpu.memref_slice %arg8[%mul3A_2, %dma_wait3A_166] : memref<320000x16xf32, #tpu.memory_space<hbm>> -> memref<80x16xf32, #tpu.memory_space<hbm>>
      %dma_wait3A_168 = arith.constant 0 : i32
      %dma_wait3A_169 = tpu.memref_slice %arg8[%mul3A_2, %dma_wait3A_168] : memref<320000x16xf32, #tpu.memory_space<hbm>> -> memref<80x16xf32, #tpu.memory_space<hbm>>
      tpu.wait_dma2 semaphore(%arg21 : memref<!tpu.dma_semaphore, #tpu.memory_space<semaphore_mem>>) src(%arg13 : memref<80x16xf32, #tpu.memory_space<vmem>>) dst(%dma_wait3A_169 : memref<80x16xf32, #tpu.memory_space<hbm>>)
      %add3A_170 = arith.constant 2 : i32
      %add3A_171 = arith.addi %mul3A_80, %add3A_170 : i32
      %mul3A_172 = arith.constant 80 : i32
      %mul3A_173 = arith.muli %add3A_171, %mul3A_172 : i32
      %mul3A_174 = arith.constant 80 : i32
      %mul3A_175 = arith.muli %add3A_171, %mul3A_174 : i32
      %dma_start3A_176 = tpu.memref_slice %arg9[%mul3A_173] : memref<10000xi32, #tpu.memory_space<vmem>> -> memref<80xi32, #tpu.memory_space<vmem>>
      %dma_start3A_177 = arith.constant 0 : i32
      %dma_start3A_178 = arith.constant 0 : i32
      %dma_start3A_179 = tpu.memref_slice %arg2[%dma_start3A_177, %dma_start3A_178] : memref<10000x128xf32, #tpu.memory_space<hbm>> -> memref<10000x128xf32, #tpu.memory_space<hbm>>
      tpu.enqueue_indirect_dma source(%dma_start3A_179 : memref<10000x128xf32, #tpu.memory_space<hbm>>) target(%arg11 : memref<80x128xf32, #tpu.memory_space<vmem>>) offsets(%dma_start3A_176 : memref<80xi32, #tpu.memory_space<vmem>>) semaphore(%arg19 : memref<!tpu.dma_semaphore, #tpu.memory_space<semaphore_mem>>)
      %dma_start3A_180 = tpu.memref_slice %arg10[%mul3A_175] : memref<10000xi32, #tpu.memory_space<vmem>> -> memref<80xi32, #tpu.memory_space<vmem>>
      %dma_start3A_181 = arith.constant 0 : i32
      %dma_start3A_182 = arith.constant 0 : i32
      %dma_start3A_183 = tpu.memref_slice %arg3[%dma_start3A_181, %dma_start3A_182] : memref<10000x128xf32, #tpu.memory_space<hbm>> -> memref<10000x128xf32, #tpu.memory_space<hbm>>
      tpu.enqueue_indirect_dma source(%dma_start3A_183 : memref<10000x128xf32, #tpu.memory_space<hbm>>) target(%arg12 : memref<80x128xf32, #tpu.memory_space<vmem>>) offsets(%dma_start3A_180 : memref<80xi32, #tpu.memory_space<vmem>>) semaphore(%arg19 : memref<!tpu.dma_semaphore, #tpu.memory_space<semaphore_mem>>)
      %dma_start3A_184 = tpu.memref_slice %arg9[%mul3A_173] : memref<10000xi32, #tpu.memory_space<vmem>> -> memref<80xi32, #tpu.memory_space<vmem>>
      %dma_start3A_185 = arith.constant 0 : i32
      %dma_start3A_186 = arith.constant 0 : i32
      %dma_start3A_187 = tpu.memref_slice %arg4[%dma_start3A_185, %dma_start3A_186] : memref<10000x16xf32, #tpu.memory_space<hbm>> -> memref<10000x16xf32, #tpu.memory_space<hbm>>
      tpu.enqueue_indirect_dma source(%dma_start3A_187 : memref<10000x16xf32, #tpu.memory_space<hbm>>) target(%arg13 : memref<80x16xf32, #tpu.memory_space<vmem>>) offsets(%dma_start3A_184 : memref<80xi32, #tpu.memory_space<vmem>>) semaphore(%arg19 : memref<!tpu.dma_semaphore, #tpu.memory_space<semaphore_mem>>)
      %dma_start3A_188 = tpu.memref_slice %arg10[%mul3A_175] : memref<10000xi32, #tpu.memory_space<vmem>> -> memref<80xi32, #tpu.memory_space<vmem>>
      %dma_start3A_189 = arith.constant 0 : i32
      %dma_start3A_190 = arith.constant 0 : i32
      %dma_start3A_191 = tpu.memref_slice %arg4[%dma_start3A_189, %dma_start3A_190] : memref<10000x16xf32, #tpu.memory_space<hbm>> -> memref<10000x16xf32, #tpu.memory_space<hbm>>
      tpu.enqueue_indirect_dma source(%dma_start3A_191 : memref<10000x16xf32, #tpu.memory_space<hbm>>) target(%arg14 : memref<80x16xf32, #tpu.memory_space<vmem>>) offsets(%dma_start3A_188 : memref<80xi32, #tpu.memory_space<vmem>>) semaphore(%arg19 : memref<!tpu.dma_semaphore, #tpu.memory_space<semaphore_mem>>)
      %scan3A_192 = arith.constant 0 : i32
      %scan3A_193 = arith.constant 0 : i32
      %scan3A_194 = arith.constant 80 : i32
      %scan3A_195 = arith.addi %scan3A_193, %scan3A_194 : i32
      %scan3A_196 = arith.constant 2 : i32
      scf.for %scan3A_211 = %scan3A_193 to %scan3A_195 step %scan3A_196  : i32 {
        %get3A = arith.index_cast %scan3A_211 : i32 to index
        %get3A_212 = arith.constant 0 : index
        %get3A_213 = tpu.vector_load %arg15[%get3A, %get3A_212] {strides = array<i32>} : memref<80x128xf32, #tpu.memory_space<vmem>>, vector<1x16xf32>,
        %get3A_214 = vector.shape_cast %get3A_213 : vector<1x16xf32> to vector<16xf32>
        %get3A_215 = arith.index_cast %scan3A_211 : i32 to index
        %get3A_216 = arith.constant 0 : index
        %get3A_217 = tpu.vector_load %arg16[%get3A_215, %get3A_216] {strides = array<i32>} : memref<80x128xf32, #tpu.memory_space<vmem>>, vector<1x16xf32>,
        %get3A_218 = vector.shape_cast %get3A_217 : vector<1x16xf32> to vector<16xf32>
        %add3A_219 = arith.addf %get3A_214, %get3A_218 : vector<16xf32>
        %swap3A = arith.index_cast %scan3A_211 : i32 to index
        %swap3A_220 = arith.constant 0 : index
        %swap3A_221 = tpu.vector_load %arg15[%swap3A, %swap3A_220] {strides = array<i32>} : memref<80x128xf32, #tpu.memory_space<vmem>>, vector<1x16xf32>,
        %swap3A_222 = vector.shape_cast %swap3A_221 : vector<1x16xf32> to vector<16xf32>
        %swap3A_223 = vector.shape_cast %add3A_219 : vector<16xf32> to vector<1x16xf32>
        tpu.vector_store %arg15[%swap3A, %swap3A_220], %swap3A_223 {strides = array<i32>} : memref<80x128xf32, #tpu.memory_space<vmem>>, vector<1x16xf32>,
        %get3A_224 = arith.index_cast %scan3A_211 : i32 to index
        %get3A_225 = arith.constant 16 : index
        %get3A_226 = tpu.vector_load %arg15[%get3A_224, %get3A_225] {strides = array<i32>} : memref<80x128xf32, #tpu.memory_space<vmem>>, vector<1x16xf32>,
        %get3A_227 = vector.shape_cast %get3A_226 : vector<1x16xf32> to vector<16xf32>
        %get3A_228 = arith.index_cast %scan3A_211 : i32 to index
        %get3A_229 = arith.constant 16 : index
        %get3A_230 = tpu.vector_load %arg16[%get3A_228, %get3A_229] {strides = array<i32>} : memref<80x128xf32, #tpu.memory_space<vmem>>, vector<1x16xf32>,
        %get3A_231 = vector.shape_cast %get3A_230 : vector<1x16xf32> to vector<16xf32>
        %add3A_232 = arith.addf %get3A_227, %get3A_231 : vector<16xf32>
        %swap3A_233 = arith.index_cast %scan3A_211 : i32 to index
        %swap3A_234 = arith.constant 16 : index
        %swap3A_235 = tpu.vector_load %arg15[%swap3A_233, %swap3A_234] {strides = array<i32>} : memref<80x128xf32, #tpu.memory_space<vmem>>, vector<1x16xf32>,
        %swap3A_236 = vector.shape_cast %swap3A_235 : vector<1x16xf32> to vector<16xf32>
        %swap3A_237 = vector.shape_cast %add3A_232 : vector<16xf32> to vector<1x16xf32>
        tpu.vector_store %arg15[%swap3A_233, %swap3A_234], %swap3A_237 {strides = array<i32>} : memref<80x128xf32, #tpu.memory_space<vmem>>, vector<1x16xf32>,
        %get3A_238 = arith.index_cast %scan3A_211 : i32 to index
        %get3A_239 = arith.constant 32 : index
        %get3A_240 = tpu.vector_load %arg15[%get3A_238, %get3A_239] {strides = array<i32>} : memref<80x128xf32, #tpu.memory_space<vmem>>, vector<1x16xf32>,
        %get3A_241 = vector.shape_cast %get3A_240 : vector<1x16xf32> to vector<16xf32>
        %get3A_242 = arith.index_cast %scan3A_211 : i32 to index
        %get3A_243 = arith.constant 32 : index
        %get3A_244 = tpu.vector_load %arg16[%get3A_242, %get3A_243] {strides = array<i32>} : memref<80x128xf32, #tpu.memory_space<vmem>>, vector<1x16xf32>,
        %get3A_245 = vector.shape_cast %get3A_244 : vector<1x16xf32> to vector<16xf32>
        %add3A_246 = arith.addf %get3A_241, %get3A_245 : vector<16xf32>
        %swap3A_247 = arith.index_cast %scan3A_211 : i32 to index
        %swap3A_248 = arith.constant 32 : index
        %swap3A_249 = tpu.vector_load %arg15[%swap3A_247, %swap3A_248] {strides = array<i32>} : memref<80x128xf32, #tpu.memory_space<vmem>>, vector<1x16xf32>,
        %swap3A_250 = vector.shape_cast %swap3A_249 : vector<1x16xf32> to vector<16xf32>
        %swap3A_251 = vector.shape_cast %add3A_246 : vector<16xf32> to vector<1x16xf32>
        tpu.vector_store %arg15[%swap3A_247, %swap3A_248], %swap3A_251 {strides = array<i32>} : memref<80x128xf32, #tpu.memory_space<vmem>>, vector<1x16xf32>,
        %get3A_252 = arith.index_cast %scan3A_211 : i32 to index
        %get3A_253 = arith.constant 48 : index
        %get3A_254 = tpu.vector_load %arg15[%get3A_252, %get3A_253] {strides = array<i32>} : memref<80x128xf32, #tpu.memory_space<vmem>>, vector<1x16xf32>,
        %get3A_255 = vector.shape_cast %get3A_254 : vector<1x16xf32> to vector<16xf32>
        %get3A_256 = arith.index_cast %scan3A_211 : i32 to index
        %get3A_257 = arith.constant 48 : index
        %get3A_258 = tpu.vector_load %arg16[%get3A_256, %get3A_257] {strides = array<i32>} : memref<80x128xf32, #tpu.memory_space<vmem>>, vector<1x16xf32>,
        %get3A_259 = vector.shape_cast %get3A_258 : vector<1x16xf32> to vector<16xf32>
        %add3A_260 = arith.addf %get3A_255, %get3A_259 : vector<16xf32>
        %swap3A_261 = arith.index_cast %scan3A_211 : i32 to index
        %swap3A_262 = arith.constant 48 : index
        %swap3A_263 = tpu.vector_load %arg15[%swap3A_261, %swap3A_262] {strides = array<i32>} : memref<80x128xf32, #tpu.memory_space<vmem>>, vector<1x16xf32>,
        %swap3A_264 = vector.shape_cast %swap3A_263 : vector<1x16xf32> to vector<16xf32>
        %swap3A_265 = vector.shape_cast %add3A_260 : vector<16xf32> to vector<1x16xf32>
        tpu.vector_store %arg15[%swap3A_261, %swap3A_262], %swap3A_265 {strides = array<i32>} : memref<80x128xf32, #tpu.memory_space<vmem>>, vector<1x16xf32>,
        %get3A_266 = arith.index_cast %scan3A_211 : i32 to index
        %get3A_267 = arith.constant 64 : index
        %get3A_268 = tpu.vector_load %arg15[%get3A_266, %get3A_267] {strides = array<i32>} : memref<80x128xf32, #tpu.memory_space<vmem>>, vector<1x16xf32>,
        %get3A_269 = vector.shape_cast %get3A_268 : vector<1x16xf32> to vector<16xf32>
        %get3A_270 = arith.index_cast %scan3A_211 : i32 to index
        %get3A_271 = arith.constant 64 : index
        %get3A_272 = tpu.vector_load %arg16[%get3A_270, %get3A_271] {strides = array<i32>} : memref<80x128xf32, #tpu.memory_space<vmem>>, vector<1x16xf32>,
        %get3A_273 = vector.shape_cast %get3A_272 : vector<1x16xf32> to vector<16xf32>
        %add3A_274 = arith.addf %get3A_269, %get3A_273 : vector<16xf32>
        %swap3A_275 = arith.index_cast %scan3A_211 : i32 to index
        %swap3A_276 = arith.constant 64 : index
        %swap3A_277 = tpu.vector_load %arg15[%swap3A_275, %swap3A_276] {strides = array<i32>} : memref<80x128xf32, #tpu.memory_space<vmem>>, vector<1x16xf32>,
        %swap3A_278 = vector.shape_cast %swap3A_277 : vector<1x16xf32> to vector<16xf32>
        %swap3A_279 = vector.shape_cast %add3A_274 : vector<16xf32> to vector<1x16xf32>
        tpu.vector_store %arg15[%swap3A_275, %swap3A_276], %swap3A_279 {strides = array<i32>} : memref<80x128xf32, #tpu.memory_space<vmem>>, vector<1x16xf32>,
        %get3A_280 = arith.index_cast %scan3A_211 : i32 to index
        %get3A_281 = arith.constant 80 : index
        %get3A_282 = tpu.vector_load %arg15[%get3A_280, %get3A_281] {strides = array<i32>} : memref<80x128xf32, #tpu.memory_space<vmem>>, vector<1x16xf32>,
        %get3A_283 = vector.shape_cast %get3A_282 : vector<1x16xf32> to vector<16xf32>
        %get3A_284 = arith.index_cast %scan3A_211 : i32 to index
        %get3A_285 = arith.constant 80 : index
        %get3A_286 = tpu.vector_load %arg16[%get3A_284, %get3A_285] {strides = array<i32>} : memref<80x128xf32, #tpu.memory_space<vmem>>, vector<1x16xf32>,
        %get3A_287 = vector.shape_cast %get3A_286 : vector<1x16xf32> to vector<16xf32>
        %add3A_288 = arith.addf %get3A_283, %get3A_287 : vector<16xf32>
        %swap3A_289 = arith.index_cast %scan3A_211 : i32 to index
        %swap3A_290 = arith.constant 80 : index
        %swap3A_291 = tpu.vector_load %arg15[%swap3A_289, %swap3A_290] {strides = array<i32>} : memref<80x128xf32, #tpu.memory_space<vmem>>, vector<1x16xf32>,
        %swap3A_292 = vector.shape_cast %swap3A_291 : vector<1x16xf32> to vector<16xf32>
        %swap3A_293 = vector.shape_cast %add3A_288 : vector<16xf32> to vector<1x16xf32>
        tpu.vector_store %arg15[%swap3A_289, %swap3A_290], %swap3A_293 {strides = array<i32>} : memref<80x128xf32, #tpu.memory_space<vmem>>, vector<1x16xf32>,
        %get3A_294 = arith.index_cast %scan3A_211 : i32 to index
        %get3A_295 = arith.constant 96 : index
        %get3A_296 = tpu.vector_load %arg15[%get3A_294, %get3A_295] {strides = array<i32>} : memref<80x128xf32, #tpu.memory_space<vmem>>, vector<1x16xf32>,
        %get3A_297 = vector.shape_cast %get3A_296 : vector<1x16xf32> to vector<16xf32>
        %get3A_298 = arith.index_cast %scan3A_211 : i32 to index
        %get3A_299 = arith.constant 96 : index
        %get3A_300 = tpu.vector_load %arg16[%get3A_298, %get3A_299] {strides = array<i32>} : memref<80x128xf32, #tpu.memory_space<vmem>>, vector<1x16xf32>,
        %get3A_301 = vector.shape_cast %get3A_300 : vector<1x16xf32> to vector<16xf32>
        %add3A_302 = arith.addf %get3A_297, %get3A_301 : vector<16xf32>
        %swap3A_303 = arith.index_cast %scan3A_211 : i32 to index
        %swap3A_304 = arith.constant 96 : index
        %swap3A_305 = tpu.vector_load %arg15[%swap3A_303, %swap3A_304] {strides = array<i32>} : memref<80x128xf32, #tpu.memory_space<vmem>>, vector<1x16xf32>,
        %swap3A_306 = vector.shape_cast %swap3A_305 : vector<1x16xf32> to vector<16xf32>
        %swap3A_307 = vector.shape_cast %add3A_302 : vector<16xf32> to vector<1x16xf32>
        tpu.vector_store %arg15[%swap3A_303, %swap3A_304], %swap3A_307 {strides = array<i32>} : memref<80x128xf32, #tpu.memory_space<vmem>>, vector<1x16xf32>,
        %get3A_308 = arith.index_cast %scan3A_211 : i32 to index
        %get3A_309 = arith.constant 112 : index
        %get3A_310 = tpu.vector_load %arg15[%get3A_308, %get3A_309] {strides = array<i32>} : memref<80x128xf32, #tpu.memory_space<vmem>>, vector<1x16xf32>,
        %get3A_311 = vector.shape_cast %get3A_310 : vector<1x16xf32> to vector<16xf32>
        %get3A_312 = arith.index_cast %scan3A_211 : i32 to index
        %get3A_313 = arith.constant 112 : index
        %get3A_314 = tpu.vector_load %arg16[%get3A_312, %get3A_313] {strides = array<i32>} : memref<80x128xf32, #tpu.memory_space<vmem>>, vector<1x16xf32>,
        %get3A_315 = vector.shape_cast %get3A_314 : vector<1x16xf32> to vector<16xf32>
        %add3A_316 = arith.addf %get3A_311, %get3A_315 : vector<16xf32>
        %swap3A_317 = arith.index_cast %scan3A_211 : i32 to index
        %swap3A_318 = arith.constant 112 : index
        %swap3A_319 = tpu.vector_load %arg15[%swap3A_317, %swap3A_318] {strides = array<i32>} : memref<80x128xf32, #tpu.memory_space<vmem>>, vector<1x16xf32>,
        %swap3A_320 = vector.shape_cast %swap3A_319 : vector<1x16xf32> to vector<16xf32>
        %swap3A_321 = vector.shape_cast %add3A_316 : vector<16xf32> to vector<1x16xf32>
        tpu.vector_store %arg15[%swap3A_317, %swap3A_318], %swap3A_321 {strides = array<i32>} : memref<80x128xf32, #tpu.memory_space<vmem>>, vector<1x16xf32>,
        %get3A_322 = arith.index_cast %scan3A_211 : i32 to index
        %get3A_323 = arith.constant 0 : index
        %get3A_324 = tpu.vector_load %arg17[%get3A_322, %get3A_323] {strides = array<i32>} : memref<80x16xf32, #tpu.memory_space<vmem>>, vector<1x16xf32>,
        %get3A_325 = vector.shape_cast %get3A_324 : vector<1x16xf32> to vector<16xf32>
        %get3A_326 = arith.index_cast %scan3A_211 : i32 to index
        %get3A_327 = arith.constant 0 : index
        %get3A_328 = tpu.vector_load %arg18[%get3A_326, %get3A_327] {strides = array<i32>} : memref<80x16xf32, #tpu.memory_space<vmem>>, vector<1x16xf32>,
        %get3A_329 = vector.shape_cast %get3A_328 : vector<1x16xf32> to vector<16xf32>
        %sub3A = arith.subf %get3A_325, %get3A_329 : vector<16xf32>
        %swap3A_330 = arith.index_cast %scan3A_211 : i32 to index
        %swap3A_331 = arith.constant 0 : index
        %swap3A_332 = tpu.vector_load %arg17[%swap3A_330, %swap3A_331] {strides = array<i32>} : memref<80x16xf32, #tpu.memory_space<vmem>>, vector<1x16xf32>,
        %swap3A_333 = vector.shape_cast %swap3A_332 : vector<1x16xf32> to vector<16xf32>
        %swap3A_334 = vector.shape_cast %sub3A : vector<16xf32> to vector<1x16xf32>
        tpu.vector_store %arg17[%swap3A_330, %swap3A_331], %swap3A_334 {strides = array<i32>} : memref<80x16xf32, #tpu.memory_space<vmem>>, vector<1x16xf32>,
        %scan3A_335 = arith.constant 1 : i32
        %scan3A_336 = arith.addi %scan3A_211, %scan3A_335 : i32
        %get3A_337 = arith.index_cast %scan3A_336 : i32 to index
        %get3A_338 = arith.constant 0 : index
        %get3A_339 = tpu.vector_load %arg15[%get3A_337, %get3A_338] {strides = array<i32>} : memref<80x128xf32, #tpu.memory_space<vmem>>, vector<1x16xf32>,
        %get3A_340 = vector.shape_cast %get3A_339 : vector<1x16xf32> to vector<16xf32>
        %get3A_341 = arith.index_cast %scan3A_336 : i32 to index
        %get3A_342 = arith.constant 0 : index
        %get3A_343 = tpu.vector_load %arg16[%get3A_341, %get3A_342] {strides = array<i32>} : memref<80x128xf32, #tpu.memory_space<vmem>>, vector<1x16xf32>,
        %get3A_344 = vector.shape_cast %get3A_343 : vector<1x16xf32> to vector<16xf32>
        %add3A_345 = arith.addf %get3A_340, %get3A_344 : vector<16xf32>
        %swap3A_346 = arith.index_cast %scan3A_336 : i32 to index
        %swap3A_347 = arith.constant 0 : index
        %swap3A_348 = tpu.vector_load %arg15[%swap3A_346, %swap3A_347] {strides = array<i32>} : memref<80x128xf32, #tpu.memory_space<vmem>>, vector<1x16xf32>,
        %swap3A_349 = vector.shape_cast %swap3A_348 : vector<1x16xf32> to vector<16xf32>
        %swap3A_350 = vector.shape_cast %add3A_345 : vector<16xf32> to vector<1x16xf32>
        tpu.vector_store %arg15[%swap3A_346, %swap3A_347], %swap3A_350 {strides = array<i32>} : memref<80x128xf32, #tpu.memory_space<vmem>>, vector<1x16xf32>,
        %get3A_351 = arith.index_cast %scan3A_336 : i32 to index
        %get3A_352 = arith.constant 16 : index
        %get3A_353 = tpu.vector_load %arg15[%get3A_351, %get3A_352] {strides = array<i32>} : memref<80x128xf32, #tpu.memory_space<vmem>>, vector<1x16xf32>,
        %get3A_354 = vector.shape_cast %get3A_353 : vector<1x16xf32> to vector<16xf32>
        %get3A_355 = arith.index_cast %scan3A_336 : i32 to index
        %get3A_356 = arith.constant 16 : index
        %get3A_357 = tpu.vector_load %arg16[%get3A_355, %get3A_356] {strides = array<i32>} : memref<80x128xf32, #tpu.memory_space<vmem>>, vector<1x16xf32>,
        %get3A_358 = vector.shape_cast %get3A_357 : vector<1x16xf32> to vector<16xf32>
        %add3A_359 = arith.addf %get3A_354, %get3A_358 : vector<16xf32>
        %swap3A_360 = arith.index_cast %scan3A_336 : i32 to index
        %swap3A_361 = arith.constant 16 : index
        %swap3A_362 = tpu.vector_load %arg15[%swap3A_360, %swap3A_361] {strides = array<i32>} : memref<80x128xf32, #tpu.memory_space<vmem>>, vector<1x16xf32>,
        %swap3A_363 = vector.shape_cast %swap3A_362 : vector<1x16xf32> to vector<16xf32>
        %swap3A_364 = vector.shape_cast %add3A_359 : vector<16xf32> to vector<1x16xf32>
        tpu.vector_store %arg15[%swap3A_360, %swap3A_361], %swap3A_364 {strides = array<i32>} : memref<80x128xf32, #tpu.memory_space<vmem>>, vector<1x16xf32>,
        %get3A_365 = arith.index_cast %scan3A_336 : i32 to index
        %get3A_366 = arith.constant 32 : index
        %get3A_367 = tpu.vector_load %arg15[%get3A_365, %get3A_366] {strides = array<i32>} : memref<80x128xf32, #tpu.memory_space<vmem>>, vector<1x16xf32>,
        %get3A_368 = vector.shape_cast %get3A_367 : vector<1x16xf32> to vector<16xf32>
        %get3A_369 = arith.index_cast %scan3A_336 : i32 to index
        %get3A_370 = arith.constant 32 : index
        %get3A_371 = tpu.vector_load %arg16[%get3A_369, %get3A_370] {strides = array<i32>} : memref<80x128xf32, #tpu.memory_space<vmem>>, vector<1x16xf32>,
        %get3A_372 = vector.shape_cast %get3A_371 : vector<1x16xf32> to vector<16xf32>
        %add3A_373 = arith.addf %get3A_368, %get3A_372 : vector<16xf32>
        %swap3A_374 = arith.index_cast %scan3A_336 : i32 to index
        %swap3A_375 = arith.constant 32 : index
        %swap3A_376 = tpu.vector_load %arg15[%swap3A_374, %swap3A_375] {strides = array<i32>} : memref<80x128xf32, #tpu.memory_space<vmem>>, vector<1x16xf32>,
        %swap3A_377 = vector.shape_cast %swap3A_376 : vector<1x16xf32> to vector<16xf32>
        %swap3A_378 = vector.shape_cast %add3A_373 : vector<16xf32> to vector<1x16xf32>
        tpu.vector_store %arg15[%swap3A_374, %swap3A_375], %swap3A_378 {strides = array<i32>} : memref<80x128xf32, #tpu.memory_space<vmem>>, vector<1x16xf32>,
        %get3A_379 = arith.index_cast %scan3A_336 : i32 to index
        %get3A_380 = arith.constant 48 : index
        %get3A_381 = tpu.vector_load %arg15[%get3A_379, %get3A_380] {strides = array<i32>} : memref<80x128xf32, #tpu.memory_space<vmem>>, vector<1x16xf32>,
        %get3A_382 = vector.shape_cast %get3A_381 : vector<1x16xf32> to vector<16xf32>
        %get3A_383 = arith.index_cast %scan3A_336 : i32 to index
        %get3A_384 = arith.constant 48 : index
        %get3A_385 = tpu.vector_load %arg16[%get3A_383, %get3A_384] {strides = array<i32>} : memref<80x128xf32, #tpu.memory_space<vmem>>, vector<1x16xf32>,
        %get3A_386 = vector.shape_cast %get3A_385 : vector<1x16xf32> to vector<16xf32>
        %add3A_387 = arith.addf %get3A_382, %get3A_386 : vector<16xf32>
        %swap3A_388 = arith.index_cast %scan3A_336 : i32 to index
        %swap3A_389 = arith.constant 48 : index
        %swap3A_390 = tpu.vector_load %arg15[%swap3A_388, %swap3A_389] {strides = array<i32>} : memref<80x128xf32, #tpu.memory_space<vmem>>, vector<1x16xf32>,
        %swap3A_391 = vector.shape_cast %swap3A_390 : vector<1x16xf32> to vector<16xf32>
        %swap3A_392 = vector.shape_cast %add3A_387 : vector<16xf32> to vector<1x16xf32>
        tpu.vector_store %arg15[%swap3A_388, %swap3A_389], %swap3A_392 {strides = array<i32>} : memref<80x128xf32, #tpu.memory_space<vmem>>, vector<1x16xf32>,
        %get3A_393 = arith.index_cast %scan3A_336 : i32 to index
        %get3A_394 = arith.constant 64 : index
        %get3A_395 = tpu.vector_load %arg15[%get3A_393, %get3A_394] {strides = array<i32>} : memref<80x128xf32, #tpu.memory_space<vmem>>, vector<1x16xf32>,
        %get3A_396 = vector.shape_cast %get3A_395 : vector<1x16xf32> to vector<16xf32>
        %get3A_397 = arith.index_cast %scan3A_336 : i32 to index
        %get3A_398 = arith.constant 64 : index
        %get3A_399 = tpu.vector_load %arg16[%get3A_397, %get3A_398] {strides = array<i32>} : memref<80x128xf32, #tpu.memory_space<vmem>>, vector<1x16xf32>,
        %get3A_400 = vector.shape_cast %get3A_399 : vector<1x16xf32> to vector<16xf32>
        %add3A_401 = arith.addf %get3A_396, %get3A_400 : vector<16xf32>
        %swap3A_402 = arith.index_cast %scan3A_336 : i32 to index
        %swap3A_403 = arith.constant 64 : index
        %swap3A_404 = tpu.vector_load %arg15[%swap3A_402, %swap3A_403] {strides = array<i32>} : memref<80x128xf32, #tpu.memory_space<vmem>>, vector<1x16xf32>,
        %swap3A_405 = vector.shape_cast %swap3A_404 : vector<1x16xf32> to vector<16xf32>
        %swap3A_406 = vector.shape_cast %add3A_401 : vector<16xf32> to vector<1x16xf32>
        tpu.vector_store %arg15[%swap3A_402, %swap3A_403], %swap3A_406 {strides = array<i32>} : memref<80x128xf32, #tpu.memory_space<vmem>>, vector<1x16xf32>,
        %get3A_407 = arith.index_cast %scan3A_336 : i32 to index
        %get3A_408 = arith.constant 80 : index
        %get3A_409 = tpu.vector_load %arg15[%get3A_407, %get3A_408] {strides = array<i32>} : memref<80x128xf32, #tpu.memory_space<vmem>>, vector<1x16xf32>,
        %get3A_410 = vector.shape_cast %get3A_409 : vector<1x16xf32> to vector<16xf32>
        %get3A_411 = arith.index_cast %scan3A_336 : i32 to index
        %get3A_412 = arith.constant 80 : index
        %get3A_413 = tpu.vector_load %arg16[%get3A_411, %get3A_412] {strides = array<i32>} : memref<80x128xf32, #tpu.memory_space<vmem>>, vector<1x16xf32>,
        %get3A_414 = vector.shape_cast %get3A_413 : vector<1x16xf32> to vector<16xf32>
        %add3A_415 = arith.addf %get3A_410, %get3A_414 : vector<16xf32>
        %swap3A_416 = arith.index_cast %scan3A_336 : i32 to index
        %swap3A_417 = arith.constant 80 : index
        %swap3A_418 = tpu.vector_load %arg15[%swap3A_416, %swap3A_417] {strides = array<i32>} : memref<80x128xf32, #tpu.memory_space<vmem>>, vector<1x16xf32>,
        %swap3A_419 = vector.shape_cast %swap3A_418 : vector<1x16xf32> to vector<16xf32>
        %swap3A_420 = vector.shape_cast %add3A_415 : vector<16xf32> to vector<1x16xf32>
        tpu.vector_store %arg15[%swap3A_416, %swap3A_417], %swap3A_420 {strides = array<i32>} : memref<80x128xf32, #tpu.memory_space<vmem>>, vector<1x16xf32>,
        %get3A_421 = arith.index_cast %scan3A_336 : i32 to index
        %get3A_422 = arith.constant 96 : index
        %get3A_423 = tpu.vector_load %arg15[%get3A_421, %get3A_422] {strides = array<i32>} : memref<80x128xf32, #tpu.memory_space<vmem>>, vector<1x16xf32>,
        %get3A_424 = vector.shape_cast %get3A_423 : vector<1x16xf32> to vector<16xf32>
        %get3A_425 = arith.index_cast %scan3A_336 : i32 to index
        %get3A_426 = arith.constant 96 : index
        %get3A_427 = tpu.vector_load %arg16[%get3A_425, %get3A_426] {strides = array<i32>} : memref<80x128xf32, #tpu.memory_space<vmem>>, vector<1x16xf32>,
        %get3A_428 = vector.shape_cast %get3A_427 : vector<1x16xf32> to vector<16xf32>
        %add3A_429 = arith.addf %get3A_424, %get3A_428 : vector<16xf32>
        %swap3A_430 = arith.index_cast %scan3A_336 : i32 to index
        %swap3A_431 = arith.constant 96 : index
        %swap3A_432 = tpu.vector_load %arg15[%swap3A_430, %swap3A_431] {strides = array<i32>} : memref<80x128xf32, #tpu.memory_space<vmem>>, vector<1x16xf32>,
        %swap3A_433 = vector.shape_cast %swap3A_432 : vector<1x16xf32> to vector<16xf32>
        %swap3A_434 = vector.shape_cast %add3A_429 : vector<16xf32> to vector<1x16xf32>
        tpu.vector_store %arg15[%swap3A_430, %swap3A_431], %swap3A_434 {strides = array<i32>} : memref<80x128xf32, #tpu.memory_space<vmem>>, vector<1x16xf32>,
        %get3A_435 = arith.index_cast %scan3A_336 : i32 to index
        %get3A_436 = arith.constant 112 : index
        %get3A_437 = tpu.vector_load %arg15[%get3A_435, %get3A_436] {strides = array<i32>} : memref<80x128xf32, #tpu.memory_space<vmem>>, vector<1x16xf32>,
        %get3A_438 = vector.shape_cast %get3A_437 : vector<1x16xf32> to vector<16xf32>
        %get3A_439 = arith.index_cast %scan3A_336 : i32 to index
        %get3A_440 = arith.constant 112 : index
        %get3A_441 = tpu.vector_load %arg16[%get3A_439, %get3A_440] {strides = array<i32>} : memref<80x128xf32, #tpu.memory_space<vmem>>, vector<1x16xf32>,
        %get3A_442 = vector.shape_cast %get3A_441 : vector<1x16xf32> to vector<16xf32>
        %add3A_443 = arith.addf %get3A_438, %get3A_442 : vector<16xf32>
        %swap3A_444 = arith.index_cast %scan3A_336 : i32 to index
        %swap3A_445 = arith.constant 112 : index
        %swap3A_446 = tpu.vector_load %arg15[%swap3A_444, %swap3A_445] {strides = array<i32>} : memref<80x128xf32, #tpu.memory_space<vmem>>, vector<1x16xf32>,
        %swap3A_447 = vector.shape_cast %swap3A_446 : vector<1x16xf32> to vector<16xf32>
        %swap3A_448 = vector.shape_cast %add3A_443 : vector<16xf32> to vector<1x16xf32>
        tpu.vector_store %arg15[%swap3A_444, %swap3A_445], %swap3A_448 {strides = array<i32>} : memref<80x128xf32, #tpu.memory_space<vmem>>, vector<1x16xf32>,
        %get3A_449 = arith.index_cast %scan3A_336 : i32 to index
        %get3A_450 = arith.constant 0 : index
        %get3A_451 = tpu.vector_load %arg17[%get3A_449, %get3A_450] {strides = array<i32>} : memref<80x16xf32, #tpu.memory_space<vmem>>, vector<1x16xf32>,
        %get3A_452 = vector.shape_cast %get3A_451 : vector<1x16xf32> to vector<16xf32>
        %get3A_453 = arith.index_cast %scan3A_336 : i32 to index
        %get3A_454 = arith.constant 0 : index
        %get3A_455 = tpu.vector_load %arg18[%get3A_453, %get3A_454] {strides = array<i32>} : memref<80x16xf32, #tpu.memory_space<vmem>>, vector<1x16xf32>,
        %get3A_456 = vector.shape_cast %get3A_455 : vector<1x16xf32> to vector<16xf32>
        %sub3A_457 = arith.subf %get3A_452, %get3A_456 : vector<16xf32>
        %swap3A_458 = arith.index_cast %scan3A_336 : i32 to index
        %swap3A_459 = arith.constant 0 : index
        %swap3A_460 = tpu.vector_load %arg17[%swap3A_458, %swap3A_459] {strides = array<i32>} : memref<80x16xf32, #tpu.memory_space<vmem>>, vector<1x16xf32>,
        %swap3A_461 = vector.shape_cast %swap3A_460 : vector<1x16xf32> to vector<16xf32>
        %swap3A_462 = vector.shape_cast %sub3A_457 : vector<16xf32> to vector<1x16xf32>
        tpu.vector_store %arg17[%swap3A_458, %swap3A_459], %swap3A_462 {strides = array<i32>} : memref<80x16xf32, #tpu.memory_space<vmem>>, vector<1x16xf32>,
      }
      %scan3A_197 = arith.constant 80 : i32
      %add3A_198 = arith.constant 1 : i32
      %add3A_199 = arith.addi %mul3A_80, %add3A_198 : i32
      %mul3A_200 = arith.constant 80 : i32
      %mul3A_201 = arith.muli %add3A_199, %mul3A_200 : i32
      %add3A_202 = arith.addi %mul3A_2, %mul3A_201 : i32
      %dma_start3A_203 = arith.constant 0 : i32
      %dma_start3A_204 = tpu.memref_slice %arg7[%add3A_202, %dma_start3A_203] : memref<320000x128xf32, #tpu.memory_space<hbm>> -> memref<80x128xf32, #tpu.memory_space<hbm>>
      %dma_start3A_205 = arith.constant 0 : i32
      %dma_start3A_206 = tpu.memref_slice %arg7[%add3A_202, %dma_start3A_205] : memref<320000x128xf32, #tpu.memory_space<hbm>> -> memref<80x128xf32, #tpu.memory_space<hbm>>
      tpu.enqueue_dma source(%arg15 : memref<80x128xf32, #tpu.memory_space<vmem>>) target(%dma_start3A_206 : memref<80x128xf32, #tpu.memory_space<hbm>>) target_semaphore(%arg22 : memref<!tpu.dma_semaphore, #tpu.memory_space<semaphore_mem>>)
      %dma_start3A_207 = arith.constant 0 : i32
      %dma_start3A_208 = tpu.memref_slice %arg8[%add3A_202, %dma_start3A_207] : memref<320000x16xf32, #tpu.memory_space<hbm>> -> memref<80x16xf32, #tpu.memory_space<hbm>>
      %dma_start3A_209 = arith.constant 0 : i32
      %dma_start3A_210 = tpu.memref_slice %arg8[%add3A_202, %dma_start3A_209] : memref<320000x16xf32, #tpu.memory_space<hbm>> -> memref<80x16xf32, #tpu.memory_space<hbm>>
      tpu.enqueue_dma source(%arg17 : memref<80x16xf32, #tpu.memory_space<vmem>>) target(%dma_start3A_210 : memref<80x16xf32, #tpu.memory_space<hbm>>) target_semaphore(%arg22 : memref<!tpu.dma_semaphore, #tpu.memory_space<semaphore_mem>>)
    }
    %scan3A_26 = arith.constant 62 : i32
    %dma_wait3A = arith.constant 0 : i32
    %dma_wait3A_27 = tpu.memref_slice %arg9[%dma_wait3A] : memref<10000xi32, #tpu.memory_space<vmem>> -> memref<80xi32, #tpu.memory_space<vmem>>
    %dma_wait3A_28 = arith.constant 0 : i32
    %dma_wait3A_29 = arith.constant 0 : i32
    %dma_wait3A_30 = tpu.memref_slice %arg2[%dma_wait3A_28, %dma_wait3A_29] : memref<10000x128xf32, #tpu.memory_space<hbm>> -> memref<10000x128xf32, #tpu.memory_space<hbm>>
    tpu.wait_indirect_dma semaphore(%arg19 : memref<!tpu.dma_semaphore, #tpu.memory_space<semaphore_mem>>) src(%dma_wait3A_30 : memref<10000x128xf32, #tpu.memory_space<hbm>>) dst(%arg11 : memref<80x128xf32, #tpu.memory_space<vmem>>)
    %dma_wait3A_31 = arith.constant 0 : i32
    %dma_wait3A_32 = tpu.memref_slice %arg10[%dma_wait3A_31] : memref<10000xi32, #tpu.memory_space<vmem>> -> memref<80xi32, #tpu.memory_space<vmem>>
    %dma_wait3A_33 = arith.constant 0 : i32
    %dma_wait3A_34 = arith.constant 0 : i32
    %dma_wait3A_35 = tpu.memref_slice %arg3[%dma_wait3A_33, %dma_wait3A_34] : memref<10000x128xf32, #tpu.memory_space<hbm>> -> memref<10000x128xf32, #tpu.memory_space<hbm>>
    tpu.wait_indirect_dma semaphore(%arg19 : memref<!tpu.dma_semaphore, #tpu.memory_space<semaphore_mem>>) src(%dma_wait3A_35 : memref<10000x128xf32, #tpu.memory_space<hbm>>) dst(%arg12 : memref<80x128xf32, #tpu.memory_space<vmem>>)
    %dma_wait3A_36 = arith.constant 0 : i32
    %dma_wait3A_37 = tpu.memref_slice %arg9[%dma_wait3A_36] : memref<10000xi32, #tpu.memory_space<vmem>> -> memref<80xi32, #tpu.memory_space<vmem>>
    %dma_wait3A_38 = arith.constant 0 : i32
    %dma_wait3A_39 = arith.constant 0 : i32
    %dma_wait3A_40 = tpu.memref_slice %arg4[%dma_wait3A_38, %dma_wait3A_39] : memref<10000x16xf32, #tpu.memory_space<hbm>> -> memref<10000x16xf32, #tpu.memory_space<hbm>>
    tpu.wait_indirect_dma semaphore(%arg19 : memref<!tpu.dma_semaphore, #tpu.memory_space<semaphore_mem>>) src(%dma_wait3A_40 : memref<10000x16xf32, #tpu.memory_space<hbm>>) dst(%arg13 : memref<80x16xf32, #tpu.memory_space<vmem>>)
    %dma_wait3A_41 = arith.constant 0 : i32
    %dma_wait3A_42 = tpu.memref_slice %arg10[%dma_wait3A_41] : memref<10000xi32, #tpu.memory_space<vmem>> -> memref<80xi32, #tpu.memory_space<vmem>>
    %dma_wait3A_43 = arith.constant 0 : i32
    %dma_wait3A_44 = arith.constant 0 : i32
    %dma_wait3A_45 = tpu.memref_slice %arg4[%dma_wait3A_43, %dma_wait3A_44] : memref<10000x16xf32, #tpu.memory_space<hbm>> -> memref<10000x16xf32, #tpu.memory_space<hbm>>
    tpu.wait_indirect_dma semaphore(%arg19 : memref<!tpu.dma_semaphore, #tpu.memory_space<semaphore_mem>>) src(%dma_wait3A_45 : memref<10000x16xf32, #tpu.memory_space<hbm>>) dst(%arg14 : memref<80x16xf32, #tpu.memory_space<vmem>>)
    %scan3A_46 = arith.constant 0 : i32
    %scan3A_47 = arith.constant 0 : i32
    %scan3A_48 = arith.constant 80 : i32
    %scan3A_49 = arith.addi %scan3A_47, %scan3A_48 : i32
    %scan3A_50 = arith.constant 2 : i32
    scf.for %scan3A_78 = %scan3A_47 to %scan3A_49 step %scan3A_50  : i32 {
      %get3A = arith.index_cast %scan3A_78 : i32 to index
      %get3A_79 = arith.constant 0 : index
      %get3A_80 = tpu.vector_load %arg11[%get3A, %get3A_79] {strides = array<i32>} : memref<80x128xf32, #tpu.memory_space<vmem>>, vector<1x16xf32>,
      %get3A_81 = vector.shape_cast %get3A_80 : vector<1x16xf32> to vector<16xf32>
      %get3A_82 = arith.index_cast %scan3A_78 : i32 to index
      %get3A_83 = arith.constant 0 : index
      %get3A_84 = tpu.vector_load %arg12[%get3A_82, %get3A_83] {strides = array<i32>} : memref<80x128xf32, #tpu.memory_space<vmem>>, vector<1x16xf32>,
      %get3A_85 = vector.shape_cast %get3A_84 : vector<1x16xf32> to vector<16xf32>
      %add3A_86 = arith.addf %get3A_81, %get3A_85 : vector<16xf32>
      %swap3A = arith.index_cast %scan3A_78 : i32 to index
      %swap3A_87 = arith.constant 0 : index
      %swap3A_88 = tpu.vector_load %arg11[%swap3A, %swap3A_87] {strides = array<i32>} : memref<80x128xf32, #tpu.memory_space<vmem>>, vector<1x16xf32>,
      %swap3A_89 = vector.shape_cast %swap3A_88 : vector<1x16xf32> to vector<16xf32>
      %swap3A_90 = vector.shape_cast %add3A_86 : vector<16xf32> to vector<1x16xf32>
      tpu.vector_store %arg11[%swap3A, %swap3A_87], %swap3A_90 {strides = array<i32>} : memref<80x128xf32, #tpu.memory_space<vmem>>, vector<1x16xf32>,
      %get3A_91 = arith.index_cast %scan3A_78 : i32 to index
      %get3A_92 = arith.constant 16 : index
      %get3A_93 = tpu.vector_load %arg11[%get3A_91, %get3A_92] {strides = array<i32>} : memref<80x128xf32, #tpu.memory_space<vmem>>, vector<1x16xf32>,
      %get3A_94 = vector.shape_cast %get3A_93 : vector<1x16xf32> to vector<16xf32>
      %get3A_95 = arith.index_cast %scan3A_78 : i32 to index
      %get3A_96 = arith.constant 16 : index
      %get3A_97 = tpu.vector_load %arg12[%get3A_95, %get3A_96] {strides = array<i32>} : memref<80x128xf32, #tpu.memory_space<vmem>>, vector<1x16xf32>,
      %get3A_98 = vector.shape_cast %get3A_97 : vector<1x16xf32> to vector<16xf32>
      %add3A_99 = arith.addf %get3A_94, %get3A_98 : vector<16xf32>
      %swap3A_100 = arith.index_cast %scan3A_78 : i32 to index
      %swap3A_101 = arith.constant 16 : index
      %swap3A_102 = tpu.vector_load %arg11[%swap3A_100, %swap3A_101] {strides = array<i32>} : memref<80x128xf32, #tpu.memory_space<vmem>>, vector<1x16xf32>,
      %swap3A_103 = vector.shape_cast %swap3A_102 : vector<1x16xf32> to vector<16xf32>
      %swap3A_104 = vector.shape_cast %add3A_99 : vector<16xf32> to vector<1x16xf32>
      tpu.vector_store %arg11[%swap3A_100, %swap3A_101], %swap3A_104 {strides = array<i32>} : memref<80x128xf32, #tpu.memory_space<vmem>>, vector<1x16xf32>,
      %get3A_105 = arith.index_cast %scan3A_78 : i32 to index
      %get3A_106 = arith.constant 32 : index
      %get3A_107 = tpu.vector_load %arg11[%get3A_105, %get3A_106] {strides = array<i32>} : memref<80x128xf32, #tpu.memory_space<vmem>>, vector<1x16xf32>,
      %get3A_108 = vector.shape_cast %get3A_107 : vector<1x16xf32> to vector<16xf32>
      %get3A_109 = arith.index_cast %scan3A_78 : i32 to index
      %get3A_110 = arith.constant 32 : index
      %get3A_111 = tpu.vector_load %arg12[%get3A_109, %get3A_110] {strides = array<i32>} : memref<80x128xf32, #tpu.memory_space<vmem>>, vector<1x16xf32>,
      %get3A_112 = vector.shape_cast %get3A_111 : vector<1x16xf32> to vector<16xf32>
      %add3A_113 = arith.addf %get3A_108, %get3A_112 : vector<16xf32>
      %swap3A_114 = arith.index_cast %scan3A_78 : i32 to index
      %swap3A_115 = arith.constant 32 : index
      %swap3A_116 = tpu.vector_load %arg11[%swap3A_114, %swap3A_115] {strides = array<i32>} : memref<80x128xf32, #tpu.memory_space<vmem>>, vector<1x16xf32>,
      %swap3A_117 = vector.shape_cast %swap3A_116 : vector<1x16xf32> to vector<16xf32>
      %swap3A_118 = vector.shape_cast %add3A_113 : vector<16xf32> to vector<1x16xf32>
      tpu.vector_store %arg11[%swap3A_114, %swap3A_115], %swap3A_118 {strides = array<i32>} : memref<80x128xf32, #tpu.memory_space<vmem>>, vector<1x16xf32>,
      %get3A_119 = arith.index_cast %scan3A_78 : i32 to index
      %get3A_120 = arith.constant 48 : index
      %get3A_121 = tpu.vector_load %arg11[%get3A_119, %get3A_120] {strides = array<i32>} : memref<80x128xf32, #tpu.memory_space<vmem>>, vector<1x16xf32>,
      %get3A_122 = vector.shape_cast %get3A_121 : vector<1x16xf32> to vector<16xf32>
      %get3A_123 = arith.index_cast %scan3A_78 : i32 to index
      %get3A_124 = arith.constant 48 : index
      %get3A_125 = tpu.vector_load %arg12[%get3A_123, %get3A_124] {strides = array<i32>} : memref<80x128xf32, #tpu.memory_space<vmem>>, vector<1x16xf32>,
      %get3A_126 = vector.shape_cast %get3A_125 : vector<1x16xf32> to vector<16xf32>
      %add3A_127 = arith.addf %get3A_122, %get3A_126 : vector<16xf32>
      %swap3A_128 = arith.index_cast %scan3A_78 : i32 to index
      %swap3A_129 = arith.constant 48 : index
      %swap3A_130 = tpu.vector_load %arg11[%swap3A_128, %swap3A_129] {strides = array<i32>} : memref<80x128xf32, #tpu.memory_space<vmem>>, vector<1x16xf32>,
      %swap3A_131 = vector.shape_cast %swap3A_130 : vector<1x16xf32> to vector<16xf32>
      %swap3A_132 = vector.shape_cast %add3A_127 : vector<16xf32> to vector<1x16xf32>
      tpu.vector_store %arg11[%swap3A_128, %swap3A_129], %swap3A_132 {strides = array<i32>} : memref<80x128xf32, #tpu.memory_space<vmem>>, vector<1x16xf32>,
      %get3A_133 = arith.index_cast %scan3A_78 : i32 to index
      %get3A_134 = arith.constant 64 : index
      %get3A_135 = tpu.vector_load %arg11[%get3A_133, %get3A_134] {strides = array<i32>} : memref<80x128xf32, #tpu.memory_space<vmem>>, vector<1x16xf32>,
      %get3A_136 = vector.shape_cast %get3A_135 : vector<1x16xf32> to vector<16xf32>
      %get3A_137 = arith.index_cast %scan3A_78 : i32 to index
      %get3A_138 = arith.constant 64 : index
      %get3A_139 = tpu.vector_load %arg12[%get3A_137, %get3A_138] {strides = array<i32>} : memref<80x128xf32, #tpu.memory_space<vmem>>, vector<1x16xf32>,
      %get3A_140 = vector.shape_cast %get3A_139 : vector<1x16xf32> to vector<16xf32>
      %add3A_141 = arith.addf %get3A_136, %get3A_140 : vector<16xf32>
      %swap3A_142 = arith.index_cast %scan3A_78 : i32 to index
      %swap3A_143 = arith.constant 64 : index
      %swap3A_144 = tpu.vector_load %arg11[%swap3A_142, %swap3A_143] {strides = array<i32>} : memref<80x128xf32, #tpu.memory_space<vmem>>, vector<1x16xf32>,
      %swap3A_145 = vector.shape_cast %swap3A_144 : vector<1x16xf32> to vector<16xf32>
      %swap3A_146 = vector.shape_cast %add3A_141 : vector<16xf32> to vector<1x16xf32>
      tpu.vector_store %arg11[%swap3A_142, %swap3A_143], %swap3A_146 {strides = array<i32>} : memref<80x128xf32, #tpu.memory_space<vmem>>, vector<1x16xf32>,
      %get3A_147 = arith.index_cast %scan3A_78 : i32 to index
      %get3A_148 = arith.constant 80 : index
      %get3A_149 = tpu.vector_load %arg11[%get3A_147, %get3A_148] {strides = array<i32>} : memref<80x128xf32, #tpu.memory_space<vmem>>, vector<1x16xf32>,
      %get3A_150 = vector.shape_cast %get3A_149 : vector<1x16xf32> to vector<16xf32>
      %get3A_151 = arith.index_cast %scan3A_78 : i32 to index
      %get3A_152 = arith.constant 80 : index
      %get3A_153 = tpu.vector_load %arg12[%get3A_151, %get3A_152] {strides = array<i32>} : memref<80x128xf32, #tpu.memory_space<vmem>>, vector<1x16xf32>,
      %get3A_154 = vector.shape_cast %get3A_153 : vector<1x16xf32> to vector<16xf32>
      %add3A_155 = arith.addf %get3A_150, %get3A_154 : vector<16xf32>
      %swap3A_156 = arith.index_cast %scan3A_78 : i32 to index
      %swap3A_157 = arith.constant 80 : index
      %swap3A_158 = tpu.vector_load %arg11[%swap3A_156, %swap3A_157] {strides = array<i32>} : memref<80x128xf32, #tpu.memory_space<vmem>>, vector<1x16xf32>,
      %swap3A_159 = vector.shape_cast %swap3A_158 : vector<1x16xf32> to vector<16xf32>
      %swap3A_160 = vector.shape_cast %add3A_155 : vector<16xf32> to vector<1x16xf32>
      tpu.vector_store %arg11[%swap3A_156, %swap3A_157], %swap3A_160 {strides = array<i32>} : memref<80x128xf32, #tpu.memory_space<vmem>>, vector<1x16xf32>,
      %get3A_161 = arith.index_cast %scan3A_78 : i32 to index
      %get3A_162 = arith.constant 96 : index
      %get3A_163 = tpu.vector_load %arg11[%get3A_161, %get3A_162] {strides = array<i32>} : memref<80x128xf32, #tpu.memory_space<vmem>>, vector<1x16xf32>,
      %get3A_164 = vector.shape_cast %get3A_163 : vector<1x16xf32> to vector<16xf32>
      %get3A_165 = arith.index_cast %scan3A_78 : i32 to index
      %get3A_166 = arith.constant 96 : index
      %get3A_167 = tpu.vector_load %arg12[%get3A_165, %get3A_166] {strides = array<i32>} : memref<80x128xf32, #tpu.memory_space<vmem>>, vector<1x16xf32>,
      %get3A_168 = vector.shape_cast %get3A_167 : vector<1x16xf32> to vector<16xf32>
      %add3A_169 = arith.addf %get3A_164, %get3A_168 : vector<16xf32>
      %swap3A_170 = arith.index_cast %scan3A_78 : i32 to index
      %swap3A_171 = arith.constant 96 : index
      %swap3A_172 = tpu.vector_load %arg11[%swap3A_170, %swap3A_171] {strides = array<i32>} : memref<80x128xf32, #tpu.memory_space<vmem>>, vector<1x16xf32>,
      %swap3A_173 = vector.shape_cast %swap3A_172 : vector<1x16xf32> to vector<16xf32>
      %swap3A_174 = vector.shape_cast %add3A_169 : vector<16xf32> to vector<1x16xf32>
      tpu.vector_store %arg11[%swap3A_170, %swap3A_171], %swap3A_174 {strides = array<i32>} : memref<80x128xf32, #tpu.memory_space<vmem>>, vector<1x16xf32>,
      %get3A_175 = arith.index_cast %scan3A_78 : i32 to index
      %get3A_176 = arith.constant 112 : index
      %get3A_177 = tpu.vector_load %arg11[%get3A_175, %get3A_176] {strides = array<i32>} : memref<80x128xf32, #tpu.memory_space<vmem>>, vector<1x16xf32>,
      %get3A_178 = vector.shape_cast %get3A_177 : vector<1x16xf32> to vector<16xf32>
      %get3A_179 = arith.index_cast %scan3A_78 : i32 to index
      %get3A_180 = arith.constant 112 : index
      %get3A_181 = tpu.vector_load %arg12[%get3A_179, %get3A_180] {strides = array<i32>} : memref<80x128xf32, #tpu.memory_space<vmem>>, vector<1x16xf32>,
      %get3A_182 = vector.shape_cast %get3A_181 : vector<1x16xf32> to vector<16xf32>
      %add3A_183 = arith.addf %get3A_178, %get3A_182 : vector<16xf32>
      %swap3A_184 = arith.index_cast %scan3A_78 : i32 to index
      %swap3A_185 = arith.constant 112 : index
      %swap3A_186 = tpu.vector_load %arg11[%swap3A_184, %swap3A_185] {strides = array<i32>} : memref<80x128xf32, #tpu.memory_space<vmem>>, vector<1x16xf32>,
      %swap3A_187 = vector.shape_cast %swap3A_186 : vector<1x16xf32> to vector<16xf32>
      %swap3A_188 = vector.shape_cast %add3A_183 : vector<16xf32> to vector<1x16xf32>
      tpu.vector_store %arg11[%swap3A_184, %swap3A_185], %swap3A_188 {strides = array<i32>} : memref<80x128xf32, #tpu.memory_space<vmem>>, vector<1x16xf32>,
      %get3A_189 = arith.index_cast %scan3A_78 : i32 to index
      %get3A_190 = arith.constant 0 : index
      %get3A_191 = tpu.vector_load %arg13[%get3A_189, %get3A_190] {strides = array<i32>} : memref<80x16xf32, #tpu.memory_space<vmem>>, vector<1x16xf32>,
      %get3A_192 = vector.shape_cast %get3A_191 : vector<1x16xf32> to vector<16xf32>
      %get3A_193 = arith.index_cast %scan3A_78 : i32 to index
      %get3A_194 = arith.constant 0 : index
      %get3A_195 = tpu.vector_load %arg14[%get3A_193, %get3A_194] {strides = array<i32>} : memref<80x16xf32, #tpu.memory_space<vmem>>, vector<1x16xf32>,
      %get3A_196 = vector.shape_cast %get3A_195 : vector<1x16xf32> to vector<16xf32>
      %sub3A = arith.subf %get3A_192, %get3A_196 : vector<16xf32>
      %swap3A_197 = arith.index_cast %scan3A_78 : i32 to index
      %swap3A_198 = arith.constant 0 : index
      %swap3A_199 = tpu.vector_load %arg13[%swap3A_197, %swap3A_198] {strides = array<i32>} : memref<80x16xf32, #tpu.memory_space<vmem>>, vector<1x16xf32>,
      %swap3A_200 = vector.shape_cast %swap3A_199 : vector<1x16xf32> to vector<16xf32>
      %swap3A_201 = vector.shape_cast %sub3A : vector<16xf32> to vector<1x16xf32>
      tpu.vector_store %arg13[%swap3A_197, %swap3A_198], %swap3A_201 {strides = array<i32>} : memref<80x16xf32, #tpu.memory_space<vmem>>, vector<1x16xf32>,
      %scan3A_202 = arith.constant 1 : i32
      %scan3A_203 = arith.addi %scan3A_78, %scan3A_202 : i32
      %get3A_204 = arith.index_cast %scan3A_203 : i32 to index
      %get3A_205 = arith.constant 0 : index
      %get3A_206 = tpu.vector_load %arg11[%get3A_204, %get3A_205] {strides = array<i32>} : memref<80x128xf32, #tpu.memory_space<vmem>>, vector<1x16xf32>,
      %get3A_207 = vector.shape_cast %get3A_206 : vector<1x16xf32> to vector<16xf32>
      %get3A_208 = arith.index_cast %scan3A_203 : i32 to index
      %get3A_209 = arith.constant 0 : index
      %get3A_210 = tpu.vector_load %arg12[%get3A_208, %get3A_209] {strides = array<i32>} : memref<80x128xf32, #tpu.memory_space<vmem>>, vector<1x16xf32>,
      %get3A_211 = vector.shape_cast %get3A_210 : vector<1x16xf32> to vector<16xf32>
      %add3A_212 = arith.addf %get3A_207, %get3A_211 : vector<16xf32>
      %swap3A_213 = arith.index_cast %scan3A_203 : i32 to index
      %swap3A_214 = arith.constant 0 : index
      %swap3A_215 = tpu.vector_load %arg11[%swap3A_213, %swap3A_214] {strides = array<i32>} : memref<80x128xf32, #tpu.memory_space<vmem>>, vector<1x16xf32>,
      %swap3A_216 = vector.shape_cast %swap3A_215 : vector<1x16xf32> to vector<16xf32>
      %swap3A_217 = vector.shape_cast %add3A_212 : vector<16xf32> to vector<1x16xf32>
      tpu.vector_store %arg11[%swap3A_213, %swap3A_214], %swap3A_217 {strides = array<i32>} : memref<80x128xf32, #tpu.memory_space<vmem>>, vector<1x16xf32>,
      %get3A_218 = arith.index_cast %scan3A_203 : i32 to index
      %get3A_219 = arith.constant 16 : index
      %get3A_220 = tpu.vector_load %arg11[%get3A_218, %get3A_219] {strides = array<i32>} : memref<80x128xf32, #tpu.memory_space<vmem>>, vector<1x16xf32>,
      %get3A_221 = vector.shape_cast %get3A_220 : vector<1x16xf32> to vector<16xf32>
      %get3A_222 = arith.index_cast %scan3A_203 : i32 to index
      %get3A_223 = arith.constant 16 : index
      %get3A_224 = tpu.vector_load %arg12[%get3A_222, %get3A_223] {strides = array<i32>} : memref<80x128xf32, #tpu.memory_space<vmem>>, vector<1x16xf32>,
      %get3A_225 = vector.shape_cast %get3A_224 : vector<1x16xf32> to vector<16xf32>
      %add3A_226 = arith.addf %get3A_221, %get3A_225 : vector<16xf32>
      %swap3A_227 = arith.index_cast %scan3A_203 : i32 to index
      %swap3A_228 = arith.constant 16 : index
      %swap3A_229 = tpu.vector_load %arg11[%swap3A_227, %swap3A_228] {strides = array<i32>} : memref<80x128xf32, #tpu.memory_space<vmem>>, vector<1x16xf32>,
      %swap3A_230 = vector.shape_cast %swap3A_229 : vector<1x16xf32> to vector<16xf32>
      %swap3A_231 = vector.shape_cast %add3A_226 : vector<16xf32> to vector<1x16xf32>
      tpu.vector_store %arg11[%swap3A_227, %swap3A_228], %swap3A_231 {strides = array<i32>} : memref<80x128xf32, #tpu.memory_space<vmem>>, vector<1x16xf32>,
      %get3A_232 = arith.index_cast %scan3A_203 : i32 to index
      %get3A_233 = arith.constant 32 : index
      %get3A_234 = tpu.vector_load %arg11[%get3A_232, %get3A_233] {strides = array<i32>} : memref<80x128xf32, #tpu.memory_space<vmem>>, vector<1x16xf32>,
      %get3A_235 = vector.shape_cast %get3A_234 : vector<1x16xf32> to vector<16xf32>
      %get3A_236 = arith.index_cast %scan3A_203 : i32 to index
      %get3A_237 = arith.constant 32 : index
      %get3A_238 = tpu.vector_load %arg12[%get3A_236, %get3A_237] {strides = array<i32>} : memref<80x128xf32, #tpu.memory_space<vmem>>, vector<1x16xf32>,
      %get3A_239 = vector.shape_cast %get3A_238 : vector<1x16xf32> to vector<16xf32>
      %add3A_240 = arith.addf %get3A_235, %get3A_239 : vector<16xf32>
      %swap3A_241 = arith.index_cast %scan3A_203 : i32 to index
      %swap3A_242 = arith.constant 32 : index
      %swap3A_243 = tpu.vector_load %arg11[%swap3A_241, %swap3A_242] {strides = array<i32>} : memref<80x128xf32, #tpu.memory_space<vmem>>, vector<1x16xf32>,
      %swap3A_244 = vector.shape_cast %swap3A_243 : vector<1x16xf32> to vector<16xf32>
      %swap3A_245 = vector.shape_cast %add3A_240 : vector<16xf32> to vector<1x16xf32>
      tpu.vector_store %arg11[%swap3A_241, %swap3A_242], %swap3A_245 {strides = array<i32>} : memref<80x128xf32, #tpu.memory_space<vmem>>, vector<1x16xf32>,
      %get3A_246 = arith.index_cast %scan3A_203 : i32 to index
      %get3A_247 = arith.constant 48 : index
      %get3A_248 = tpu.vector_load %arg11[%get3A_246, %get3A_247] {strides = array<i32>} : memref<80x128xf32, #tpu.memory_space<vmem>>, vector<1x16xf32>,
      %get3A_249 = vector.shape_cast %get3A_248 : vector<1x16xf32> to vector<16xf32>
      %get3A_250 = arith.index_cast %scan3A_203 : i32 to index
      %get3A_251 = arith.constant 48 : index
      %get3A_252 = tpu.vector_load %arg12[%get3A_250, %get3A_251] {strides = array<i32>} : memref<80x128xf32, #tpu.memory_space<vmem>>, vector<1x16xf32>,
      %get3A_253 = vector.shape_cast %get3A_252 : vector<1x16xf32> to vector<16xf32>
      %add3A_254 = arith.addf %get3A_249, %get3A_253 : vector<16xf32>
      %swap3A_255 = arith.index_cast %scan3A_203 : i32 to index
      %swap3A_256 = arith.constant 48 : index
      %swap3A_257 = tpu.vector_load %arg11[%swap3A_255, %swap3A_256] {strides = array<i32>} : memref<80x128xf32, #tpu.memory_space<vmem>>, vector<1x16xf32>,
      %swap3A_258 = vector.shape_cast %swap3A_257 : vector<1x16xf32> to vector<16xf32>
      %swap3A_259 = vector.shape_cast %add3A_254 : vector<16xf32> to vector<1x16xf32>
      tpu.vector_store %arg11[%swap3A_255, %swap3A_256], %swap3A_259 {strides = array<i32>} : memref<80x128xf32, #tpu.memory_space<vmem>>, vector<1x16xf32>,
      %get3A_260 = arith.index_cast %scan3A_203 : i32 to index
      %get3A_261 = arith.constant 64 : index
      %get3A_262 = tpu.vector_load %arg11[%get3A_260, %get3A_261] {strides = array<i32>} : memref<80x128xf32, #tpu.memory_space<vmem>>, vector<1x16xf32>,
      %get3A_263 = vector.shape_cast %get3A_262 : vector<1x16xf32> to vector<16xf32>
      %get3A_264 = arith.index_cast %scan3A_203 : i32 to index
      %get3A_265 = arith.constant 64 : index
      %get3A_266 = tpu.vector_load %arg12[%get3A_264, %get3A_265] {strides = array<i32>} : memref<80x128xf32, #tpu.memory_space<vmem>>, vector<1x16xf32>,
      %get3A_267 = vector.shape_cast %get3A_266 : vector<1x16xf32> to vector<16xf32>
      %add3A_268 = arith.addf %get3A_263, %get3A_267 : vector<16xf32>
      %swap3A_269 = arith.index_cast %scan3A_203 : i32 to index
      %swap3A_270 = arith.constant 64 : index
      %swap3A_271 = tpu.vector_load %arg11[%swap3A_269, %swap3A_270] {strides = array<i32>} : memref<80x128xf32, #tpu.memory_space<vmem>>, vector<1x16xf32>,
      %swap3A_272 = vector.shape_cast %swap3A_271 : vector<1x16xf32> to vector<16xf32>
      %swap3A_273 = vector.shape_cast %add3A_268 : vector<16xf32> to vector<1x16xf32>
      tpu.vector_store %arg11[%swap3A_269, %swap3A_270], %swap3A_273 {strides = array<i32>} : memref<80x128xf32, #tpu.memory_space<vmem>>, vector<1x16xf32>,
      %get3A_274 = arith.index_cast %scan3A_203 : i32 to index
      %get3A_275 = arith.constant 80 : index
      %get3A_276 = tpu.vector_load %arg11[%get3A_274, %get3A_275] {strides = array<i32>} : memref<80x128xf32, #tpu.memory_space<vmem>>, vector<1x16xf32>,
      %get3A_277 = vector.shape_cast %get3A_276 : vector<1x16xf32> to vector<16xf32>
      %get3A_278 = arith.index_cast %scan3A_203 : i32 to index
      %get3A_279 = arith.constant 80 : index
      %get3A_280 = tpu.vector_load %arg12[%get3A_278, %get3A_279] {strides = array<i32>} : memref<80x128xf32, #tpu.memory_space<vmem>>, vector<1x16xf32>,
      %get3A_281 = vector.shape_cast %get3A_280 : vector<1x16xf32> to vector<16xf32>
      %add3A_282 = arith.addf %get3A_277, %get3A_281 : vector<16xf32>
      %swap3A_283 = arith.index_cast %scan3A_203 : i32 to index
      %swap3A_284 = arith.constant 80 : index
      %swap3A_285 = tpu.vector_load %arg11[%swap3A_283, %swap3A_284] {strides = array<i32>} : memref<80x128xf32, #tpu.memory_space<vmem>>, vector<1x16xf32>,
      %swap3A_286 = vector.shape_cast %swap3A_285 : vector<1x16xf32> to vector<16xf32>
      %swap3A_287 = vector.shape_cast %add3A_282 : vector<16xf32> to vector<1x16xf32>
      tpu.vector_store %arg11[%swap3A_283, %swap3A_284], %swap3A_287 {strides = array<i32>} : memref<80x128xf32, #tpu.memory_space<vmem>>, vector<1x16xf32>,
      %get3A_288 = arith.index_cast %scan3A_203 : i32 to index
      %get3A_289 = arith.constant 96 : index
      %get3A_290 = tpu.vector_load %arg11[%get3A_288, %get3A_289] {strides = array<i32>} : memref<80x128xf32, #tpu.memory_space<vmem>>, vector<1x16xf32>,
      %get3A_291 = vector.shape_cast %get3A_290 : vector<1x16xf32> to vector<16xf32>
      %get3A_292 = arith.index_cast %scan3A_203 : i32 to index
      %get3A_293 = arith.constant 96 : index
      %get3A_294 = tpu.vector_load %arg12[%get3A_292, %get3A_293] {strides = array<i32>} : memref<80x128xf32, #tpu.memory_space<vmem>>, vector<1x16xf32>,
      %get3A_295 = vector.shape_cast %get3A_294 : vector<1x16xf32> to vector<16xf32>
      %add3A_296 = arith.addf %get3A_291, %get3A_295 : vector<16xf32>
      %swap3A_297 = arith.index_cast %scan3A_203 : i32 to index
      %swap3A_298 = arith.constant 96 : index
      %swap3A_299 = tpu.vector_load %arg11[%swap3A_297, %swap3A_298] {strides = array<i32>} : memref<80x128xf32, #tpu.memory_space<vmem>>, vector<1x16xf32>,
      %swap3A_300 = vector.shape_cast %swap3A_299 : vector<1x16xf32> to vector<16xf32>
      %swap3A_301 = vector.shape_cast %add3A_296 : vector<16xf32> to vector<1x16xf32>
      tpu.vector_store %arg11[%swap3A_297, %swap3A_298], %swap3A_301 {strides = array<i32>} : memref<80x128xf32, #tpu.memory_space<vmem>>, vector<1x16xf32>,
      %get3A_302 = arith.index_cast %scan3A_203 : i32 to index
      %get3A_303 = arith.constant 112 : index
      %get3A_304 = tpu.vector_load %arg11[%get3A_302, %get3A_303] {strides = array<i32>} : memref<80x128xf32, #tpu.memory_space<vmem>>, vector<1x16xf32>,
      %get3A_305 = vector.shape_cast %get3A_304 : vector<1x16xf32> to vector<16xf32>
      %get3A_306 = arith.index_cast %scan3A_203 : i32 to index
      %get3A_307 = arith.constant 112 : index
      %get3A_308 = tpu.vector_load %arg12[%get3A_306, %get3A_307] {strides = array<i32>} : memref<80x128xf32, #tpu.memory_space<vmem>>, vector<1x16xf32>,
      %get3A_309 = vector.shape_cast %get3A_308 : vector<1x16xf32> to vector<16xf32>
      %add3A_310 = arith.addf %get3A_305, %get3A_309 : vector<16xf32>
      %swap3A_311 = arith.index_cast %scan3A_203 : i32 to index
      %swap3A_312 = arith.constant 112 : index
      %swap3A_313 = tpu.vector_load %arg11[%swap3A_311, %swap3A_312] {strides = array<i32>} : memref<80x128xf32, #tpu.memory_space<vmem>>, vector<1x16xf32>,
      %swap3A_314 = vector.shape_cast %swap3A_313 : vector<1x16xf32> to vector<16xf32>
      %swap3A_315 = vector.shape_cast %add3A_310 : vector<16xf32> to vector<1x16xf32>
      tpu.vector_store %arg11[%swap3A_311, %swap3A_312], %swap3A_315 {strides = array<i32>} : memref<80x128xf32, #tpu.memory_space<vmem>>, vector<1x16xf32>,
      %get3A_316 = arith.index_cast %scan3A_203 : i32 to index
      %get3A_317 = arith.constant 0 : index
      %get3A_318 = tpu.vector_load %arg13[%get3A_316, %get3A_317] {strides = array<i32>} : memref<80x16xf32, #tpu.memory_space<vmem>>, vector<1x16xf32>,
      %get3A_319 = vector.shape_cast %get3A_318 : vector<1x16xf32> to vector<16xf32>
      %get3A_320 = arith.index_cast %scan3A_203 : i32 to index
      %get3A_321 = arith.constant 0 : index
      %get3A_322 = tpu.vector_load %arg14[%get3A_320, %get3A_321] {strides = array<i32>} : memref<80x16xf32, #tpu.memory_space<vmem>>, vector<1x16xf32>,
      %get3A_323 = vector.shape_cast %get3A_322 : vector<1x16xf32> to vector<16xf32>
      %sub3A_324 = arith.subf %get3A_319, %get3A_323 : vector<16xf32>
      %swap3A_325 = arith.index_cast %scan3A_203 : i32 to index
      %swap3A_326 = arith.constant 0 : index
      %swap3A_327 = tpu.vector_load %arg13[%swap3A_325, %swap3A_326] {strides = array<i32>} : memref<80x16xf32, #tpu.memory_space<vmem>>, vector<1x16xf32>,
      %swap3A_328 = vector.shape_cast %swap3A_327 : vector<1x16xf32> to vector<16xf32>
      %swap3A_329 = vector.shape_cast %sub3A_324 : vector<16xf32> to vector<1x16xf32>
      tpu.vector_store %arg13[%swap3A_325, %swap3A_326], %swap3A_329 {strides = array<i32>} : memref<80x16xf32, #tpu.memory_space<vmem>>, vector<1x16xf32>,
    }
    %scan3A_51 = arith.constant 80 : i32
    %dma_wait3A_52 = arith.constant 0 : i32
    %dma_wait3A_53 = tpu.memref_slice %arg7[%mul3A_2, %dma_wait3A_52] : memref<320000x128xf32, #tpu.memory_space<hbm>> -> memref<80x128xf32, #tpu.memory_space<hbm>>
    %dma_wait3A_54 = arith.constant 0 : i32
    %dma_wait3A_55 = tpu.memref_slice %arg7[%mul3A_2, %dma_wait3A_54] : memref<320000x128xf32, #tpu.memory_space<hbm>> -> memref<80x128xf32, #tpu.memory_space<hbm>>
    tpu.wait_dma2 semaphore(%arg22 : memref<!tpu.dma_semaphore, #tpu.memory_space<semaphore_mem>>) src(%arg15 : memref<80x128xf32, #tpu.memory_space<vmem>>) dst(%dma_wait3A_55 : memref<80x128xf32, #tpu.memory_space<hbm>>)
    %dma_wait3A_56 = arith.constant 0 : i32
    %dma_wait3A_57 = tpu.memref_slice %arg8[%mul3A_2, %dma_wait3A_56] : memref<320000x16xf32, #tpu.memory_space<hbm>> -> memref<80x16xf32, #tpu.memory_space<hbm>>
    %dma_wait3A_58 = arith.constant 0 : i32
    %dma_wait3A_59 = tpu.memref_slice %arg8[%mul3A_2, %dma_wait3A_58] : memref<320000x16xf32, #tpu.memory_space<hbm>> -> memref<80x16xf32, #tpu.memory_space<hbm>>
    tpu.wait_dma2 semaphore(%arg22 : memref<!tpu.dma_semaphore, #tpu.memory_space<semaphore_mem>>) src(%arg17 : memref<80x16xf32, #tpu.memory_space<vmem>>) dst(%dma_wait3A_59 : memref<80x16xf32, #tpu.memory_space<hbm>>)
    %add3A_60 = arith.constant 9920 : i32
    %add3A_61 = arith.addi %mul3A_2, %add3A_60 : i32
    %dma_start3A_62 = arith.constant 0 : i32
    %dma_start3A_63 = tpu.memref_slice %arg7[%add3A_61, %dma_start3A_62] : memref<320000x128xf32, #tpu.memory_space<hbm>> -> memref<80x128xf32, #tpu.memory_space<hbm>>
    %dma_start3A_64 = arith.constant 0 : i32
    %dma_start3A_65 = tpu.memref_slice %arg7[%add3A_61, %dma_start3A_64] : memref<320000x128xf32, #tpu.memory_space<hbm>> -> memref<80x128xf32, #tpu.memory_space<hbm>>
    tpu.enqueue_dma source(%arg11 : memref<80x128xf32, #tpu.memory_space<vmem>>) target(%dma_start3A_65 : memref<80x128xf32, #tpu.memory_space<hbm>>) target_semaphore(%arg21 : memref<!tpu.dma_semaphore, #tpu.memory_space<semaphore_mem>>)
    %dma_start3A_66 = arith.constant 0 : i32
    %dma_start3A_67 = tpu.memref_slice %arg8[%add3A_61, %dma_start3A_66] : memref<320000x16xf32, #tpu.memory_space<hbm>> -> memref<80x16xf32, #tpu.memory_space<hbm>>
    %dma_start3A_68 = arith.constant 0 : i32
    %dma_start3A_69 = tpu.memref_slice %arg8[%add3A_61, %dma_start3A_68] : memref<320000x16xf32, #tpu.memory_space<hbm>> -> memref<80x16xf32, #tpu.memory_space<hbm>>
    tpu.enqueue_dma source(%arg13 : memref<80x16xf32, #tpu.memory_space<vmem>>) target(%dma_start3A_69 : memref<80x16xf32, #tpu.memory_space<hbm>>) target_semaphore(%arg21 : memref<!tpu.dma_semaphore, #tpu.memory_space<semaphore_mem>>)
    %dma_wait3A_70 = arith.constant 0 : i32
    %dma_wait3A_71 = tpu.memref_slice %arg7[%mul3A_2, %dma_wait3A_70] : memref<320000x128xf32, #tpu.memory_space<hbm>> -> memref<80x128xf32, #tpu.memory_space<hbm>>
    %dma_wait3A_72 = arith.constant 0 : i32
    %dma_wait3A_73 = tpu.memref_slice %arg7[%mul3A_2, %dma_wait3A_72] : memref<320000x128xf32, #tpu.memory_space<hbm>> -> memref<80x128xf32, #tpu.memory_space<hbm>>
    tpu.wait_dma2 semaphore(%arg21 : memref<!tpu.dma_semaphore, #tpu.memory_space<semaphore_mem>>) src(%arg11 : memref<80x128xf32, #tpu.memory_space<vmem>>) dst(%dma_wait3A_73 : memref<80x128xf32, #tpu.memory_space<hbm>>)
    %dma_wait3A_74 = arith.constant 0 : i32
    %dma_wait3A_75 = tpu.memref_slice %arg8[%mul3A_2, %dma_wait3A_74] : memref<320000x16xf32, #tpu.memory_space<hbm>> -> memref<80x16xf32, #tpu.memory_space<hbm>>
    %dma_wait3A_76 = arith.constant 0 : i32
    %dma_wait3A_77 = tpu.memref_slice %arg8[%mul3A_2, %dma_wait3A_76] : memref<320000x16xf32, #tpu.memory_space<hbm>> -> memref<80x16xf32, #tpu.memory_space<hbm>>
    tpu.wait_dma2 semaphore(%arg21 : memref<!tpu.dma_semaphore, #tpu.memory_space<semaphore_mem>>) src(%arg13 : memref<80x16xf32, #tpu.memory_space<vmem>>) dst(%dma_wait3A_77 : memref<80x16xf32, #tpu.memory_space<hbm>>)
    return
  }
}

#map = affine_map<(d0, d1) -> (0, 0)>
#map1 = affine_map<(d0, d1) -> (0)>
#map2 = affine_map<(d0, d1) -> (0, 0, 0)>
module attributes {stable_mosaic.version = 14 : i64} {
  func.func @k(%arg0: i32, %arg1: i32, %arg2: memref<320000x128xf32, #tpu.memory_space<hbm>>, %arg3: memref<320000x16xf32, #tpu.memory_space<hbm>>, %arg4: memref<320000xi32, #tpu.memory_space<hbm>>, %arg5: memref<640x128xf32, #tpu.memory_space<hbm>>, %arg6: memref<640x16xf32, #tpu.memory_space<hbm>>, %arg7: memref<2x10240x128xf32, #tpu.memory_space<hbm>>, %arg8: memref<2x10240x16xf32, #tpu.memory_space<hbm>>, %arg9: memref<80xi32, #tpu.memory_space<vmem>>, %arg10: memref<80xi32, #tpu.memory_space<vmem>>, %arg11: memref<80x128xf32, #tpu.memory_space<vmem>>, %arg12: memref<80x128xf32, #tpu.memory_space<vmem>>, %arg13: memref<80x16xf32, #tpu.memory_space<vmem>>, %arg14: memref<80x16xf32, #tpu.memory_space<vmem>>, %arg15: memref<10240x128xf32, #tpu.memory_space<vmem_shared>>, %arg16: memref<10240x16xf32, #tpu.memory_space<vmem_shared>>, %arg17: memref<!tpu.dma_semaphore, #tpu.memory_space<semaphore_mem>>, %arg18: memref<!tpu.dma_semaphore, #tpu.memory_space<semaphore_mem>>) attributes {dimension_semantics = [#tpu.dimension_semantics<core_parallel>, #tpu.dimension_semantics<subcore_parallel>], iteration_bounds = array<i64: 2, 16>, scalar_prefetch = 0 : i64, scratch_operands = 10 : i64, tpu.core_type = #tpu.core_type<sc_vector_subcore>, window_params = [{transform_indices = #map}, {transform_indices = #map}, {transform_indices = #map1}, {transform_indices = #map}, {transform_indices = #map}, {transform_indices = #map2}, {transform_indices = #map2}]} {
    %mul3A = arith.constant 640 : i32
    %mul3A_0 = arith.muli %arg1, %mul3A : i32
    "tpu.region"() ({
      %run_scoped3A = tpu.sem_alloc : memref<!tpu.dma_semaphore, #tpu.memory_space<semaphore_mem>>
      %dma_start3A_31 = arith.constant 0 : i32
      %dma_start3A_32 = tpu.memref_slice %arg15[%mul3A_0, %dma_start3A_31] : memref<10240x128xf32, #tpu.memory_space<vmem_shared>> -> memref<640x128xf32, #tpu.memory_space<vmem_shared>>
      tpu.enqueue_dma source(%arg5 : memref<640x128xf32, #tpu.memory_space<hbm>>) target(%dma_start3A_32 : memref<640x128xf32, #tpu.memory_space<vmem_shared>>) target_semaphore(%run_scoped3A : memref<!tpu.dma_semaphore, #tpu.memory_space<semaphore_mem>>)
      %dma_wait3A_33 = arith.constant 0 : i32
      %dma_wait3A_34 = tpu.memref_slice %arg15[%mul3A_0, %dma_wait3A_33] : memref<10240x128xf32, #tpu.memory_space<vmem_shared>> -> memref<640x128xf32, #tpu.memory_space<vmem_shared>>
      tpu.wait_dma2 semaphore(%run_scoped3A : memref<!tpu.dma_semaphore, #tpu.memory_space<semaphore_mem>>) src(%arg5 : memref<640x128xf32, #tpu.memory_space<hbm>>) dst(%dma_wait3A_34 : memref<640x128xf32, #tpu.memory_space<vmem_shared>>)
      tpu.yield
    }) : () -> ()
    "tpu.region"() ({
      %run_scoped3A = tpu.sem_alloc : memref<!tpu.dma_semaphore, #tpu.memory_space<semaphore_mem>>
      %dma_start3A_31 = arith.constant 0 : i32
      %dma_start3A_32 = tpu.memref_slice %arg16[%mul3A_0, %dma_start3A_31] : memref<10240x16xf32, #tpu.memory_space<vmem_shared>> -> memref<640x16xf32, #tpu.memory_space<vmem_shared>>
      tpu.enqueue_dma source(%arg6 : memref<640x16xf32, #tpu.memory_space<hbm>>) target(%dma_start3A_32 : memref<640x16xf32, #tpu.memory_space<vmem_shared>>) target_semaphore(%run_scoped3A : memref<!tpu.dma_semaphore, #tpu.memory_space<semaphore_mem>>)
      %dma_wait3A_33 = arith.constant 0 : i32
      %dma_wait3A_34 = tpu.memref_slice %arg16[%mul3A_0, %dma_wait3A_33] : memref<10240x16xf32, #tpu.memory_space<vmem_shared>> -> memref<640x16xf32, #tpu.memory_space<vmem_shared>>
      tpu.wait_dma2 semaphore(%run_scoped3A : memref<!tpu.dma_semaphore, #tpu.memory_space<semaphore_mem>>) src(%arg6 : memref<640x16xf32, #tpu.memory_space<hbm>>) dst(%dma_wait3A_34 : memref<640x16xf32, #tpu.memory_space<vmem_shared>>)
      tpu.yield
    }) : () -> ()
    %mul3A_1 = arith.constant 16 : i32
    %mul3A_2 = arith.muli %arg0, %mul3A_1 : i32
    %add3A = arith.addi %mul3A_2, %arg1 : i32
    %mul3A_3 = arith.constant 10000 : i32
    %mul3A_4 = arith.muli %add3A, %mul3A_3 : i32
    %barrier3A = arith.constant 0 : index
    tpu.barrier barrier_id(%barrier3A)
    %add3A_5 = arith.constant 0 : i32
    %add3A_6 = arith.addi %mul3A_4, %add3A_5 : i32
    %dma_start3A = arith.constant 0 : i32
    %dma_start3A_7 = tpu.memref_slice %arg2[%add3A_6, %dma_start3A] : memref<320000x128xf32, #tpu.memory_space<hbm>> -> memref<80x128xf32, #tpu.memory_space<hbm>>
    %dma_start3A_8 = arith.constant 0 : i32
    %dma_start3A_9 = tpu.memref_slice %arg2[%add3A_6, %dma_start3A_8] : memref<320000x128xf32, #tpu.memory_space<hbm>> -> memref<80x128xf32, #tpu.memory_space<hbm>>
    tpu.enqueue_dma source(%dma_start3A_9 : memref<80x128xf32, #tpu.memory_space<hbm>>) target(%arg11 : memref<80x128xf32, #tpu.memory_space<vmem>>) target_semaphore(%arg17 : memref<!tpu.dma_semaphore, #tpu.memory_space<semaphore_mem>>)
    %dma_start3A_10 = arith.constant 0 : i32
    %dma_start3A_11 = tpu.memref_slice %arg3[%add3A_6, %dma_start3A_10] : memref<320000x16xf32, #tpu.memory_space<hbm>> -> memref<80x16xf32, #tpu.memory_space<hbm>>
    %dma_start3A_12 = arith.constant 0 : i32
    %dma_start3A_13 = tpu.memref_slice %arg3[%add3A_6, %dma_start3A_12] : memref<320000x16xf32, #tpu.memory_space<hbm>> -> memref<80x16xf32, #tpu.memory_space<hbm>>
    tpu.enqueue_dma source(%dma_start3A_13 : memref<80x16xf32, #tpu.memory_space<hbm>>) target(%arg13 : memref<80x16xf32, #tpu.memory_space<vmem>>) target_semaphore(%arg17 : memref<!tpu.dma_semaphore, #tpu.memory_space<semaphore_mem>>)
    %dma_start3A_14 = tpu.memref_slice %arg4[%add3A_6] : memref<320000xi32, #tpu.memory_space<hbm>> -> memref<80xi32, #tpu.memory_space<hbm>>
    %dma_start3A_15 = tpu.memref_slice %arg4[%add3A_6] : memref<320000xi32, #tpu.memory_space<hbm>> -> memref<80xi32, #tpu.memory_space<hbm>>
    tpu.enqueue_dma source(%dma_start3A_15 : memref<80xi32, #tpu.memory_space<hbm>>) target(%arg9 : memref<80xi32, #tpu.memory_space<vmem>>) target_semaphore(%arg17 : memref<!tpu.dma_semaphore, #tpu.memory_space<semaphore_mem>>)
    %scan3A = arith.constant 0 : i32
    %scan3A_16 = arith.constant 0 : i32
    %scan3A_17 = arith.constant 62 : i32
    %scan3A_18 = arith.addi %scan3A_16, %scan3A_17 : i32
    %scan3A_19 = arith.constant 1 : i32
    scf.for %scan3A_31 = %scan3A_16 to %scan3A_18 step %scan3A_19  : i32 {
      %mul3A_32 = arith.constant 2 : i32
      %mul3A_33 = arith.muli %mul3A_32, %scan3A_31 : i32
      %dma_wait3A_34 = arith.constant 0 : i32
      %dma_wait3A_35 = tpu.memref_slice %arg2[%mul3A_4, %dma_wait3A_34] : memref<320000x128xf32, #tpu.memory_space<hbm>> -> memref<80x128xf32, #tpu.memory_space<hbm>>
      %dma_wait3A_36 = arith.constant 0 : i32
      %dma_wait3A_37 = tpu.memref_slice %arg2[%mul3A_4, %dma_wait3A_36] : memref<320000x128xf32, #tpu.memory_space<hbm>> -> memref<80x128xf32, #tpu.memory_space<hbm>>
      tpu.wait_dma2 semaphore(%arg17 : memref<!tpu.dma_semaphore, #tpu.memory_space<semaphore_mem>>) src(%dma_wait3A_37 : memref<80x128xf32, #tpu.memory_space<hbm>>) dst(%arg11 : memref<80x128xf32, #tpu.memory_space<vmem>>)
      %dma_wait3A_38 = arith.constant 0 : i32
      %dma_wait3A_39 = tpu.memref_slice %arg3[%mul3A_4, %dma_wait3A_38] : memref<320000x16xf32, #tpu.memory_space<hbm>> -> memref<80x16xf32, #tpu.memory_space<hbm>>
      %dma_wait3A_40 = arith.constant 0 : i32
      %dma_wait3A_41 = tpu.memref_slice %arg3[%mul3A_4, %dma_wait3A_40] : memref<320000x16xf32, #tpu.memory_space<hbm>> -> memref<80x16xf32, #tpu.memory_space<hbm>>
      tpu.wait_dma2 semaphore(%arg17 : memref<!tpu.dma_semaphore, #tpu.memory_space<semaphore_mem>>) src(%dma_wait3A_41 : memref<80x16xf32, #tpu.memory_space<hbm>>) dst(%arg13 : memref<80x16xf32, #tpu.memory_space<vmem>>)
      %dma_wait3A_42 = tpu.memref_slice %arg4[%mul3A_4] : memref<320000xi32, #tpu.memory_space<hbm>> -> memref<80xi32, #tpu.memory_space<hbm>>
      %dma_wait3A_43 = tpu.memref_slice %arg4[%mul3A_4] : memref<320000xi32, #tpu.memory_space<hbm>> -> memref<80xi32, #tpu.memory_space<hbm>>
      tpu.wait_dma2 semaphore(%arg17 : memref<!tpu.dma_semaphore, #tpu.memory_space<semaphore_mem>>) src(%dma_wait3A_43 : memref<80xi32, #tpu.memory_space<hbm>>) dst(%arg9 : memref<80xi32, #tpu.memory_space<vmem>>)
      %add3A_44 = arith.constant 1 : i32
      %add3A_45 = arith.addi %mul3A_33, %add3A_44 : i32
      %mul3A_46 = arith.constant 80 : i32
      %mul3A_47 = arith.muli %add3A_45, %mul3A_46 : i32
      %add3A_48 = arith.addi %mul3A_4, %mul3A_47 : i32
      %dma_start3A_49 = arith.constant 0 : i32
      %dma_start3A_50 = tpu.memref_slice %arg2[%add3A_48, %dma_start3A_49] : memref<320000x128xf32, #tpu.memory_space<hbm>> -> memref<80x128xf32, #tpu.memory_space<hbm>>
      %dma_start3A_51 = arith.constant 0 : i32
      %dma_start3A_52 = tpu.memref_slice %arg2[%add3A_48, %dma_start3A_51] : memref<320000x128xf32, #tpu.memory_space<hbm>> -> memref<80x128xf32, #tpu.memory_space<hbm>>
      tpu.enqueue_dma source(%dma_start3A_52 : memref<80x128xf32, #tpu.memory_space<hbm>>) target(%arg12 : memref<80x128xf32, #tpu.memory_space<vmem>>) target_semaphore(%arg18 : memref<!tpu.dma_semaphore, #tpu.memory_space<semaphore_mem>>)
      %dma_start3A_53 = arith.constant 0 : i32
      %dma_start3A_54 = tpu.memref_slice %arg3[%add3A_48, %dma_start3A_53] : memref<320000x16xf32, #tpu.memory_space<hbm>> -> memref<80x16xf32, #tpu.memory_space<hbm>>
      %dma_start3A_55 = arith.constant 0 : i32
      %dma_start3A_56 = tpu.memref_slice %arg3[%add3A_48, %dma_start3A_55] : memref<320000x16xf32, #tpu.memory_space<hbm>> -> memref<80x16xf32, #tpu.memory_space<hbm>>
      tpu.enqueue_dma source(%dma_start3A_56 : memref<80x16xf32, #tpu.memory_space<hbm>>) target(%arg14 : memref<80x16xf32, #tpu.memory_space<vmem>>) target_semaphore(%arg18 : memref<!tpu.dma_semaphore, #tpu.memory_space<semaphore_mem>>)
      %dma_start3A_57 = tpu.memref_slice %arg4[%add3A_48] : memref<320000xi32, #tpu.memory_space<hbm>> -> memref<80xi32, #tpu.memory_space<hbm>>
      %dma_start3A_58 = tpu.memref_slice %arg4[%add3A_48] : memref<320000xi32, #tpu.memory_space<hbm>> -> memref<80xi32, #tpu.memory_space<hbm>>
      tpu.enqueue_dma source(%dma_start3A_58 : memref<80xi32, #tpu.memory_space<hbm>>) target(%arg10 : memref<80xi32, #tpu.memory_space<vmem>>) target_semaphore(%arg18 : memref<!tpu.dma_semaphore, #tpu.memory_space<semaphore_mem>>)
      "tpu.region"() ({
        %run_scoped3A = tpu.sem_alloc : memref<!tpu.dma_semaphore, #tpu.memory_space<semaphore_mem>>
        %dma_start3A_84 = arith.constant 0 : i32
        %dma_start3A_85 = arith.constant 0 : i32
        %dma_start3A_86 = tpu.memref_slice %arg15[%dma_start3A_84, %dma_start3A_85] : memref<10240x128xf32, #tpu.memory_space<vmem_shared>> -> memref<10240x128xf32, #tpu.memory_space<vmem_shared>>
        tpu.enqueue_indirect_dma source(%arg11 : memref<80x128xf32, #tpu.memory_space<vmem>>) target(%dma_start3A_86 : memref<10240x128xf32, #tpu.memory_space<vmem_shared>>) offsets(%arg9 : memref<80xi32, #tpu.memory_space<vmem>>) semaphore(%run_scoped3A : memref<!tpu.dma_semaphore, #tpu.memory_space<semaphore_mem>>) {add = true}
        %dma_wait3A_87 = arith.constant 0 : i32
        %dma_wait3A_88 = arith.constant 0 : i32
        %dma_wait3A_89 = tpu.memref_slice %arg15[%dma_wait3A_87, %dma_wait3A_88] : memref<10240x128xf32, #tpu.memory_space<vmem_shared>> -> memref<10240x128xf32, #tpu.memory_space<vmem_shared>>
        tpu.wait_indirect_dma semaphore(%run_scoped3A : memref<!tpu.dma_semaphore, #tpu.memory_space<semaphore_mem>>) src(%arg11 : memref<80x128xf32, #tpu.memory_space<vmem>>) dst(%dma_wait3A_89 : memref<10240x128xf32, #tpu.memory_space<vmem_shared>>)
        tpu.yield
      }) : () -> ()
      "tpu.region"() ({
        %run_scoped3A = tpu.sem_alloc : memref<!tpu.dma_semaphore, #tpu.memory_space<semaphore_mem>>
        %dma_start3A_84 = arith.constant 0 : i32
        %dma_start3A_85 = arith.constant 0 : i32
        %dma_start3A_86 = tpu.memref_slice %arg16[%dma_start3A_84, %dma_start3A_85] : memref<10240x16xf32, #tpu.memory_space<vmem_shared>> -> memref<10240x16xf32, #tpu.memory_space<vmem_shared>>
        tpu.enqueue_indirect_dma source(%arg13 : memref<80x16xf32, #tpu.memory_space<vmem>>) target(%dma_start3A_86 : memref<10240x16xf32, #tpu.memory_space<vmem_shared>>) offsets(%arg9 : memref<80xi32, #tpu.memory_space<vmem>>) semaphore(%run_scoped3A : memref<!tpu.dma_semaphore, #tpu.memory_space<semaphore_mem>>) {add = true}
        %dma_wait3A_87 = arith.constant 0 : i32
        %dma_wait3A_88 = arith.constant 0 : i32
        %dma_wait3A_89 = tpu.memref_slice %arg16[%dma_wait3A_87, %dma_wait3A_88] : memref<10240x16xf32, #tpu.memory_space<vmem_shared>> -> memref<10240x16xf32, #tpu.memory_space<vmem_shared>>
        tpu.wait_indirect_dma semaphore(%run_scoped3A : memref<!tpu.dma_semaphore, #tpu.memory_space<semaphore_mem>>) src(%arg13 : memref<80x16xf32, #tpu.memory_space<vmem>>) dst(%dma_wait3A_89 : memref<10240x16xf32, #tpu.memory_space<vmem_shared>>)
        tpu.yield
      }) : () -> ()
      %dma_wait3A_59 = arith.constant 0 : i32
      %dma_wait3A_60 = tpu.memref_slice %arg2[%mul3A_4, %dma_wait3A_59] : memref<320000x128xf32, #tpu.memory_space<hbm>> -> memref<80x128xf32, #tpu.memory_space<hbm>>
      %dma_wait3A_61 = arith.constant 0 : i32
      %dma_wait3A_62 = tpu.memref_slice %arg2[%mul3A_4, %dma_wait3A_61] : memref<320000x128xf32, #tpu.memory_space<hbm>> -> memref<80x128xf32, #tpu.memory_space<hbm>>
      tpu.wait_dma2 semaphore(%arg18 : memref<!tpu.dma_semaphore, #tpu.memory_space<semaphore_mem>>) src(%dma_wait3A_62 : memref<80x128xf32, #tpu.memory_space<hbm>>) dst(%arg12 : memref<80x128xf32, #tpu.memory_space<vmem>>)
      %dma_wait3A_63 = arith.constant 0 : i32
      %dma_wait3A_64 = tpu.memref_slice %arg3[%mul3A_4, %dma_wait3A_63] : memref<320000x16xf32, #tpu.memory_space<hbm>> -> memref<80x16xf32, #tpu.memory_space<hbm>>
      %dma_wait3A_65 = arith.constant 0 : i32
      %dma_wait3A_66 = tpu.memref_slice %arg3[%mul3A_4, %dma_wait3A_65] : memref<320000x16xf32, #tpu.memory_space<hbm>> -> memref<80x16xf32, #tpu.memory_space<hbm>>
      tpu.wait_dma2 semaphore(%arg18 : memref<!tpu.dma_semaphore, #tpu.memory_space<semaphore_mem>>) src(%dma_wait3A_66 : memref<80x16xf32, #tpu.memory_space<hbm>>) dst(%arg14 : memref<80x16xf32, #tpu.memory_space<vmem>>)
      %dma_wait3A_67 = tpu.memref_slice %arg4[%mul3A_4] : memref<320000xi32, #tpu.memory_space<hbm>> -> memref<80xi32, #tpu.memory_space<hbm>>
      %dma_wait3A_68 = tpu.memref_slice %arg4[%mul3A_4] : memref<320000xi32, #tpu.memory_space<hbm>> -> memref<80xi32, #tpu.memory_space<hbm>>
      tpu.wait_dma2 semaphore(%arg18 : memref<!tpu.dma_semaphore, #tpu.memory_space<semaphore_mem>>) src(%dma_wait3A_68 : memref<80xi32, #tpu.memory_space<hbm>>) dst(%arg10 : memref<80xi32, #tpu.memory_space<vmem>>)
      %add3A_69 = arith.constant 2 : i32
      %add3A_70 = arith.addi %mul3A_33, %add3A_69 : i32
      %mul3A_71 = arith.constant 80 : i32
      %mul3A_72 = arith.muli %add3A_70, %mul3A_71 : i32
      %add3A_73 = arith.addi %mul3A_4, %mul3A_72 : i32
      %dma_start3A_74 = arith.constant 0 : i32
      %dma_start3A_75 = tpu.memref_slice %arg2[%add3A_73, %dma_start3A_74] : memref<320000x128xf32, #tpu.memory_space<hbm>> -> memref<80x128xf32, #tpu.memory_space<hbm>>
      %dma_start3A_76 = arith.constant 0 : i32
      %dma_start3A_77 = tpu.memref_slice %arg2[%add3A_73, %dma_start3A_76] : memref<320000x128xf32, #tpu.memory_space<hbm>> -> memref<80x128xf32, #tpu.memory_space<hbm>>
      tpu.enqueue_dma source(%dma_start3A_77 : memref<80x128xf32, #tpu.memory_space<hbm>>) target(%arg11 : memref<80x128xf32, #tpu.memory_space<vmem>>) target_semaphore(%arg17 : memref<!tpu.dma_semaphore, #tpu.memory_space<semaphore_mem>>)
      %dma_start3A_78 = arith.constant 0 : i32
      %dma_start3A_79 = tpu.memref_slice %arg3[%add3A_73, %dma_start3A_78] : memref<320000x16xf32, #tpu.memory_space<hbm>> -> memref<80x16xf32, #tpu.memory_space<hbm>>
      %dma_start3A_80 = arith.constant 0 : i32
      %dma_start3A_81 = tpu.memref_slice %arg3[%add3A_73, %dma_start3A_80] : memref<320000x16xf32, #tpu.memory_space<hbm>> -> memref<80x16xf32, #tpu.memory_space<hbm>>
      tpu.enqueue_dma source(%dma_start3A_81 : memref<80x16xf32, #tpu.memory_space<hbm>>) target(%arg13 : memref<80x16xf32, #tpu.memory_space<vmem>>) target_semaphore(%arg17 : memref<!tpu.dma_semaphore, #tpu.memory_space<semaphore_mem>>)
      %dma_start3A_82 = tpu.memref_slice %arg4[%add3A_73] : memref<320000xi32, #tpu.memory_space<hbm>> -> memref<80xi32, #tpu.memory_space<hbm>>
      %dma_start3A_83 = tpu.memref_slice %arg4[%add3A_73] : memref<320000xi32, #tpu.memory_space<hbm>> -> memref<80xi32, #tpu.memory_space<hbm>>
      tpu.enqueue_dma source(%dma_start3A_83 : memref<80xi32, #tpu.memory_space<hbm>>) target(%arg9 : memref<80xi32, #tpu.memory_space<vmem>>) target_semaphore(%arg17 : memref<!tpu.dma_semaphore, #tpu.memory_space<semaphore_mem>>)
      "tpu.region"() ({
        %run_scoped3A = tpu.sem_alloc : memref<!tpu.dma_semaphore, #tpu.memory_space<semaphore_mem>>
        %dma_start3A_84 = arith.constant 0 : i32
        %dma_start3A_85 = arith.constant 0 : i32
        %dma_start3A_86 = tpu.memref_slice %arg15[%dma_start3A_84, %dma_start3A_85] : memref<10240x128xf32, #tpu.memory_space<vmem_shared>> -> memref<10240x128xf32, #tpu.memory_space<vmem_shared>>
        tpu.enqueue_indirect_dma source(%arg12 : memref<80x128xf32, #tpu.memory_space<vmem>>) target(%dma_start3A_86 : memref<10240x128xf32, #tpu.memory_space<vmem_shared>>) offsets(%arg10 : memref<80xi32, #tpu.memory_space<vmem>>) semaphore(%run_scoped3A : memref<!tpu.dma_semaphore, #tpu.memory_space<semaphore_mem>>) {add = true}
        %dma_wait3A_87 = arith.constant 0 : i32
        %dma_wait3A_88 = arith.constant 0 : i32
        %dma_wait3A_89 = tpu.memref_slice %arg15[%dma_wait3A_87, %dma_wait3A_88] : memref<10240x128xf32, #tpu.memory_space<vmem_shared>> -> memref<10240x128xf32, #tpu.memory_space<vmem_shared>>
        tpu.wait_indirect_dma semaphore(%run_scoped3A : memref<!tpu.dma_semaphore, #tpu.memory_space<semaphore_mem>>) src(%arg12 : memref<80x128xf32, #tpu.memory_space<vmem>>) dst(%dma_wait3A_89 : memref<10240x128xf32, #tpu.memory_space<vmem_shared>>)
        tpu.yield
      }) : () -> ()
      "tpu.region"() ({
        %run_scoped3A = tpu.sem_alloc : memref<!tpu.dma_semaphore, #tpu.memory_space<semaphore_mem>>
        %dma_start3A_84 = arith.constant 0 : i32
        %dma_start3A_85 = arith.constant 0 : i32
        %dma_start3A_86 = tpu.memref_slice %arg16[%dma_start3A_84, %dma_start3A_85] : memref<10240x16xf32, #tpu.memory_space<vmem_shared>> -> memref<10240x16xf32, #tpu.memory_space<vmem_shared>>
        tpu.enqueue_indirect_dma source(%arg14 : memref<80x16xf32, #tpu.memory_space<vmem>>) target(%dma_start3A_86 : memref<10240x16xf32, #tpu.memory_space<vmem_shared>>) offsets(%arg10 : memref<80xi32, #tpu.memory_space<vmem>>) semaphore(%run_scoped3A : memref<!tpu.dma_semaphore, #tpu.memory_space<semaphore_mem>>) {add = true}
        %dma_wait3A_87 = arith.constant 0 : i32
        %dma_wait3A_88 = arith.constant 0 : i32
        %dma_wait3A_89 = tpu.memref_slice %arg16[%dma_wait3A_87, %dma_wait3A_88] : memref<10240x16xf32, #tpu.memory_space<vmem_shared>> -> memref<10240x16xf32, #tpu.memory_space<vmem_shared>>
        tpu.wait_indirect_dma semaphore(%run_scoped3A : memref<!tpu.dma_semaphore, #tpu.memory_space<semaphore_mem>>) src(%arg14 : memref<80x16xf32, #tpu.memory_space<vmem>>) dst(%dma_wait3A_89 : memref<10240x16xf32, #tpu.memory_space<vmem_shared>>)
        tpu.yield
      }) : () -> ()
    }
    %scan3A_20 = arith.constant 62 : i32
    %dma_wait3A = arith.constant 0 : i32
    %dma_wait3A_21 = tpu.memref_slice %arg2[%mul3A_4, %dma_wait3A] : memref<320000x128xf32, #tpu.memory_space<hbm>> -> memref<80x128xf32, #tpu.memory_space<hbm>>
    %dma_wait3A_22 = arith.constant 0 : i32
    %dma_wait3A_23 = tpu.memref_slice %arg2[%mul3A_4, %dma_wait3A_22] : memref<320000x128xf32, #tpu.memory_space<hbm>> -> memref<80x128xf32, #tpu.memory_space<hbm>>
    tpu.wait_dma2 semaphore(%arg17 : memref<!tpu.dma_semaphore, #tpu.memory_space<semaphore_mem>>) src(%dma_wait3A_23 : memref<80x128xf32, #tpu.memory_space<hbm>>) dst(%arg11 : memref<80x128xf32, #tpu.memory_space<vmem>>)
    %dma_wait3A_24 = arith.constant 0 : i32
    %dma_wait3A_25 = tpu.memref_slice %arg3[%mul3A_4, %dma_wait3A_24] : memref<320000x16xf32, #tpu.memory_space<hbm>> -> memref<80x16xf32, #tpu.memory_space<hbm>>
    %dma_wait3A_26 = arith.constant 0 : i32
    %dma_wait3A_27 = tpu.memref_slice %arg3[%mul3A_4, %dma_wait3A_26] : memref<320000x16xf32, #tpu.memory_space<hbm>> -> memref<80x16xf32, #tpu.memory_space<hbm>>
    tpu.wait_dma2 semaphore(%arg17 : memref<!tpu.dma_semaphore, #tpu.memory_space<semaphore_mem>>) src(%dma_wait3A_27 : memref<80x16xf32, #tpu.memory_space<hbm>>) dst(%arg13 : memref<80x16xf32, #tpu.memory_space<vmem>>)
    %dma_wait3A_28 = tpu.memref_slice %arg4[%mul3A_4] : memref<320000xi32, #tpu.memory_space<hbm>> -> memref<80xi32, #tpu.memory_space<hbm>>
    %dma_wait3A_29 = tpu.memref_slice %arg4[%mul3A_4] : memref<320000xi32, #tpu.memory_space<hbm>> -> memref<80xi32, #tpu.memory_space<hbm>>
    tpu.wait_dma2 semaphore(%arg17 : memref<!tpu.dma_semaphore, #tpu.memory_space<semaphore_mem>>) src(%dma_wait3A_29 : memref<80xi32, #tpu.memory_space<hbm>>) dst(%arg9 : memref<80xi32, #tpu.memory_space<vmem>>)
    "tpu.region"() ({
      %run_scoped3A = tpu.sem_alloc : memref<!tpu.dma_semaphore, #tpu.memory_space<semaphore_mem>>
      %dma_start3A_31 = arith.constant 0 : i32
      %dma_start3A_32 = arith.constant 0 : i32
      %dma_start3A_33 = tpu.memref_slice %arg15[%dma_start3A_31, %dma_start3A_32] : memref<10240x128xf32, #tpu.memory_space<vmem_shared>> -> memref<10240x128xf32, #tpu.memory_space<vmem_shared>>
      tpu.enqueue_indirect_dma source(%arg11 : memref<80x128xf32, #tpu.memory_space<vmem>>) target(%dma_start3A_33 : memref<10240x128xf32, #tpu.memory_space<vmem_shared>>) offsets(%arg9 : memref<80xi32, #tpu.memory_space<vmem>>) semaphore(%run_scoped3A : memref<!tpu.dma_semaphore, #tpu.memory_space<semaphore_mem>>) {add = true}
      %dma_wait3A_34 = arith.constant 0 : i32
      %dma_wait3A_35 = arith.constant 0 : i32
      %dma_wait3A_36 = tpu.memref_slice %arg15[%dma_wait3A_34, %dma_wait3A_35] : memref<10240x128xf32, #tpu.memory_space<vmem_shared>> -> memref<10240x128xf32, #tpu.memory_space<vmem_shared>>
      tpu.wait_indirect_dma semaphore(%run_scoped3A : memref<!tpu.dma_semaphore, #tpu.memory_space<semaphore_mem>>) src(%arg11 : memref<80x128xf32, #tpu.memory_space<vmem>>) dst(%dma_wait3A_36 : memref<10240x128xf32, #tpu.memory_space<vmem_shared>>)
      tpu.yield
    }) : () -> ()
    "tpu.region"() ({
      %run_scoped3A = tpu.sem_alloc : memref<!tpu.dma_semaphore, #tpu.memory_space<semaphore_mem>>
      %dma_start3A_31 = arith.constant 0 : i32
      %dma_start3A_32 = arith.constant 0 : i32
      %dma_start3A_33 = tpu.memref_slice %arg16[%dma_start3A_31, %dma_start3A_32] : memref<10240x16xf32, #tpu.memory_space<vmem_shared>> -> memref<10240x16xf32, #tpu.memory_space<vmem_shared>>
      tpu.enqueue_indirect_dma source(%arg13 : memref<80x16xf32, #tpu.memory_space<vmem>>) target(%dma_start3A_33 : memref<10240x16xf32, #tpu.memory_space<vmem_shared>>) offsets(%arg9 : memref<80xi32, #tpu.memory_space<vmem>>) semaphore(%run_scoped3A : memref<!tpu.dma_semaphore, #tpu.memory_space<semaphore_mem>>) {add = true}
      %dma_wait3A_34 = arith.constant 0 : i32
      %dma_wait3A_35 = arith.constant 0 : i32
      %dma_wait3A_36 = tpu.memref_slice %arg16[%dma_wait3A_34, %dma_wait3A_35] : memref<10240x16xf32, #tpu.memory_space<vmem_shared>> -> memref<10240x16xf32, #tpu.memory_space<vmem_shared>>
      tpu.wait_indirect_dma semaphore(%run_scoped3A : memref<!tpu.dma_semaphore, #tpu.memory_space<semaphore_mem>>) src(%arg13 : memref<80x16xf32, #tpu.memory_space<vmem>>) dst(%dma_wait3A_36 : memref<10240x16xf32, #tpu.memory_space<vmem_shared>>)
      tpu.yield
    }) : () -> ()
    %barrier3A_30 = arith.constant 0 : index
    tpu.barrier barrier_id(%barrier3A_30)
    "tpu.region"() ({
      %run_scoped3A = tpu.sem_alloc : memref<!tpu.dma_semaphore, #tpu.memory_space<semaphore_mem>>
      %dma_start3A_31 = arith.constant 0 : i32
      %dma_start3A_32 = tpu.memref_slice %arg7[%arg0, %mul3A_0, %dma_start3A_31] : memref<2x10240x128xf32, #tpu.memory_space<hbm>> -> memref<1x640x128xf32, #tpu.memory_space<hbm>>
      %dma_start3A_33 = tpu.memref_squeeze %dma_start3A_32 : memref<1x640x128xf32, #tpu.memory_space<hbm>> -> memref<640x128xf32, #tpu.memory_space<hbm>>
      %dma_start3A_34 = arith.constant 0 : i32
      %dma_start3A_35 = tpu.memref_slice %arg15[%mul3A_0, %dma_start3A_34] : memref<10240x128xf32, #tpu.memory_space<vmem_shared>> -> memref<640x128xf32, #tpu.memory_space<vmem_shared>>
      tpu.enqueue_dma source(%dma_start3A_35 : memref<640x128xf32, #tpu.memory_space<vmem_shared>>) target(%dma_start3A_33 : memref<640x128xf32, #tpu.memory_space<hbm>>) target_semaphore(%run_scoped3A : memref<!tpu.dma_semaphore, #tpu.memory_space<semaphore_mem>>)
      %dma_wait3A_36 = arith.constant 0 : i32
      %dma_wait3A_37 = tpu.memref_slice %arg7[%arg0, %mul3A_0, %dma_wait3A_36] : memref<2x10240x128xf32, #tpu.memory_space<hbm>> -> memref<1x640x128xf32, #tpu.memory_space<hbm>>
      %dma_wait3A_38 = tpu.memref_squeeze %dma_wait3A_37 : memref<1x640x128xf32, #tpu.memory_space<hbm>> -> memref<640x128xf32, #tpu.memory_space<hbm>>
      %dma_wait3A_39 = arith.constant 0 : i32
      %dma_wait3A_40 = tpu.memref_slice %arg15[%mul3A_0, %dma_wait3A_39] : memref<10240x128xf32, #tpu.memory_space<vmem_shared>> -> memref<640x128xf32, #tpu.memory_space<vmem_shared>>
      tpu.wait_dma2 semaphore(%run_scoped3A : memref<!tpu.dma_semaphore, #tpu.memory_space<semaphore_mem>>) src(%dma_wait3A_40 : memref<640x128xf32, #tpu.memory_space<vmem_shared>>) dst(%dma_wait3A_38 : memref<640x128xf32, #tpu.memory_space<hbm>>)
      tpu.yield
    }) : () -> ()
    "tpu.region"() ({
      %run_scoped3A = tpu.sem_alloc : memref<!tpu.dma_semaphore, #tpu.memory_space<semaphore_mem>>
      %dma_start3A_31 = arith.constant 0 : i32
      %dma_start3A_32 = tpu.memref_slice %arg8[%arg0, %mul3A_0, %dma_start3A_31] : memref<2x10240x16xf32, #tpu.memory_space<hbm>> -> memref<1x640x16xf32, #tpu.memory_space<hbm>>
      %dma_start3A_33 = tpu.memref_squeeze %dma_start3A_32 : memref<1x640x16xf32, #tpu.memory_space<hbm>> -> memref<640x16xf32, #tpu.memory_space<hbm>>
      %dma_start3A_34 = arith.constant 0 : i32
      %dma_start3A_35 = tpu.memref_slice %arg16[%mul3A_0, %dma_start3A_34] : memref<10240x16xf32, #tpu.memory_space<vmem_shared>> -> memref<640x16xf32, #tpu.memory_space<vmem_shared>>
      tpu.enqueue_dma source(%dma_start3A_35 : memref<640x16xf32, #tpu.memory_space<vmem_shared>>) target(%dma_start3A_33 : memref<640x16xf32, #tpu.memory_space<hbm>>) target_semaphore(%run_scoped3A : memref<!tpu.dma_semaphore, #tpu.memory_space<semaphore_mem>>)
      %dma_wait3A_36 = arith.constant 0 : i32
      %dma_wait3A_37 = tpu.memref_slice %arg8[%arg0, %mul3A_0, %dma_wait3A_36] : memref<2x10240x16xf32, #tpu.memory_space<hbm>> -> memref<1x640x16xf32, #tpu.memory_space<hbm>>
      %dma_wait3A_38 = tpu.memref_squeeze %dma_wait3A_37 : memref<1x640x16xf32, #tpu.memory_space<hbm>> -> memref<640x16xf32, #tpu.memory_space<hbm>>
      %dma_wait3A_39 = arith.constant 0 : i32
      %dma_wait3A_40 = tpu.memref_slice %arg16[%mul3A_0, %dma_wait3A_39] : memref<10240x16xf32, #tpu.memory_space<vmem_shared>> -> memref<640x16xf32, #tpu.memory_space<vmem_shared>>
      tpu.wait_dma2 semaphore(%run_scoped3A : memref<!tpu.dma_semaphore, #tpu.memory_space<semaphore_mem>>) src(%dma_wait3A_40 : memref<640x16xf32, #tpu.memory_space<vmem_shared>>) dst(%dma_wait3A_38 : memref<640x16xf32, #tpu.memory_space<hbm>>)
      tpu.yield
    }) : () -> ()
    return
  }
}

module attributes {stable_mosaic.version = 14 : i64} {
  func.func @body(%arg0: i32, %arg1: memref<1000x128xf32, #tpu.memory_space<vmem>>, %arg2: memref<128x128xf32, #tpu.memory_space<vmem>>, %arg3: memref<128x128xf32, #tpu.memory_space<vmem>>, %arg4: memref<1x128xf32, #tpu.memory_space<vmem>>, %arg5: memref<1000x128xf32, #tpu.memory_space<vmem>>, %arg6: memref<1000x128xf32, #tpu.memory_space<vmem>>) attributes {dimension_semantics = [#tpu.dimension_semantics<arbitrary>], iteration_bounds = array<i64: 10>, scalar_prefetch = 0 : i64, scratch_operands = 0 : i64, tpu.core_type = #tpu.core_type<tc>, window_params = [{transform_indices = @transform_0, window_bounds = array<i64: 1000, 128>}, {pipeline_mode = #tpu.pipeline_mode<synchronous>, transform_indices = @transform_1, window_bounds = array<i64: 128, 128>}, {pipeline_mode = #tpu.pipeline_mode<synchronous>, transform_indices = @transform_2, window_bounds = array<i64: 128, 128>}, {pipeline_mode = #tpu.pipeline_mode<synchronous>, transform_indices = @transform_3, window_bounds = array<i64: 1, 128>}, {transform_indices = @transform_4, window_bounds = array<i64: 1000, 128>}, {transform_indices = @transform_5, window_bounds = array<i64: 1000, 128>}]} {
    %get3A = arith.constant 0 : index
    %get3A_0 = arith.constant 0 : index
    %get3A_1 = vector.load %arg1[%get3A, %get3A_0] : memref<1000x128xf32, #tpu.memory_space<vmem>>, vector<1000x128xf32>
    %get3A_2 = arith.constant 0 : index
    %get3A_3 = arith.constant 0 : index
    %get3A_4 = vector.load %arg2[%get3A_2, %get3A_3] : memref<128x128xf32, #tpu.memory_space<vmem>>, vector<128x128xf32>
    %dot_general3A = arith.constant dense<0.000000e+00> : vector<1000x128xf32>
    %dot_general3A_5 = tpu.matmul %get3A_1, %get3A_4, %dot_general3A {dimension_numbers = #tpu.dot_dimension_numbers<[1], [0], [0], [1], [0, 0, 1, 1], [], []>, transpose_lhs_hint = false} : vector<1000x128xf32>, vector<128x128xf32>, vector<1000x128xf32> -> vector<1000x128xf32>
    %get3A_6 = arith.constant 0 : index
    %get3A_7 = arith.constant 0 : index
    %get3A_8 = vector.load %arg4[%get3A_6, %get3A_7] : memref<1x128xf32, #tpu.memory_space<vmem>>, vector<1x128xf32>
    %add3A = vector.broadcast %get3A_8 : vector<1x128xf32> to vector<1000x128xf32>
    %add3A_9 = arith.addf %dot_general3A_5, %add3A : vector<1000x128xf32>
    %swap3A = arith.constant 0 : index
    %swap3A_10 = arith.constant 0 : index
    %swap3A_11 = vector.load %arg5[%swap3A, %swap3A_10] : memref<1000x128xf32, #tpu.memory_space<vmem>>, vector<1000x128xf32>
    tpu.vector_store %arg5[%swap3A, %swap3A_10], %add3A_9 {strides = array<i32>} : memref<1000x128xf32, #tpu.memory_space<vmem>>, vector<1000x128xf32>,
    %get3A_12 = arith.constant 0 : index
    %get3A_13 = arith.constant 0 : index
    %get3A_14 = vector.load %arg3[%get3A_12, %get3A_13] : memref<128x128xf32, #tpu.memory_space<vmem>>, vector<128x128xf32>
    %dot_general3A_15 = arith.constant dense<0.000000e+00> : vector<1000x128xf32>
    %dot_general3A_16 = tpu.matmul %get3A_1, %get3A_14, %dot_general3A_15 {dimension_numbers = #tpu.dot_dimension_numbers<[1], [0], [0], [1], [0, 0, 1, 1], [], []>, transpose_lhs_hint = false} : vector<1000x128xf32>, vector<128x128xf32>, vector<1000x128xf32> -> vector<1000x128xf32>
    %swap3A_17 = arith.constant 0 : index
    %swap3A_18 = arith.constant 0 : index
    %swap3A_19 = vector.load %arg6[%swap3A_17, %swap3A_18] : memref<1000x128xf32, #tpu.memory_space<vmem>>, vector<1000x128xf32>
    tpu.vector_store %arg6[%swap3A_17, %swap3A_18], %dot_general3A_16 {strides = array<i32>} : memref<1000x128xf32, #tpu.memory_space<vmem>>, vector<1000x128xf32>,
    return
  }
  func.func @transform_0(%arg0: i32) -> (i32, i32) {
    %c0_i32 = arith.constant 0 : i32
    %c0_i32_0 = arith.constant 0 : i32
    return %arg0, %c0_i32 : i32, i32
  }
  func.func @transform_1(%arg0: i32) -> (i32, i32) {
    %c0_i32 = arith.constant 0 : i32
    %c0_i32_0 = arith.constant 0 : i32
    %c0_i32_1 = arith.constant 0 : i32
    return %c0_i32, %c0_i32_0 : i32, i32
  }
  func.func @transform_2(%arg0: i32) -> (i32, i32) {
    %c0_i32 = arith.constant 0 : i32
    %c0_i32_0 = arith.constant 0 : i32
    %c0_i32_1 = arith.constant 0 : i32
    return %c0_i32, %c0_i32_0 : i32, i32
  }
  func.func @transform_3(%arg0: i32) -> (i32, i32) {
    %c0_i32 = arith.constant 0 : i32
    %c0_i32_0 = arith.constant 0 : i32
    %c0_i32_1 = arith.constant 0 : i32
    return %c0_i32, %c0_i32_0 : i32, i32
  }
  func.func @transform_4(%arg0: i32) -> (i32, i32) {
    %c0_i32 = arith.constant 0 : i32
    %c0_i32_0 = arith.constant 0 : i32
    return %arg0, %c0_i32 : i32, i32
  }
  func.func @transform_5(%arg0: i32) -> (i32, i32) {
    %c0_i32 = arith.constant 0 : i32
    %c0_i32_0 = arith.constant 0 : i32
    return %arg0, %c0_i32 : i32, i32
  }
}

module attributes {stable_mosaic.version = 14 : i64} {
  func.func @body(%arg0: i32, %arg1: memref<3200x128xf32, #tpu.memory_space<vmem>>, %arg2: memref<3200x16xf32, #tpu.memory_space<vmem>>, %arg3: memref<1x128xf32, #tpu.memory_space<vmem>>, %arg4: memref<128x128xf32, #tpu.memory_space<vmem>>, %arg5: memref<1x128xf32, #tpu.memory_space<vmem>>, %arg6: memref<128x128xf32, #tpu.memory_space<vmem>>, %arg7: memref<1x128xf32, #tpu.memory_space<vmem>>, %arg8: memref<128x1xf32, #tpu.memory_space<vmem>>, %arg9: memref<1x1xf32, #tpu.memory_space<vmem>>, %arg10: memref<3200x128xf32, #tpu.memory_space<vmem>>, %arg11: memref<3200x16xf32, #tpu.memory_space<vmem>>) attributes {dimension_semantics = [#tpu.dimension_semantics<arbitrary>], iteration_bounds = array<i64: 100>, scalar_prefetch = 0 : i64, scratch_operands = 0 : i64, tpu.core_type = #tpu.core_type<tc>, window_params = [{transform_indices = @transform_0, window_bounds = array<i64: 3200, 128>}, {transform_indices = @transform_1, window_bounds = array<i64: 3200, 16>}, {pipeline_mode = #tpu.pipeline_mode<synchronous>, transform_indices = @transform_2, window_bounds = array<i64: 1, 128>}, {pipeline_mode = #tpu.pipeline_mode<synchronous>, transform_indices = @transform_3, window_bounds = array<i64: 128, 128>}, {pipeline_mode = #tpu.pipeline_mode<synchronous>, transform_indices = @transform_4, window_bounds = array<i64: 1, 128>}, {pipeline_mode = #tpu.pipeline_mode<synchronous>, transform_indices = @transform_5, window_bounds = array<i64: 128, 128>}, {pipeline_mode = #tpu.pipeline_mode<synchronous>, transform_indices = @transform_6, window_bounds = array<i64: 1, 128>}, {pipeline_mode = #tpu.pipeline_mode<synchronous>, transform_indices = @transform_7, window_bounds = array<i64: 128, 1>}, {pipeline_mode = #tpu.pipeline_mode<synchronous>, transform_indices = @transform_8, window_bounds = array<i64: 1, 1>}, {transform_indices = @transform_9, window_bounds = array<i64: 3200, 128>}, {transform_indices = @transform_10, window_bounds = array<i64: 3200, 16>}]} {
    %get3A = arith.constant 0 : index
    %get3A_0 = arith.constant 0 : index
    %get3A_1 = vector.load %arg2[%get3A, %get3A_0] : memref<3200x16xf32, #tpu.memory_space<vmem>>, vector<3200x16xf32>
    %mul3A = arith.mulf %get3A_1, %get3A_1 : vector<3200x16xf32>
    %reduce_sum3A = arith.constant dense<0.000000e+00> : vector<3200xf32>
    %reduce_sum3A_2 = vector.multi_reduction <add>, %mul3A, %reduce_sum3A [1] : vector<3200x16xf32> to vector<3200xf32>
    %broadcast_in_dim3A = vector.shape_cast %reduce_sum3A_2 : vector<3200xf32> to vector<3200x1xf32>
    %get3A_3 = arith.constant 0 : index
    %get3A_4 = arith.constant 0 : index
    %get3A_5 = vector.load %arg1[%get3A_3, %get3A_4] : memref<3200x128xf32, #tpu.memory_space<vmem>>, vector<3200x128xf32>
    %get3A_6 = arith.constant 0 : index
    %get3A_7 = arith.constant 0 : index
    %get3A_8 = vector.load %arg3[%get3A_6, %get3A_7] : memref<1x128xf32, #tpu.memory_space<vmem>>, vector<1x128xf32>
    %mul3A_9 = vector.broadcast %broadcast_in_dim3A : vector<3200x1xf32> to vector<3200x128xf32>
    %mul3A_10 = vector.broadcast %get3A_8 : vector<1x128xf32> to vector<3200x128xf32>
    %mul3A_11 = arith.mulf %mul3A_9, %mul3A_10 : vector<3200x128xf32>
    %add3A = arith.addf %get3A_5, %mul3A_11 : vector<3200x128xf32>
    %logistic3A = arith.negf %add3A : vector<3200x128xf32>
    %logistic3A_12 = math.exp %logistic3A : vector<3200x128xf32>
    %logistic3A_13 = arith.constant 1.000000e+00 : f32
    %logistic3A_14 = vector.broadcast %logistic3A_13 : f32 to vector<3200x128xf32>
    %logistic3A_15 = arith.addf %logistic3A_14, %logistic3A_12 : vector<3200x128xf32>
    %logistic3A_16 = arith.divf %logistic3A_14, %logistic3A_15 : vector<3200x128xf32>
    %mul3A_17 = arith.mulf %add3A, %logistic3A_16 : vector<3200x128xf32>
    %get3A_18 = arith.constant 0 : index
    %get3A_19 = arith.constant 0 : index
    %get3A_20 = vector.load %arg4[%get3A_18, %get3A_19] : memref<128x128xf32, #tpu.memory_space<vmem>>, vector<128x128xf32>
    %dot_general3A = arith.constant dense<0.000000e+00> : vector<3200x128xf32>
    %dot_general3A_21 = tpu.matmul %mul3A_17, %get3A_20, %dot_general3A {dimension_numbers = #tpu.dot_dimension_numbers<[1], [0], [0], [1], [0, 0, 1, 1], [], []>, transpose_lhs_hint = false} : vector<3200x128xf32>, vector<128x128xf32>, vector<3200x128xf32> -> vector<3200x128xf32>
    %get3A_22 = arith.constant 0 : index
    %get3A_23 = arith.constant 0 : index
    %get3A_24 = vector.load %arg5[%get3A_22, %get3A_23] : memref<1x128xf32, #tpu.memory_space<vmem>>, vector<1x128xf32>
    %add3A_25 = vector.broadcast %get3A_24 : vector<1x128xf32> to vector<3200x128xf32>
    %add3A_26 = arith.addf %dot_general3A_21, %add3A_25 : vector<3200x128xf32>
    %logistic3A_27 = arith.negf %add3A_26 : vector<3200x128xf32>
    %logistic3A_28 = math.exp %logistic3A_27 : vector<3200x128xf32>
    %logistic3A_29 = arith.constant 1.000000e+00 : f32
    %logistic3A_30 = vector.broadcast %logistic3A_29 : f32 to vector<3200x128xf32>
    %logistic3A_31 = arith.addf %logistic3A_30, %logistic3A_28 : vector<3200x128xf32>
    %logistic3A_32 = arith.divf %logistic3A_30, %logistic3A_31 : vector<3200x128xf32>
    %mul3A_33 = arith.mulf %add3A_26, %logistic3A_32 : vector<3200x128xf32>
    %get3A_34 = arith.constant 0 : index
    %get3A_35 = arith.constant 0 : index
    %get3A_36 = vector.load %arg6[%get3A_34, %get3A_35] : memref<128x128xf32, #tpu.memory_space<vmem>>, vector<128x128xf32>
    %dot_general3A_37 = arith.constant dense<0.000000e+00> : vector<3200x128xf32>
    %dot_general3A_38 = tpu.matmul %mul3A_33, %get3A_36, %dot_general3A_37 {dimension_numbers = #tpu.dot_dimension_numbers<[1], [0], [0], [1], [0, 0, 1, 1], [], []>, transpose_lhs_hint = false} : vector<3200x128xf32>, vector<128x128xf32>, vector<3200x128xf32> -> vector<3200x128xf32>
    %get3A_39 = arith.constant 0 : index
    %get3A_40 = arith.constant 0 : index
    %get3A_41 = vector.load %arg7[%get3A_39, %get3A_40] : memref<1x128xf32, #tpu.memory_space<vmem>>, vector<1x128xf32>
    %add3A_42 = vector.broadcast %get3A_41 : vector<1x128xf32> to vector<3200x128xf32>
    %add3A_43 = arith.addf %dot_general3A_38, %add3A_42 : vector<3200x128xf32>
    %logistic3A_44 = arith.negf %add3A_43 : vector<3200x128xf32>
    %logistic3A_45 = math.exp %logistic3A_44 : vector<3200x128xf32>
    %logistic3A_46 = arith.constant 1.000000e+00 : f32
    %logistic3A_47 = vector.broadcast %logistic3A_46 : f32 to vector<3200x128xf32>
    %logistic3A_48 = arith.addf %logistic3A_47, %logistic3A_45 : vector<3200x128xf32>
    %logistic3A_49 = arith.divf %logistic3A_47, %logistic3A_48 : vector<3200x128xf32>
    %mul3A_50 = arith.mulf %add3A_43, %logistic3A_49 : vector<3200x128xf32>
    %get3A_51 = arith.constant 0 : index
    %get3A_52 = arith.constant 0 : index
    %get3A_53 = vector.load %arg8[%get3A_51, %get3A_52] : memref<128x1xf32, #tpu.memory_space<vmem>>, vector<128x1xf32>
    %dot_general3A_54 = arith.constant dense<0.000000e+00> : vector<3200x1xf32>
    %dot_general3A_55 = tpu.matmul %mul3A_50, %get3A_53, %dot_general3A_54 {dimension_numbers = #tpu.dot_dimension_numbers<[1], [0], [0], [1], [0, 0, 1, 1], [], []>, transpose_lhs_hint = false} : vector<3200x128xf32>, vector<128x1xf32>, vector<3200x1xf32> -> vector<3200x1xf32>
    %get3A_56 = arith.constant 0 : index
    %get3A_57 = arith.constant 0 : index
    %get3A_58 = vector.load %arg9[%get3A_56, %get3A_57] : memref<1x1xf32, #tpu.memory_space<vmem>>, vector<1x1xf32>
    %add3A_59 = vector.broadcast %get3A_58 : vector<1x1xf32> to vector<3200x1xf32>
    %add3A_60 = arith.addf %dot_general3A_55, %add3A_59 : vector<3200x1xf32>
    %swap3A = arith.constant 0 : index
    %swap3A_61 = arith.constant 0 : index
    %swap3A_62 = vector.load %arg10[%swap3A, %swap3A_61] : memref<3200x128xf32, #tpu.memory_space<vmem>>, vector<3200x128xf32>
    tpu.vector_store %arg10[%swap3A, %swap3A_61], %mul3A_33 {strides = array<i32>} : memref<3200x128xf32, #tpu.memory_space<vmem>>, vector<3200x128xf32>,
    %mul3A_63 = vector.broadcast %add3A_60 : vector<3200x1xf32> to vector<3200x16xf32>
    %mul3A_64 = arith.mulf %get3A_1, %mul3A_63 : vector<3200x16xf32>
    %swap3A_65 = arith.constant 0 : index
    %swap3A_66 = arith.constant 0 : index
    %swap3A_67 = vector.load %arg11[%swap3A_65, %swap3A_66] : memref<3200x16xf32, #tpu.memory_space<vmem>>, vector<3200x16xf32>
    tpu.vector_store %arg11[%swap3A_65, %swap3A_66], %mul3A_64 {strides = array<i32>} : memref<3200x16xf32, #tpu.memory_space<vmem>>, vector<3200x16xf32>,
    return
  }
  func.func @transform_0(%arg0: i32) -> (i32, i32) {
    %c0_i32 = arith.constant 0 : i32
    %c0_i32_0 = arith.constant 0 : i32
    return %arg0, %c0_i32 : i32, i32
  }
  func.func @transform_1(%arg0: i32) -> (i32, i32) {
    %c0_i32 = arith.constant 0 : i32
    %c0_i32_0 = arith.constant 0 : i32
    return %arg0, %c0_i32 : i32, i32
  }
  func.func @transform_2(%arg0: i32) -> (i32, i32) {
    %c0_i32 = arith.constant 0 : i32
    %c0_i32_0 = arith.constant 0 : i32
    %c0_i32_1 = arith.constant 0 : i32
    return %c0_i32, %c0_i32_0 : i32, i32
  }
  func.func @transform_3(%arg0: i32) -> (i32, i32) {
    %c0_i32 = arith.constant 0 : i32
    %c0_i32_0 = arith.constant 0 : i32
    %c0_i32_1 = arith.constant 0 : i32
    return %c0_i32, %c0_i32_0 : i32, i32
  }
  func.func @transform_4(%arg0: i32) -> (i32, i32) {
    %c0_i32 = arith.constant 0 : i32
    %c0_i32_0 = arith.constant 0 : i32
    %c0_i32_1 = arith.constant 0 : i32
    return %c0_i32, %c0_i32_0 : i32, i32
  }
  func.func @transform_5(%arg0: i32) -> (i32, i32) {
    %c0_i32 = arith.constant 0 : i32
    %c0_i32_0 = arith.constant 0 : i32
    %c0_i32_1 = arith.constant 0 : i32
    return %c0_i32, %c0_i32_0 : i32, i32
  }
  func.func @transform_6(%arg0: i32) -> (i32, i32) {
    %c0_i32 = arith.constant 0 : i32
    %c0_i32_0 = arith.constant 0 : i32
    %c0_i32_1 = arith.constant 0 : i32
    return %c0_i32, %c0_i32_0 : i32, i32
  }
  func.func @transform_7(%arg0: i32) -> (i32, i32) {
    %c0_i32 = arith.constant 0 : i32
    %c0_i32_0 = arith.constant 0 : i32
    %c0_i32_1 = arith.constant 0 : i32
    return %c0_i32, %c0_i32_0 : i32, i32
  }
  func.func @transform_8(%arg0: i32) -> (i32, i32) {
    %c0_i32 = arith.constant 0 : i32
    %c0_i32_0 = arith.constant 0 : i32
    %c0_i32_1 = arith.constant 0 : i32
    return %c0_i32, %c0_i32_0 : i32, i32
  }
  func.func @transform_9(%arg0: i32) -> (i32, i32) {
    %c0_i32 = arith.constant 0 : i32
    %c0_i32_0 = arith.constant 0 : i32
    return %arg0, %c0_i32 : i32, i32
  }
  func.func @transform_10(%arg0: i32) -> (i32, i32) {
    %c0_i32 = arith.constant 0 : i32
    %c0_i32_0 = arith.constant 0 : i32
    return %arg0, %c0_i32 : i32, i32
  }
}

module attributes {stable_mosaic.version = 14 : i64} {
  func.func @body(%arg0: i32, %arg1: memref<1000x128xf32, #tpu.memory_space<vmem>>, %arg2: memref<1000x3xf32, #tpu.memory_space<vmem>>, %arg3: memref<2x1000x128xf32, #tpu.memory_space<vmem>>, %arg4: memref<2x1000x16xf32, #tpu.memory_space<vmem>>, %arg5: memref<128x128xf32, #tpu.memory_space<vmem>>, %arg6: memref<128x128xf32, #tpu.memory_space<vmem>>, %arg7: memref<1x128xf32, #tpu.memory_space<vmem>>, %arg8: memref<128x128xf32, #tpu.memory_space<vmem>>, %arg9: memref<1x128xf32, #tpu.memory_space<vmem>>, %arg10: memref<1000x128xf32, #tpu.memory_space<vmem>>, %arg11: memref<1000x3xf32, #tpu.memory_space<vmem>>) attributes {dimension_semantics = [#tpu.dimension_semantics<arbitrary>], iteration_bounds = array<i64: 10>, scalar_prefetch = 0 : i64, scratch_operands = 0 : i64, tpu.core_type = #tpu.core_type<tc>, window_params = [{transform_indices = @transform_0, window_bounds = array<i64: 1000, 128>}, {transform_indices = @transform_1, window_bounds = array<i64: 1000, 3>}, {transform_indices = @transform_2, window_bounds = array<i64: 2, 1000, 128>}, {transform_indices = @transform_3, window_bounds = array<i64: 2, 1000, 16>}, {pipeline_mode = #tpu.pipeline_mode<synchronous>, transform_indices = @transform_4, window_bounds = array<i64: 128, 128>}, {pipeline_mode = #tpu.pipeline_mode<synchronous>, transform_indices = @transform_5, window_bounds = array<i64: 128, 128>}, {pipeline_mode = #tpu.pipeline_mode<synchronous>, transform_indices = @transform_6, window_bounds = array<i64: 1, 128>}, {pipeline_mode = #tpu.pipeline_mode<synchronous>, transform_indices = @transform_7, window_bounds = array<i64: 128, 128>}, {pipeline_mode = #tpu.pipeline_mode<synchronous>, transform_indices = @transform_8, window_bounds = array<i64: 1, 128>}, {transform_indices = @transform_9, window_bounds = array<i64: 1000, 128>}, {transform_indices = @transform_10, window_bounds = array<i64: 1000, 3>}]} {
    %get3A = arith.constant 0 : index
    %get3A_0 = arith.constant 0 : index
    %get3A_1 = arith.constant 0 : index
    %get3A_2 = vector.load %arg3[%get3A, %get3A_0, %get3A_1] : memref<2x1000x128xf32, #tpu.memory_space<vmem>>, vector<1x1000x128xf32>
    %get3A_3 = vector.shape_cast %get3A_2 : vector<1x1000x128xf32> to vector<1000x128xf32>
    %get3A_4 = arith.constant 1 : index
    %get3A_5 = arith.constant 0 : index
    %get3A_6 = arith.constant 0 : index
    %get3A_7 = vector.load %arg3[%get3A_4, %get3A_5, %get3A_6] : memref<2x1000x128xf32, #tpu.memory_space<vmem>>, vector<1x1000x128xf32>
    %get3A_8 = vector.shape_cast %get3A_7 : vector<1x1000x128xf32> to vector<1000x128xf32>
    %add3A = arith.addf %get3A_3, %get3A_8 : vector<1000x128xf32>
    %get3A_9 = arith.constant 0 : index
    %get3A_10 = arith.constant 0 : index
    %get3A_11 = vector.load %arg1[%get3A_9, %get3A_10] : memref<1000x128xf32, #tpu.memory_space<vmem>>, vector<1000x128xf32>
    %get3A_12 = arith.constant 0 : index
    %get3A_13 = arith.constant 0 : index
    %get3A_14 = vector.load %arg5[%get3A_12, %get3A_13] : memref<128x128xf32, #tpu.memory_space<vmem>>, vector<128x128xf32>
    %dot_general3A = arith.constant dense<0.000000e+00> : vector<1000x128xf32>
    %dot_general3A_15 = tpu.matmul %get3A_11, %get3A_14, %dot_general3A {dimension_numbers = #tpu.dot_dimension_numbers<[1], [0], [0], [1], [0, 0, 1, 1], [], []>, transpose_lhs_hint = false} : vector<1000x128xf32>, vector<128x128xf32>, vector<1000x128xf32> -> vector<1000x128xf32>
    %get3A_16 = arith.constant 0 : index
    %get3A_17 = arith.constant 0 : index
    %get3A_18 = vector.load %arg6[%get3A_16, %get3A_17] : memref<128x128xf32, #tpu.memory_space<vmem>>, vector<128x128xf32>
    %dot_general3A_19 = arith.constant dense<0.000000e+00> : vector<1000x128xf32>
    %dot_general3A_20 = tpu.matmul %add3A, %get3A_18, %dot_general3A_19 {dimension_numbers = #tpu.dot_dimension_numbers<[1], [0], [0], [1], [0, 0, 1, 1], [], []>, transpose_lhs_hint = false} : vector<1000x128xf32>, vector<128x128xf32>, vector<1000x128xf32> -> vector<1000x128xf32>
    %add3A_21 = arith.addf %dot_general3A_15, %dot_general3A_20 : vector<1000x128xf32>
    %get3A_22 = arith.constant 0 : index
    %get3A_23 = arith.constant 0 : index
    %get3A_24 = vector.load %arg7[%get3A_22, %get3A_23] : memref<1x128xf32, #tpu.memory_space<vmem>>, vector<1x128xf32>
    %add3A_25 = vector.broadcast %get3A_24 : vector<1x128xf32> to vector<1000x128xf32>
    %add3A_26 = arith.addf %add3A_21, %add3A_25 : vector<1000x128xf32>
    %logistic3A = arith.negf %add3A_26 : vector<1000x128xf32>
    %logistic3A_27 = math.exp %logistic3A : vector<1000x128xf32>
    %logistic3A_28 = arith.constant 1.000000e+00 : f32
    %logistic3A_29 = vector.broadcast %logistic3A_28 : f32 to vector<1000x128xf32>
    %logistic3A_30 = arith.addf %logistic3A_29, %logistic3A_27 : vector<1000x128xf32>
    %logistic3A_31 = arith.divf %logistic3A_29, %logistic3A_30 : vector<1000x128xf32>
    %mul3A = arith.mulf %add3A_26, %logistic3A_31 : vector<1000x128xf32>
    %get3A_32 = arith.constant 0 : index
    %get3A_33 = arith.constant 0 : index
    %get3A_34 = vector.load %arg8[%get3A_32, %get3A_33] : memref<128x128xf32, #tpu.memory_space<vmem>>, vector<128x128xf32>
    %dot_general3A_35 = arith.constant dense<0.000000e+00> : vector<1000x128xf32>
    %dot_general3A_36 = tpu.matmul %mul3A, %get3A_34, %dot_general3A_35 {dimension_numbers = #tpu.dot_dimension_numbers<[1], [0], [0], [1], [0, 0, 1, 1], [], []>, transpose_lhs_hint = false} : vector<1000x128xf32>, vector<128x128xf32>, vector<1000x128xf32> -> vector<1000x128xf32>
    %get3A_37 = arith.constant 0 : index
    %get3A_38 = arith.constant 0 : index
    %get3A_39 = vector.load %arg9[%get3A_37, %get3A_38] : memref<1x128xf32, #tpu.memory_space<vmem>>, vector<1x128xf32>
    %add3A_40 = vector.broadcast %get3A_39 : vector<1x128xf32> to vector<1000x128xf32>
    %add3A_41 = arith.addf %dot_general3A_36, %add3A_40 : vector<1000x128xf32>
    %swap3A = arith.constant 0 : index
    %swap3A_42 = arith.constant 0 : index
    %swap3A_43 = vector.load %arg10[%swap3A, %swap3A_42] : memref<1000x128xf32, #tpu.memory_space<vmem>>, vector<1000x128xf32>
    tpu.vector_store %arg10[%swap3A, %swap3A_42], %add3A_41 {strides = array<i32>} : memref<1000x128xf32, #tpu.memory_space<vmem>>, vector<1000x128xf32>,
    %get3A_44 = arith.constant 0 : index
    %get3A_45 = arith.constant 0 : index
    %get3A_46 = arith.constant 0 : index
    %get3A_47 = vector.load %arg4[%get3A_44, %get3A_45, %get3A_46] : memref<2x1000x16xf32, #tpu.memory_space<vmem>>, vector<1x1000x16xf32>
    %get3A_48 = vector.shape_cast %get3A_47 : vector<1x1000x16xf32> to vector<1000x16xf32>
    %get3A_49 = arith.constant 1 : index
    %get3A_50 = arith.constant 0 : index
    %get3A_51 = arith.constant 0 : index
    %get3A_52 = vector.load %arg4[%get3A_49, %get3A_50, %get3A_51] : memref<2x1000x16xf32, #tpu.memory_space<vmem>>, vector<1x1000x16xf32>
    %get3A_53 = vector.shape_cast %get3A_52 : vector<1x1000x16xf32> to vector<1000x16xf32>
    %add3A_54 = arith.addf %get3A_48, %get3A_53 : vector<1000x16xf32>
    %get3A_55 = arith.constant 0 : index
    %get3A_56 = arith.constant 0 : index
    %get3A_57 = vector.load %arg2[%get3A_55, %get3A_56] : memref<1000x3xf32, #tpu.memory_space<vmem>>, vector<1000x3xf32>
    %slice3A = vector.extract_strided_slice %add3A_54 {offsets = [0, 0], sizes = [1000, 3], strides = [1, 1]} : vector<1000x16xf32> to vector<1000x3xf32>
    %add3A_58 = arith.addf %get3A_57, %slice3A : vector<1000x3xf32>
    %swap3A_59 = arith.constant 0 : index
    %swap3A_60 = arith.constant 0 : index
    %swap3A_61 = vector.load %arg11[%swap3A_59, %swap3A_60] : memref<1000x3xf32, #tpu.memory_space<vmem>>, vector<1000x3xf32>
    tpu.vector_store %arg11[%swap3A_59, %swap3A_60], %add3A_58 {strides = array<i32>} : memref<1000x3xf32, #tpu.memory_space<vmem>>, vector<1000x3xf32>,
    return
  }
  func.func @transform_0(%arg0: i32) -> (i32, i32) {
    %c0_i32 = arith.constant 0 : i32
    %c0_i32_0 = arith.constant 0 : i32
    return %arg0, %c0_i32 : i32, i32
  }
  func.func @transform_1(%arg0: i32) -> (i32, i32) {
    %c0_i32 = arith.constant 0 : i32
    %c0_i32_0 = arith.constant 0 : i32
    return %arg0, %c0_i32 : i32, i32
  }
  func.func @transform_2(%arg0: i32) -> (i32, i32, i32) {
    %c0_i32 = arith.constant 0 : i32
    %c0_i32_0 = arith.constant 0 : i32
    %c0_i32_1 = arith.constant 0 : i32
    return %c0_i32, %arg0, %c0_i32_0 : i32, i32, i32
  }
  func.func @transform_3(%arg0: i32) -> (i32, i32, i32) {
    %c0_i32 = arith.constant 0 : i32
    %c0_i32_0 = arith.constant 0 : i32
    %c0_i32_1 = arith.constant 0 : i32
    return %c0_i32, %arg0, %c0_i32_0 : i32, i32, i32
  }
  func.func @transform_4(%arg0: i32) -> (i32, i32) {
    %c0_i32 = arith.constant 0 : i32
    %c0_i32_0 = arith.constant 0 : i32
    %c0_i32_1 = arith.constant 0 : i32
    return %c0_i32, %c0_i32_0 : i32, i32
  }
  func.func @transform_5(%arg0: i32) -> (i32, i32) {
    %c0_i32 = arith.constant 0 : i32
    %c0_i32_0 = arith.constant 0 : i32
    %c0_i32_1 = arith.constant 0 : i32
    return %c0_i32, %c0_i32_0 : i32, i32
  }
  func.func @transform_6(%arg0: i32) -> (i32, i32) {
    %c0_i32 = arith.constant 0 : i32
    %c0_i32_0 = arith.constant 0 : i32
    %c0_i32_1 = arith.constant 0 : i32
    return %c0_i32, %c0_i32_0 : i32, i32
  }
  func.func @transform_7(%arg0: i32) -> (i32, i32) {
    %c0_i32 = arith.constant 0 : i32
    %c0_i32_0 = arith.constant 0 : i32
    %c0_i32_1 = arith.constant 0 : i32
    return %c0_i32, %c0_i32_0 : i32, i32
  }
  func.func @transform_8(%arg0: i32) -> (i32, i32) {
    %c0_i32 = arith.constant 0 : i32
    %c0_i32_0 = arith.constant 0 : i32
    %c0_i32_1 = arith.constant 0 : i32
    return %c0_i32, %c0_i32_0 : i32, i32
  }
  func.func @transform_9(%arg0: i32) -> (i32, i32) {
    %c0_i32 = arith.constant 0 : i32
    %c0_i32_0 = arith.constant 0 : i32
    return %arg0, %c0_i32 : i32, i32
  }
  func.func @transform_10(%arg0: i32) -> (i32, i32) {
    %c0_i32 = arith.constant 0 : i32
    %c0_i32_0 = arith.constant 0 : i32
    return %arg0, %c0_i32 : i32, i32
  }
}

</mosaic_0001>

<sc_bundles>
// kernel: kernel.10.cloned.1.call-start
scs
__scs_entry_jumppad:
0x0: {  	(pc) =	sbr.rel $0x88, $3  }
0x1: {  	(tag) =	ssettag $0x0;
	lr =	simm.s32 $0x1  }
0x2: {  	[smem:$0x3F92] =	sst lr;
	_ =	strace $0xD0000000  }
0x3: {  	_ = 	snop  }
0x4: {  	_ = 	snop  }
0x5: {  	_ = 	snop  }
0x6: {  	_ = 	snop  }
0x7: {  	_ = 	snop  }
__scs_overlays_trampoline_lowered:
0x8: {  	[smem:$0x3FA1] =	sst s0  }
0x9: {  	[smem:$0x3FA2] =	sst s1  }
0xa: {  	[smem:$0x3FA3] =	sst s2  }
0xb: {  	[smem:$0x3FA4] =	sst s3  }
0xc: {  	[smem:$0x3FA5] =	sst s4  }
0xd: {  	[smem:$0x3FA6] =	sst s5  }
0xe: {  	[smem:$0x3FA7] =	sst s6  }
0xf: {  	[smem:$0x3FA8] =	sst s7  }
0x10: {  	[smem:$0x3FA9] =	sst s8  }
0x11: {  	[smem:$0x3FAA] =	sst s9;
	s0 =	simm.s32 @!p0 $0x0  }
0x12: {  	s1 =	sld [smem:$0x3F90];
	s0 =	simm.s32 @p0 $0x1  }
0x13: {  	[smem:$0x3FAB] =	sst s0;
	s0 =	simm.s32 @!p1 $0x0  }
0x14: {  	s2 =	sld [smem:$0x3F8F];
	s0 =	simm.s32 @p1 $0x1  }
0x15: {  	[smem:$0x3FAC] =	sst s0;
	s0 =	simm.s32 @!p2 $0x0  }
0x16: {  	s3 =	sld [smem:$0x3FDB];
	s0 =	simm.s32 @p2 $0x1  }
0x17: {  	s4 =	simm.s32 $0x1BF5;
	[smem:$0x3FAE] =	sst s0  }
0x18: {  	s0 =	sld [smem:$0x3F91];
	_ =	swait.ge [sflag:s4], $0x0  }
0x19: {  	s7 =	sld [smem:$0x3F92]  }
0x1a: {  	s8 =	sadd.s32 $0xFFFFE003, lr  }
0x1b: {  	s9 =	sadd.s32 $0xFFFFFEF7, lr;
	s5 =	simm.s32 $0xFFFFFFFF;
	p2 =	slt.u32 s8, $0xFFFFF086  }
0x1c: {  	p1 =	slt.u32 s9, $0xF7A;
	s5 =	simm.s32 @!p2 $0x0  }
0x1d: {  	s5 =	simm.s32 @p1 $0x1;
	p0 =	seq.s32 s7, s2  }
0x1e: {  	s7 =	smul.u32 @!p0 $0xF7A, s2;
	p2 =	seq.s32 @!p0 s5, $0x0  }
0x1f: {  	s9 =	smul.u32 $0xF7A, s1;
	s8 =	simm.s32 @!p0 $0x1BF5;
	p2 =	por !p2, p0  }
0x20: {  	[sflag:s8] =	ssyncset.s32 @!p0 $0xFFFFF086;
	s6 =	sadd.s32 @!p0 s3, s7;
	s7 =	simm.s32 @!p0 $0x108  }
0x21: {  	s3 =	sadd.s32 s3, s9;
	s6 =	sadd.s32 @!p0 $0x88, s6;
	s7 =	simm.s32 @p2 $0x1082  }
0x22: {  	[simem:s7], [sflag:s8] =	dma.local @!p0 [hbm:s6], $0xF7A  }
0x23: {  	s9 =	sor.u32 $0xD0000000, s2;
	s6 =	simm.s32 $0x108;
	_ =	swait.ge @!p0 [sflag:s8], $0x0  }
0x24: {  	s3 =	sadd.s32 $0x88, s3;
	s6 =	simm.s32 @!p1 $0x1082;
	[sflag:s4] =	ssyncset.s32 $0xFFFFF086  }
0x25: {  	[simem:s6], [sflag:s4] =	dma.local [hbm:s3], $0xF7A  }
0x26: {  	[smem:$0x3F92] =	sst s1;
	(tag) =	ssettag s2;
	_ =	strace s9  }
0x27: {  	s1 =	sld [smem:$0x3FA2]  }
0x28: {  	s2 =	sld [smem:$0x3FA3]  }
0x29: {  	s4 =	sld [smem:$0x3FA5]  }
0x2a: {  	p0 =	seq.s32 s5, $0x0;
	s5 =	sld [smem:$0x3FA6]  }
0x2b: {  	s6 =	sld [smem:$0x3FA7]  }
0x2c: {  	s7 =	sld [smem:$0x3FA8]  }
0x2d: {  	s3 =	simm.s32 $0x108;
	s8 =	sld [smem:$0x3FA9]  }
0x2e: {  	s3 =	simm.s32 @!p0 $0x1082;
	s9 =	sld [smem:$0x3FAA]  }
0x2f: {  	lr =	sadd.s32 s0, s3;
	s0 =	sld [smem:$0x3FA1]  }
0x30: {  	s3 =	sld [smem:$0x3FA4]  }
0x31: {  	[smem:$0x3FAD] =	sst s10  }
0x32: {  	s10 =	sld [smem:$0x3FAB];
	_ =	sdelay $0x3  }
0x33: {  	p0 =	seq.s32 s10, $0x1;
	s10 =	sld [smem:$0x3FAD];
	_ =	sdelay $0x3  }
0x34: {  	[smem:$0x3FAD] =	sst s10  }
0x35: {  	s10 =	sld [smem:$0x3FAC];
	_ =	sdelay $0x3  }
0x36: {  	p1 =	seq.s32 s10, $0x1;
	s10 =	sld [smem:$0x3FAD];
	_ =	sdelay $0x3  }
0x37: {  	[smem:$0x3FAD] =	sst s10  }
0x38: {  	s10 =	sld [smem:$0x3FAE]  }
0x39: {  	_ = 	snop;
	(pc) =	sbr.ind lr, $3  }
0x3a: {  	_ = 	snop  }
0x3b: {  	_ = 	snop  }
0x3c: {  	p2 =	seq.s32 s10, $0x1;
	s10 =	sld [smem:$0x3FAD]  }
0x3d: {  	_ =	shalt  }
0x3e: {  	_ =	shalt  }
0x3f: {  	_ =	shalt  }
0x40: {  	_ =	shalt  }
0x41: {  	_ =	shalt  }
0x42: {  	_ =	shalt  }
0x43: {  	_ =	shalt  }
0x44: {  	_ =	shalt  }
0x45: {  	_ =	shalt  }
0x46: {  	_ =	shalt  }
0x47: {  	_ =	shalt  }
0x48: {  	_ =	shalt  }
0x49: {  	_ =	shalt  }
0x4a: {  	_ =	shalt  }
0x4b: {  	_ =	shalt  }
0x4c: {  	_ =	shalt  }
0x4d: {  	_ =	shalt  }
0x4e: {  	_ =	shalt  }
0x4f: {  	_ =	shalt  }
0x50: {  	_ =	shalt  }
0x51: {  	_ =	shalt  }
0x52: {  	_ =	shalt  }
0x53: {  	_ =	shalt  }
0x54: {  	_ =	shalt  }
0x55: {  	_ =	shalt  }
0x56: {  	_ =	shalt  }
0x57: {  	_ =	shalt  }
0x58: {  	_ =	shalt  }
0x59: {  	_ =	shalt  }
0x5a: {  	_ =	shalt  }
0x5b: {  	_ =	shalt  }
0x5c: {  	_ =	shalt  }
0x5d: {  	_ =	shalt  }
0x5e: {  	_ =	shalt  }
0x5f: {  	_ =	shalt  }
0x60: {  	_ =	shalt  }
0x61: {  	_ =	shalt  }
0x62: {  	_ =	shalt  }
0x63: {  	_ =	shalt  }
0x64: {  	_ =	shalt  }
0x65: {  	_ =	shalt  }
0x66: {  	_ =	shalt  }
0x67: {  	_ =	shalt  }
0x68: {  	_ =	shalt  }
0x69: {  	_ =	shalt  }
0x6a: {  	_ =	shalt  }
0x6b: {  	_ =	shalt  }
0x6c: {  	_ =	shalt  }
0x6d: {  	_ =	shalt  }
0x6e: {  	_ =	shalt  }
0x6f: {  	_ =	shalt  }
0x70: {  	_ =	shalt  }
0x71: {  	_ =	shalt  }
0x72: {  	_ =	shalt  }
0x73: {  	_ =	shalt  }
0x74: {  	_ =	shalt  }
0x75: {  	_ =	shalt  }
0x76: {  	_ =	shalt  }
0x77: {  	_ =	shalt  }
0x78: {  	_ =	shalt  }
0x79: {  	_ =	shalt  }
0x7a: {  	_ =	shalt  }
0x7b: {  	_ =	shalt  }
0x7c: {  	_ =	shalt  }
0x7d: {  	_ =	shalt  }
0x7e: {  	_ =	shalt  }
0x7f: {  	_ =	shalt  }
0x80: {  	_ =	shalt  }
0x81: {  	_ =	shalt  }
0x82: {  	_ =	shalt  }
0x83: {  	_ =	shalt  }
0x84: {  	_ =	shalt  }
0x85: {  	_ =	shalt  }
0x86: {  	_ =	shalt  }
0x87: {  	_ =	shalt  }
.Lfunc_end0:
.L_simem_size_0:
called_computation.1_lowered:
.L_overlay_start_0:
0x88: {  	s2 =	sld [smem:$0x3FD9]  }
0x89: {  	s3 =	sld [smem:$0x3FFE];
	_ =	sdelay $0x1  }
0x8a: {  	s1 =	srdreg.scid  }
0x8b: {  	s0 =	sand.u32 $0x1, s1  }
0x8c: {  	s14 =	sshll.u32 s0, $0xA;
	s2 =	sadd.s32 s3, s2  }
0x8d: {  	s2 =	sadd.s32 s2, s14  }
0x8e: {  	[smem:$0x3FB9] =	sst s2  }
0x8f: {  	_ = 	snop  }
0x90: {  	s2 =	sld [smem:$0x3FD0];
	_ =	sdelay $0x2  }
0x91: {  	s15 =	simm.s32 $0xA;
	s4 =	simm.s32 $0x10  }
0x92: {  	[smem:s4], [sflag:s15] =	dma.local [hbm:s2], $0x1  }
0x93: {  	_ =	swait.eq [sflag:s15], $0x1  }
0x94: {  	[sflag:s15] =	ssyncset.done $0x0  }
0x95: {  	[sflag:s15] =	ssyncadd.s32 $0xFFFFFFFF  }
0x96: {  	s16 =	sld [smem:$0x11];
	(tm) =	ssettm $0x1  }
0x97: {  	s17 =	sld [smem:$0x3FFB];
	_ =	sdelay $0x3  }
0x98: {  	_ =	strace s17  }
0x99: {  	s3 =	sld [smem:$0x3FFC];
	_ =	sdelay $0x3  }
0x9a: {  	_ =	strace s3  }
0x9b: {  	s3 =	sld [smem:$0x3FFD];
	_ =	sdelay $0x3  }
0x9c: {  	_ =	strace s3  }
0x9d: {  	_ =	strace $0x8FFFFFFF  }
0x9e: {  	s18 =	sld [smem:$0x3FDB];
	_ =	sdelay $0x1  }
0x9f: {  	s19 =	simm.s32 $_scs_section_size  }
0xa0: {  	s5 =	simm.s32 $_size__tile_overlayer_lowered;
	s6 =	simm.s32 $_tile_overlayer_lowered  }
0xa1: {  	s22 =	simm.s32 $0x1BFF;
	s21 =	sshll.u32 s6, $0x1;
	s3 =	sadd.s32 s19, s18  }
0xa2: {  	s7 =	simm.s32 $0x0;
	s20 =	sshll.u32 s5, $0x1;
	s5 =	sadd.s32 s21, s3  }
0xa3: {  	[timem:s7], [sflag:s22] =	dma.local [hbm:s5], s20  }
0xa4: {  	_ =	swait.ge [sflag:s22], s20  }
0xa5: {  	s4 =	ssub.s32 $0x0, s20;
	[sflag:s22] =	ssyncset.done $0x0  }
0xa6: {  	[sflag:s22] =	ssyncadd.s32 s4;
	_ =	sdelay $0x1  }
0xa7: {  	s23 =	simm.s32 $0x1B8B  }
0xa8: {  	_ =	swait.ge [sflag:s23], $0x1  }
0xa9: {  	[sflag:s23] =	ssyncset.done $0x0  }
0xaa: {  	s25 =	simm.s32 $0x1B8E;
	s24 =	sld [smem:$0x3FFE];
	[sflag:s23] =	ssyncadd.s32 $0xFFFFFFFF  }
0xab: {  	s26 =	simm.s32 $execute0_lowered;
	[smem:$0x3FD2] =	sst s25  }
0xac: {  	s5 =	sshll.u32 s26, $0x1;
	_ =	strace $0x80000049;
	[dreg:$0x1] =	wrdreg $0xFFFFFFFF  }
0xad: {  	s28 =	simm.s32 $_size_execute0_lowered;
	s3 =	sadd.s32 s3, s5;
	[dreg:$0x0] =	wrdreg $0x0  }
0xae: {  	s5 =	sshll.u32 s28, $0x1;
	[dreg:$0x2] =	wrdreg s3  }
0xaf: {  	[dreg:$0x3] =	wrdreg s5  }
0xb0: {  	[dreg:$0x4] =	wrdreg $0xC0  }
0xb1: {  	_ =	task [dreg:s7], $0x5FFFF  }
0xb2: {  	[dreg:$0x1] =	wrdreg $0xFFFFFFFF  }
0xb3: {  	[dreg:$0x0] =	wrdreg $0x60  }
0xb4: {  	[dreg:$0x2] =	wrdreg s24  }
0xb5: {  	[dreg:$0x3] =	wrdreg s16  }
0xb6: {  	[dreg:$0x4] =	wrdreg $0x5AA00  }
0xb7: {  	[dreg:$0x5] =	wrdreg $0x19AA00  }
0xb8: {  	[dreg:$0x6] =	wrdreg $0x9  }
0xb9: {  	_ =	task.clear_ibuf [dreg:s7], $0x7FFFF;
	_ =	strace $0x90000049  }
0xba: {  	s29 =	simm.s32 $0x9;
	_ =	strace $0x8000004B  }
0xbb: {  	_ =	swait.ge [sflag:s29], $0x1  }
0xbc: {  	[sflag:s29] =	ssyncadd.s32 $0xFFFFFFFF  }
0xbd: {  	_ =	strace $0x9000004B  }
0xbe: {  	_ =	sfence  }
0xbf: {  	s30 =	sld [smem:$0x0];
	_ =	sdelay $0x2  }
0xc0: {  	s31 =	sshll.u32 s1, $0xD;
	s1 =	sshrl.u32 s1, $0x2  }
0xc1: {  	s3 =	sand.u32 $0x4000, s31;
	s1 =	sadd.s32 s1, s30  }
0xc2: {  	s0 =	sor.u32 s3, s0;
	s1 =	sshll.u32 s1, $0x11  }
0xc3: {  	s0 =	sor.u32 s1, s0  }
0xc4: {  	s0 =	sadd.s32 $0x8F2B, s0  }
0xc5: {  	[sflag:s0] =	ssyncadd.remote.s32 $0x1  }
0xc6: {  	_ =	sfence.sel $0xFFFF  }
0xc7: {  	[dreg:$0x0] =	wrdreg $0xFFFFFFFF;
	(pc) =	sbr.abs _section_cstart, $3  }
0xc8: {  	[dreg:$0x1] =	wrdreg $0xFFFFFFFF  }
0xc9: {  	_ =	task.clear_ibuf [dreg:s7], $0x2FFFF;
	_ =	strace $0x9FFFFFFF  }
0xca: {  	(tm) =	ssettm $0x7FFFFFFF  }
0xcb: {  	_ =	shalt  }
tec
execute0_lowered:
.L_overlay_start_1:
0x0: {  	(tag) =	ssettag $0x1  }
0x1: {  	s0 =	rddreg [dreg:$0x0]  }
0x2: {  	s2 =	rddreg [dreg:$0x2]  }
0x3: {  	s4 =	rddreg [dreg:$0x3]  }
0x4: {  	s5 =	simm.s32 $0x0;
	s1 =	srdreg.scid;
	s18 =	stileid.u32  }
0x5: {  	s28 =	simm.s32 $0x28A0;
	s29 =	simm.s32 $0x55A0;
	s30 =	simm.s32 $0x50  }
0x6: {  	s31 =	simm.s32 $0x2;
	[smem:$0x7FF] =	sst s5;
	s3 =	smul.u32 $0x14000, s18  }
0x7: {  	s1 =	sand.u32 $0x1, s1;
	s8 =	sadd.s32 $0xFAD400, s0;
	s11 =	smul.u32 $0x2800, s18  }
0x8: {  	s10 =	sadd.s32 $0x17C00, s0;
	s6 =	sadd.s32 $0xDE00, s0;
	s7 =	smul.u32 $0x140000, s1  }
0x9: {  	s13 =	sadd.s32 $0x4000, s0;
	s9 =	sshll.u32 s1, $0x4;
	s12 =	smul.u32 $0x28000, s1  }
0xa: {  	s14 =	ssub.s32 $0x2, s1;
	s1 =	smul.u32 $0x27100, s1;
	s9 =	sor.u32 s18, s9  }
0xb: {  	_ =	strace $0x8000004A;
	[dreg:$0x5] =	wrdreg s13;
	s25 =	smul.u32 $0x2710, s9  }
0xc: {  	s16 =	sshrl.u32 s14, $0x1;
	s7 =	sadd.s32 s3, s7;
	s15 =	smul.u32 $0x27100, s9  }
0xd: {  	s12 =	sadd.s32 s11, s12;
	s17 =	smul.u32 $0x4E20, s9;
	s26 =	ssub.s32 s14, s16  }
0xe: {  	s3 =	sadd.s32 s3, s2;
	s14 =	sshll.u32 s18, $0x6;
	s16 =	smul.u32 $0x2710, s18  }
0xf: {  	s18 =	sadd.s32 s11, s4;
	s7 =	sshrl.u32 s7, $0x3;
	[dreg:$0x6] =	wrdreg s3  }
0x10: {  	s12 =	sshrl.u32 s12, $0x3;
	s9 =	sor.u32 $0x1C03, s14;
	[dreg:$0x7] =	wrdreg s18  }
0x11: {  	s7 =	sadd.s32 s7, s0;
	s0 =	sadd.s32 s12, s0;
	s19 =	sadd.s32 s8, s15  }
0x12: {  	s20 =	sadd.s32 s10, s17;
	s21 =	sshrl.u32 s25, $0x3;
	[dreg:$0x8] =	wrdreg s19  }
0x13: {  	s1 =	sadd.s32 s16, s1;
	s17 =	smax.u32 s26, $0x1;
	[dreg:$0x9] =	wrdreg s20  }
0x14: {  	s3 =	sadd.s32 s6, s21;
	s22 =	sadd.s32 $0xBE000, s7;
	s11 =	sadd.s32 $0xA0, s1  }
0x15: {  	s16 =	sadd.s32 $0xB4000, s0;
	s1 =	sadd.s32 $0x50, s1;
	[dreg:$0xa] =	wrdreg s3  }
0x16: {  	[dreg:$0xb] =	wrdreg s22;
	s23 =	sshrl.u32 s11, $0x4;
	s25 =	sshrl.u32 s1, $0x4  }
0x17: {  	s1 =	sshrl.u32 s1, $0x3;
	s24 =	sshll.u32 s23, $0x5;
	s0 =	sshll.u32 s23, $0x8  }
0x18: {  	s26 =	sshll.u32 s25, $0x5;
	s20 =	sadd.s32 s1, s6;
	s23 =	simm.s32 $0x3  }
0x19: {  	s18 =	sadd.s32 s24, s10;
	s12 =	sadd.s32 s0, s8;
	s0 =	sshll.u32 s25, $0x8  }
0x1a: {  	s21 =	sadd.s32 s26, s10;
	s24 =	simm.s32 $0xA0;
	s25 =	simm.s32 $0x50A0  }
0x1b: {  	s26 =	simm.s32 $0x1;
	s22 =	sadd.s32 s0, s8;
	s0 =	simm.s32 $0x0  }
.LBB2_1:
0x1c: {  	s1 =	rddreg [dreg:$0x6]  }
0x1d: {  	s19 =	rddreg [dreg:$0x5];
	s3 =	sshrl.u32 s1, $0x3  }
0x1e: {  	[spmem:s3], [sflag:s9] =	dma.local [hbm:s19], $0x2800  }
0x1f: {  	_ =	swait.ge [sflag:s23], $0x2800  }
0x20: {  	[sflag:s23] =	ssyncset.done $0x0  }
0x21: {  	s7 =	rddreg [dreg:$0x7];
	[sflag:s23] =	ssyncadd.s32 $0xFFFFD800  }
0x22: {  	s1 =	sshrl.u32 s7, $0x3;
	s7 =	rddreg [dreg:$0x1]  }
0x23: {  	[spmem:s1], [sflag:s9] =	dma.local [hbm:s7], $0x500  }
0x24: {  	_ =	swait.ge [sflag:s23], $0x500  }
0x25: {  	[sflag:s23] =	ssyncset.done $0x0  }
0x26: {  	[sflag:s23] =	ssyncadd.s32 $0xFFFFFB00  }
0x27: {  	[bflag:$0x0] =	sbarrier.arrive $0xFFFF  }
0x28: {  	s8 =	rddreg [dreg:$0x8]  }
0x29: {  	[tilespmem:s24], [sflag:$0x1] =	stream.linear.gather [hbm4b:s8+s5], $0x2800, $0x38;
	[tilespmem:$0x1C2A0] =	vst v63  }
0x2a: {  	s10 =	rddreg [dreg:$0x9]  }
0x2b: {  	[tilespmem:s25], [sflag:$0x1] =	stream.linear.gather [hbm4b:s10+s5], $0x500, $0x38;
	[tilespmem:$0x1C2A0] =	vst v63  }
0x2c: {  	s13 =	rddreg [dreg:$0xa]  }
0x2d: {  	[tilespmem:s5], [sflag:$0x1] =	stream.linear.gather [hbm4b:s13+s5], $0x50, $0x38;
	[tilespmem:$0x1C2A0] =	vst v63  }
0x2e: {  	_ =	swait.ge [sflag:s26], $0x2800  }
0x2f: {  	[sflag:s26] =	ssyncset.done $0x0  }
0x30: {  	[sflag:s26] =	ssyncadd.s32 $0xFFFFD800  }
0x31: {  	_ =	swait.ge [sflag:s26], $0x500  }
0x32: {  	[sflag:s26] =	ssyncset.done $0x0  }
0x33: {  	[sflag:s26] =	ssyncadd.s32 $0xFFFFFB00  }
0x34: {  	_ =	swait.ge [sflag:s26], $0x50  }
0x35: {  	[sflag:s26] =	ssyncset.done $0x0  }
0x36: {  	[sflag:s26] =	ssyncadd.s32 $0xFFFFFFB0  }
0x37: {  	[tilespmem:s28], [sflag:$0x2] =	stream.linear.gather [hbm4b:s22+s5], $0x2800, $0x38;
	[tilespmem:$0x1C2A0] =	vst v63  }
0x38: {  	s14 =	sadd.s32 $0x0, s21  }
0x39: {  	[tilespmem:s29], [sflag:$0x2] =	stream.linear.gather [hbm4b:s14+s5], $0x500, $0x38;
	[tilespmem:$0x1C2A0] =	vst v63  }
0x3a: {  	_ = 	snop  }
0x3b: {  	[tilespmem:s30], [sflag:$0x2] =	stream.linear.gather [hbm4b:s20+s5], $0x50, $0x38;
	[tilespmem:$0x1C2A0] =	vst v63  }
0x3c: {  	_ = 	snop  }
0x3d: {  	[spmem:s2] =	stream.indirect.scatter.add.f32 [tilespmem:s24], [sflag:$0x3], $0x80, s5, s30, $0xb8;
	[tilespmem:$0x1C2A0] =	vst v63  }
0x3e: {  	_ =	swait.ge [sflag:s23], $0x2800  }
0x3f: {  	[sflag:s23] =	ssyncset.done $0x0  }
0x40: {  	[sflag:s23] =	ssyncadd.s32 $0xFFFFD800  }
0x41: {  	[spmem:s4] =	stream.indirect.scatter.add.f32 [tilespmem:s25], [sflag:$0x3], $0x10, s5, s30, $0xb8;
	[tilespmem:$0x1C2A0] =	vst v63  }
0x42: {  	_ =	swait.ge [sflag:s23], $0x500  }
0x43: {  	[sflag:s23] =	ssyncset.done $0x0  }
0x44: {  	[sflag:s23] =	ssyncadd.s32 $0xFFFFFB00  }
0x45: {  	_ =	swait.ge [sflag:s31], $0x2800  }
0x46: {  	[sflag:s31] =	ssyncset.done $0x0  }
0x47: {  	[sflag:s31] =	ssyncadd.s32 $0xFFFFD800  }
0x48: {  	_ =	swait.ge [sflag:s31], $0x500  }
0x49: {  	[sflag:s31] =	ssyncset.done $0x0  }
0x4a: {  	[sflag:s31] =	ssyncadd.s32 $0xFFFFFB00  }
0x4b: {  	_ =	swait.ge [sflag:s31], $0x50  }
0x4c: {  	[sflag:s31] =	ssyncset.done $0x0  }
0x4d: {  	[sflag:s31] =	ssyncadd.s32 $0xFFFFFFB0  }
0x4e: {  	[tilespmem:s24], [sflag:$0x1] =	stream.linear.gather [hbm4b:s12+s5], $0x2800, $0x38;
	[tilespmem:$0x1C2A0] =	vst v63  }
0x4f: {  	s15 =	sadd.s32 $0x0, s18;
	s8 =	sshrl.u32 s11, $0x3  }
0x50: {  	[tilespmem:s25], [sflag:$0x1] =	stream.linear.gather [hbm4b:s15+s5], $0x500, $0x38;
	[tilespmem:$0x1C2A0] =	vst v63  }
0x51: {  	s19 =	sadd.s32 s6, s8  }
0x52: {  	[tilespmem:s5], [sflag:$0x1] =	stream.linear.gather [hbm4b:s19+s5], $0x50, $0x38;
	[tilespmem:$0x1C2A0] =	vst v63  }
0x53: {  	_ = 	snop  }
0x54: {  	[spmem:s2] =	stream.indirect.scatter.add.f32 [tilespmem:s28], [sflag:$0x3], $0x80, s30, s30, $0xb8;
	[tilespmem:$0x1C2A0] =	vst v63  }
0x55: {  	_ =	swait.ge [sflag:s23], $0x2800  }
0x56: {  	[sflag:s23] =	ssyncset.done $0x0  }
0x57: {  	s7 =	simm.s32 $0x140;
	[sflag:s23] =	ssyncadd.s32 $0xFFFFD800  }
0x58: {  	[spmem:s4] =	stream.indirect.scatter.add.f32 [tilespmem:s29], [sflag:$0x3], $0x10, s30, s30, $0xb8;
	[tilespmem:$0x1C2A0] =	vst v63  }
0x59: {  	s8 =	sadd.s32 $0x14, s20;
	s10 =	sadd.s32 $0xA00, s22;
	_ =	swait.ge [sflag:s23], $0x500  }
0x5a: {  	s15 =	smov.u32 s11;
	s19 =	smov.u32 s12;
	[sflag:s23] =	ssyncset.done $0x0  }
.LBB2_2:
0x5b: {  	[sflag:s23] =	ssyncadd.s32 $0xFFFFFB00  }
0x5c: {  	s15 =	sadd.s32 $0xA0, s15;
	s19 =	sadd.s32 $0xA00, s19;
	s13 =	smov.u32 s7  }
0x5d: {  	p0 =	sne.s32 s7, $0x4C40;
	s7 =	sadd.s32 $0x140, s7;
	_ =	swait.ge [sflag:s26], $0x2800  }
0x5e: {  	[sflag:s26] =	ssyncset.done $0x0  }
0x5f: {  	[sflag:s26] =	ssyncadd.s32 $0xFFFFD800  }
0x60: {  	_ =	swait.ge [sflag:s26], $0x500  }
0x61: {  	[sflag:s26] =	ssyncset.done $0x0  }
0x62: {  	[sflag:s26] =	ssyncadd.s32 $0xFFFFFB00  }
0x63: {  	_ =	swait.ge [sflag:s26], $0x50  }
0x64: {  	[sflag:s26] =	ssyncset.done $0x0  }
0x65: {  	[sflag:s26] =	ssyncadd.s32 $0xFFFFFFB0  }
0x66: {  	[tilespmem:s28], [sflag:$0x2] =	stream.linear.gather [hbm4b:s10+s5], $0x2800, $0x38;
	[tilespmem:$0x1C2A0] =	vst v63  }
0x67: {  	s14 =	sadd.s32 s13, s21  }
0x68: {  	[tilespmem:s29], [sflag:$0x2] =	stream.linear.gather [hbm4b:s14+s5], $0x500, $0x38;
	[tilespmem:$0x1C2A0] =	vst v63  }
0x69: {  	_ = 	snop  }
0x6a: {  	[tilespmem:s30], [sflag:$0x2] =	stream.linear.gather [hbm4b:s8+s5], $0x50, $0x38;
	[tilespmem:$0x1C2A0] =	vst v63  }
0x6b: {  	_ = 	snop  }
0x6c: {  	[spmem:s2] =	stream.indirect.scatter.add.f32 [tilespmem:s24], [sflag:$0x3], $0x80, s5, s30, $0xb8;
	[tilespmem:$0x1C2A0] =	vst v63  }
0x6d: {  	_ =	swait.ge [sflag:s23], $0x2800  }
0x6e: {  	[sflag:s23] =	ssyncset.done $0x0  }
0x6f: {  	[sflag:s23] =	ssyncadd.s32 $0xFFFFD800  }
0x70: {  	[spmem:s4] =	stream.indirect.scatter.add.f32 [tilespmem:s25], [sflag:$0x3], $0x10, s5, s30, $0xb8;
	[tilespmem:$0x1C2A0] =	vst v63  }
0x71: {  	_ =	swait.ge [sflag:s23], $0x500  }
0x72: {  	[sflag:s23] =	ssyncset.done $0x0  }
0x73: {  	[sflag:s23] =	ssyncadd.s32 $0xFFFFFB00  }
0x74: {  	_ =	swait.ge [sflag:s31], $0x2800  }
0x75: {  	[sflag:s31] =	ssyncset.done $0x0  }
0x76: {  	[sflag:s31] =	ssyncadd.s32 $0xFFFFD800  }
0x77: {  	_ =	swait.ge [sflag:s31], $0x500  }
0x78: {  	[sflag:s31] =	ssyncset.done $0x0  }
0x79: {  	[sflag:s31] =	ssyncadd.s32 $0xFFFFFB00  }
0x7a: {  	_ =	swait.ge [sflag:s31], $0x50  }
0x7b: {  	[sflag:s31] =	ssyncset.done $0x0  }
0x7c: {  	[sflag:s31] =	ssyncadd.s32 $0xFFFFFFB0  }
0x7d: {  	[tilespmem:s24], [sflag:$0x1] =	stream.linear.gather [hbm4b:s19+s5], $0x2800, $0x38;
	[tilespmem:$0x1C2A0] =	vst v63  }
0x7e: {  	s13 =	sadd.s32 s13, s18;
	s14 =	sshrl.u32 s15, $0x3  }
0x7f: {  	[tilespmem:s25], [sflag:$0x1] =	stream.linear.gather [hbm4b:s13+s5], $0x500, $0x38;
	[tilespmem:$0x1C2A0] =	vst v63  }
0x80: {  	s13 =	sadd.s32 s6, s14  }
0x81: {  	[tilespmem:s5], [sflag:$0x1] =	stream.linear.gather [hbm4b:s13+s5], $0x50, $0x38;
	[tilespmem:$0x1C2A0] =	vst v63  }
0x82: {  	_ = 	snop  }
0x83: {  	[spmem:s2] =	stream.indirect.scatter.add.f32 [tilespmem:s28], [sflag:$0x3], $0x80, s30, s30, $0xb8;
	[tilespmem:$0x1C2A0] =	vst v63  }
0x84: {  	_ =	swait.ge [sflag:s23], $0x2800  }
.Ltmp0:
0x85: {  	[sflag:s23] =	ssyncset.done $0x0;
	(pc) =	sbr.rel @p0 .LBB2_2-.Ltmp0, $4  }
0x86: {  	[sflag:s23] =	ssyncadd.s32 $0xFFFFD800  }
0x87: {  	[spmem:s4] =	stream.indirect.scatter.add.f32 [tilespmem:s29], [sflag:$0x3], $0x10, s30, s30, $0xb8;
	[tilespmem:$0x1C2A0] =	vst v63  }
0x88: {  	_ =	swait.ge [sflag:s23], $0x500  }
0x89: {  	s10 =	sadd.s32 $0xA00, s10;
	s8 =	sadd.s32 $0x14, s8;
	[sflag:s23] =	ssyncset.done $0x0  }
0x8a: {  	[sflag:s23] =	ssyncadd.s32 $0xFFFFFB00  }
0x8b: {  	_ =	swait.ge [sflag:s26], $0x2800  }
0x8c: {  	[sflag:s26] =	ssyncset.done $0x0  }
0x8d: {  	[sflag:s26] =	ssyncadd.s32 $0xFFFFD800  }
0x8e: {  	_ =	swait.ge [sflag:s26], $0x500  }
0x8f: {  	[sflag:s26] =	ssyncset.done $0x0  }
0x90: {  	[sflag:s26] =	ssyncadd.s32 $0xFFFFFB00  }
0x91: {  	_ =	swait.ge [sflag:s26], $0x50  }
0x92: {  	[sflag:s26] =	ssyncset.done $0x0  }
0x93: {  	[sflag:s26] =	ssyncadd.s32 $0xFFFFFFB0  }
0x94: {  	[spmem:s2] =	stream.indirect.scatter.add.f32 [tilespmem:s24], [sflag:$0x3], $0x80, s5, s30, $0xb8;
	[tilespmem:$0x1C2A0] =	vst v63  }
0x95: {  	_ =	swait.ge [sflag:s23], $0x2800  }
0x96: {  	[sflag:s23] =	ssyncset.done $0x0  }
0x97: {  	[sflag:s23] =	ssyncadd.s32 $0xFFFFD800  }
0x98: {  	[spmem:s4] =	stream.indirect.scatter.add.f32 [tilespmem:s25], [sflag:$0x3], $0x10, s5, s30, $0xb8;
	[tilespmem:$0x1C2A0] =	vst v63  }
0x99: {  	_ =	swait.ge [sflag:s23], $0x500  }
0x9a: {  	[sflag:s23] =	ssyncset.done $0x0  }
0x9b: {  	[sflag:s23] =	ssyncadd.s32 $0xFFFFFB00  }
0x9c: {  	[bflag:$0x0] =	sbarrier.arrive $0xFFFF  }
0x9d: {  	s7 =	rddreg [dreg:$0xb]  }
0x9e: {  	[hbm:s7], [sflag:s9] =	dma.local [spmem:s3], $0x2800  }
0x9f: {  	s0 =	sadd.s32 $0x1, s0;
	_ =	swait.ge [sflag:s23], $0x2800  }
0xa0: {  	p0 =	sne.s32 s0, s17;
	[sflag:s23] =	ssyncset.done $0x0  }
.Ltmp1:
0xa1: {  	[sflag:s23] =	ssyncadd.s32 $0xFFFFD800;
	(pc) =	sbr.rel @p0 .LBB2_1-.Ltmp1, $4  }
0xa2: {  	[hbm:s16], [sflag:s9] =	dma.local [spmem:s1], $0x500  }
0xa3: {  	_ =	swait.ge [sflag:s23], $0x500  }
0xa4: {  	[sflag:s23] =	ssyncset.done $0x0  }
0xa5: {  	[sflag:s23] =	ssyncadd.s32 $0xFFFFFB00  }
0xa6: {  	_ =	sfence.sel $0x180000  }
0xa7: {  	[bflag:$0x0] =	sbarrier.arrive $0xFFFF  }
0xa8: {  	_ =	strace $0x9000004A  }
0xa9: {  	s0 =	stileid.u32;
	[bflag:$0x2] =	sbarrier.arrive $0xFFFF  }
0xaa: {  	p0 =	sne.s32 s0, $0x0;
	s0 =	rddreg [dreg:$0x4]  }
0xab: {  	s0 =	sadd.s32 @!p0 $0x100000, s0  }
0xac: {  	[sflag:s0] =	ssyncadd.tile.s32 @!p0 $0x1;
	_ =	shalt  }
.Lfunc_end2:
_tile_overlayer_lowered:
.L_overlay_start_2:
0xad: {  	(tag) =	ssettag $0x2  }
0xae: {  	s0 =	rddreg [dreg:$0x0];
	s2 =	stileid.u32  }
0xaf: {  	s1 =	rddreg [dreg:$0x1];
	p0 =	sne.s32 s2, $0x0  }
0xb0: {  	s3 =	rddreg [dreg:$0x2];
	[bflag:$0x3] =	sbarrier.arrive $0xFFFF;
	s2 =	simm.s32 @!p0 $0x1C03  }
0xb1: {  	[timem:s3], [sflag:s2] =	dma.local @!p0 [hbm:s0], s1  }
0xb2: {  	s0 =	simm.s32 @!p0 $0x3  }
0xb3: {  	_ =	swait.ge @!p0 [sflag:s0], s1  }
0xb4: {  	s1 =	ssub.s32 @!p0 $0x0, s1;
	[sflag:s0] =	ssyncset.done @!p0 $0x0  }
0xb5: {  	[sflag:s0] =	ssyncadd.s32 @!p0 s1  }
0xb6: {  	[bflag:$0x3] =	sbarrier.arrive $0xFFFF  }
0xb7: {  	_ =	shalt  }

// kernel: kernel.7.cloned.1.call-start
scs
__scs_entry_jumppad:
0x0: {  	(pc) =	sbr.rel $0x88, $3  }
0x1: {  	(tag) =	ssettag $0x0;
	lr =	simm.s32 $0x1  }
0x2: {  	[smem:$0x3F92] =	sst lr;
	_ =	strace $0xD0000000  }
0x3: {  	_ = 	snop  }
0x4: {  	_ = 	snop  }
0x5: {  	_ = 	snop  }
0x6: {  	_ = 	snop  }
0x7: {  	_ = 	snop  }
__scs_overlays_trampoline_lowered:
0x8: {  	[smem:$0x3FA1] =	sst s0  }
0x9: {  	[smem:$0x3FA2] =	sst s1  }
0xa: {  	[smem:$0x3FA3] =	sst s2  }
0xb: {  	[smem:$0x3FA4] =	sst s3  }
0xc: {  	[smem:$0x3FA5] =	sst s4  }
0xd: {  	[smem:$0x3FA6] =	sst s5  }
0xe: {  	[smem:$0x3FA7] =	sst s6  }
0xf: {  	[smem:$0x3FA8] =	sst s7  }
0x10: {  	[smem:$0x3FA9] =	sst s8  }
0x11: {  	[smem:$0x3FAA] =	sst s9;
	s0 =	simm.s32 @!p0 $0x0  }
0x12: {  	s1 =	sld [smem:$0x3F90];
	s0 =	simm.s32 @p0 $0x1  }
0x13: {  	[smem:$0x3FAB] =	sst s0;
	s0 =	simm.s32 @!p1 $0x0  }
0x14: {  	s2 =	sld [smem:$0x3F8F];
	s0 =	simm.s32 @p1 $0x1  }
0x15: {  	[smem:$0x3FAC] =	sst s0;
	s0 =	simm.s32 @!p2 $0x0  }
0x16: {  	s3 =	sld [smem:$0x3FDB];
	s0 =	simm.s32 @p2 $0x1  }
0x17: {  	s4 =	simm.s32 $0x1BF5;
	[smem:$0x3FAE] =	sst s0  }
0x18: {  	s0 =	sld [smem:$0x3F91];
	_ =	swait.ge [sflag:s4], $0x0  }
0x19: {  	s7 =	sld [smem:$0x3F92]  }
0x1a: {  	s8 =	sadd.s32 $0xFFFFE003, lr  }
0x1b: {  	s9 =	sadd.s32 $0xFFFFFEF7, lr;
	s5 =	simm.s32 $0xFFFFFFFF;
	p2 =	slt.u32 s8, $0xFFFFF086  }
0x1c: {  	p1 =	slt.u32 s9, $0xF7A;
	s5 =	simm.s32 @!p2 $0x0  }
0x1d: {  	s5 =	simm.s32 @p1 $0x1;
	p0 =	seq.s32 s7, s2  }
0x1e: {  	s7 =	smul.u32 @!p0 $0xF7A, s2;
	p2 =	seq.s32 @!p0 s5, $0x0  }
0x1f: {  	s9 =	smul.u32 $0xF7A, s1;
	s8 =	simm.s32 @!p0 $0x1BF5;
	p2 =	por !p2, p0  }
0x20: {  	[sflag:s8] =	ssyncset.s32 @!p0 $0xFFFFF086;
	s6 =	sadd.s32 @!p0 s3, s7;
	s7 =	simm.s32 @!p0 $0x108  }
0x21: {  	s3 =	sadd.s32 s3, s9;
	s6 =	sadd.s32 @!p0 $0x88, s6;
	s7 =	simm.s32 @p2 $0x1082  }
0x22: {  	[simem:s7], [sflag:s8] =	dma.local @!p0 [hbm:s6], $0xF7A  }
0x23: {  	s9 =	sor.u32 $0xD0000000, s2;
	s6 =	simm.s32 $0x108;
	_ =	swait.ge @!p0 [sflag:s8], $0x0  }
0x24: {  	s3 =	sadd.s32 $0x88, s3;
	s6 =	simm.s32 @!p1 $0x1082;
	[sflag:s4] =	ssyncset.s32 $0xFFFFF086  }
0x25: {  	[simem:s6], [sflag:s4] =	dma.local [hbm:s3], $0xF7A  }
0x26: {  	[smem:$0x3F92] =	sst s1;
	(tag) =	ssettag s2;
	_ =	strace s9  }
0x27: {  	s1 =	sld [smem:$0x3FA2]  }
0x28: {  	s2 =	sld [smem:$0x3FA3]  }
0x29: {  	s4 =	sld [smem:$0x3FA5]  }
0x2a: {  	p0 =	seq.s32 s5, $0x0;
	s5 =	sld [smem:$0x3FA6]  }
0x2b: {  	s6 =	sld [smem:$0x3FA7]  }
0x2c: {  	s7 =	sld [smem:$0x3FA8]  }
0x2d: {  	s3 =	simm.s32 $0x108;
	s8 =	sld [smem:$0x3FA9]  }
0x2e: {  	s3 =	simm.s32 @!p0 $0x1082;
	s9 =	sld [smem:$0x3FAA]  }
0x2f: {  	lr =	sadd.s32 s0, s3;
	s0 =	sld [smem:$0x3FA1]  }
0x30: {  	s3 =	sld [smem:$0x3FA4]  }
0x31: {  	[smem:$0x3FAD] =	sst s10  }
0x32: {  	s10 =	sld [smem:$0x3FAB];
	_ =	sdelay $0x3  }
0x33: {  	p0 =	seq.s32 s10, $0x1;
	s10 =	sld [smem:$0x3FAD];
	_ =	sdelay $0x3  }
0x34: {  	[smem:$0x3FAD] =	sst s10  }
0x35: {  	s10 =	sld [smem:$0x3FAC];
	_ =	sdelay $0x3  }
0x36: {  	p1 =	seq.s32 s10, $0x1;
	s10 =	sld [smem:$0x3FAD];
	_ =	sdelay $0x3  }
0x37: {  	[smem:$0x3FAD] =	sst s10  }
0x38: {  	s10 =	sld [smem:$0x3FAE]  }
0x39: {  	_ = 	snop;
	(pc) =	sbr.ind lr, $3  }
0x3a: {  	_ = 	snop  }
0x3b: {  	_ = 	snop  }
0x3c: {  	p2 =	seq.s32 s10, $0x1;
	s10 =	sld [smem:$0x3FAD]  }
0x3d: {  	_ =	shalt  }
0x3e: {  	_ =	shalt  }
0x3f: {  	_ =	shalt  }
0x40: {  	_ =	shalt  }
0x41: {  	_ =	shalt  }
0x42: {  	_ =	shalt  }
0x43: {  	_ =	shalt  }
0x44: {  	_ =	shalt  }
0x45: {  	_ =	shalt  }
0x46: {  	_ =	shalt  }
0x47: {  	_ =	shalt  }
0x48: {  	_ =	shalt  }
0x49: {  	_ =	shalt  }
0x4a: {  	_ =	shalt  }
0x4b: {  	_ =	shalt  }
0x4c: {  	_ =	shalt  }
0x4d: {  	_ =	shalt  }
0x4e: {  	_ =	shalt  }
0x4f: {  	_ =	shalt  }
0x50: {  	_ =	shalt  }
0x51: {  	_ =	shalt  }
0x52: {  	_ =	shalt  }
0x53: {  	_ =	shalt  }
0x54: {  	_ =	shalt  }
0x55: {  	_ =	shalt  }
0x56: {  	_ =	shalt  }
0x57: {  	_ =	shalt  }
0x58: {  	_ =	shalt  }
0x59: {  	_ =	shalt  }
0x5a: {  	_ =	shalt  }
0x5b: {  	_ =	shalt  }
0x5c: {  	_ =	shalt  }
0x5d: {  	_ =	shalt  }
0x5e: {  	_ =	shalt  }
0x5f: {  	_ =	shalt  }
0x60: {  	_ =	shalt  }
0x61: {  	_ =	shalt  }
0x62: {  	_ =	shalt  }
0x63: {  	_ =	shalt  }
0x64: {  	_ =	shalt  }
0x65: {  	_ =	shalt  }
0x66: {  	_ =	shalt  }
0x67: {  	_ =	shalt  }
0x68: {  	_ =	shalt  }
0x69: {  	_ =	shalt  }
0x6a: {  	_ =	shalt  }
0x6b: {  	_ =	shalt  }
0x6c: {  	_ =	shalt  }
0x6d: {  	_ =	shalt  }
0x6e: {  	_ =	shalt  }
0x6f: {  	_ =	shalt  }
0x70: {  	_ =	shalt  }
0x71: {  	_ =	shalt  }
0x72: {  	_ =	shalt  }
0x73: {  	_ =	shalt  }
0x74: {  	_ =	shalt  }
0x75: {  	_ =	shalt  }
0x76: {  	_ =	shalt  }
0x77: {  	_ =	shalt  }
0x78: {  	_ =	shalt  }
0x79: {  	_ =	shalt  }
0x7a: {  	_ =	shalt  }
0x7b: {  	_ =	shalt  }
0x7c: {  	_ =	shalt  }
0x7d: {  	_ =	shalt  }
0x7e: {  	_ =	shalt  }
0x7f: {  	_ =	shalt  }
0x80: {  	_ =	shalt  }
0x81: {  	_ =	shalt  }
0x82: {  	_ =	shalt  }
0x83: {  	_ =	shalt  }
0x84: {  	_ =	shalt  }
0x85: {  	_ =	shalt  }
0x86: {  	_ =	shalt  }
0x87: {  	_ =	shalt  }
.Lfunc_end0:
.L_simem_size_0:
called_computation_lowered:
.L_overlay_start_0:
0x88: {  	s2 =	sld [smem:$0x3FD9]  }
0x89: {  	s3 =	sld [smem:$0x3FFE];
	_ =	sdelay $0x1  }
0x8a: {  	s1 =	srdreg.scid  }
0x8b: {  	s0 =	sand.u32 $0x1, s1  }
0x8c: {  	s16 =	sshll.u32 s0, $0xA;
	s2 =	sadd.s32 s3, s2  }
0x8d: {  	s2 =	sadd.s32 s2, s16  }
0x8e: {  	[smem:$0x3FB9] =	sst s2  }
0x8f: {  	_ = 	snop  }
0x90: {  	(tm) =	ssettm $0x1  }
0x91: {  	s17 =	sld [smem:$0x3FFB];
	_ =	sdelay $0x3  }
0x92: {  	_ =	strace s17  }
0x93: {  	s2 =	sld [smem:$0x3FFC];
	_ =	sdelay $0x3  }
0x94: {  	_ =	strace s2  }
0x95: {  	s2 =	sld [smem:$0x3FFD];
	_ =	sdelay $0x3  }
0x96: {  	_ =	strace s2  }
0x97: {  	_ =	strace $0x8FFFFFFF  }
0x98: {  	s18 =	sld [smem:$0x3FDB];
	_ =	sdelay $0x1  }
0x99: {  	s19 =	simm.s32 $_scs_section_size  }
0x9a: {  	s4 =	simm.s32 $_size__tile_overlayer_lowered;
	s5 =	simm.s32 $_tile_overlayer_lowered  }
0x9b: {  	s22 =	simm.s32 $0x1BFF;
	s21 =	sshll.u32 s5, $0x1;
	s2 =	sadd.s32 s19, s18  }
0x9c: {  	s6 =	simm.s32 $0x0;
	s20 =	sshll.u32 s4, $0x1;
	s4 =	sadd.s32 s21, s2  }
0x9d: {  	[timem:s6], [sflag:s22] =	dma.local [hbm:s4], s20  }
0x9e: {  	_ =	swait.ge [sflag:s22], s20  }
0x9f: {  	s3 =	ssub.s32 $0x0, s20;
	[sflag:s22] =	ssyncset.done $0x0  }
0xa0: {  	[sflag:s22] =	ssyncadd.s32 s3;
	_ =	sdelay $0x1  }
0xa1: {  	s23 =	simm.s32 $0x1B8B  }
0xa2: {  	_ =	swait.ge [sflag:s23], $0x1  }
0xa3: {  	[sflag:s23] =	ssyncset.done $0x0  }
0xa4: {  	s25 =	simm.s32 $0x1B8E;
	s24 =	sld [smem:$0x3FFE];
	[sflag:s23] =	ssyncadd.s32 $0xFFFFFFFF  }
0xa5: {  	s26 =	simm.s32 $execute0_lowered;
	[smem:$0x3FD2] =	sst s25  }
0xa6: {  	s4 =	sshll.u32 s26, $0x1;
	_ =	strace $0x80000046;
	[dreg:$0x1] =	wrdreg $0xFFFFFFFF  }
0xa7: {  	s28 =	simm.s32 $_size_execute0_lowered;
	s2 =	sadd.s32 s2, s4;
	[dreg:$0x0] =	wrdreg $0x0  }
0xa8: {  	s4 =	sshll.u32 s28, $0x1;
	[dreg:$0x2] =	wrdreg s2  }
0xa9: {  	[dreg:$0x3] =	wrdreg s4  }
0xaa: {  	[dreg:$0x4] =	wrdreg $0xC0  }
0xab: {  	_ =	task [dreg:s6], $0x5FFFF  }
0xac: {  	[dreg:$0x1] =	wrdreg $0xFFFFFFFF  }
0xad: {  	[dreg:$0x0] =	wrdreg $0x60  }
0xae: {  	[dreg:$0x2] =	wrdreg s24  }
0xaf: {  	[dreg:$0x3] =	wrdreg $0x9  }
0xb0: {  	_ =	task.clear_ibuf [dreg:s6], $0x4FFFF;
	_ =	strace $0x90000046  }
0xb1: {  	s29 =	simm.s32 $0x9;
	_ =	strace $0x80000048  }
0xb2: {  	_ =	swait.ge [sflag:s29], $0x1  }
0xb3: {  	[sflag:s29] =	ssyncadd.s32 $0xFFFFFFFF  }
0xb4: {  	_ =	strace $0x90000048  }
0xb5: {  	_ =	sfence  }
0xb6: {  	s30 =	sld [smem:$0x0];
	_ =	sdelay $0x2  }
0xb7: {  	s31 =	sshll.u32 s1, $0xD;
	s1 =	sshrl.u32 s1, $0x2  }
0xb8: {  	s3 =	sand.u32 $0x4000, s31;
	s1 =	sadd.s32 s1, s30  }
0xb9: {  	s0 =	sor.u32 s3, s0;
	s1 =	sshll.u32 s1, $0x11  }
0xba: {  	s0 =	sor.u32 s1, s0  }
0xbb: {  	s0 =	sadd.s32 $0x8F2B, s0  }
0xbc: {  	[sflag:s0] =	ssyncadd.remote.s32 $0x1  }
0xbd: {  	_ =	sfence.sel $0xFFFF  }
0xbe: {  	[dreg:$0x0] =	wrdreg $0xFFFFFFFF;
	(pc) =	sbr.abs _section_cstart, $3  }
0xbf: {  	[dreg:$0x1] =	wrdreg $0xFFFFFFFF  }
0xc0: {  	_ =	task.clear_ibuf [dreg:s6], $0x2FFFF;
	_ =	strace $0x9FFFFFFF  }
0xc1: {  	(tm) =	ssettm $0x7FFFFFFF  }
tec
execute0_lowered:
.L_overlay_start_1:
0x0: {  	(tag) =	ssettag $0x1  }
0x1: {  	s0 =	srdreg.scid  }
0x2: {  	s2 =	stileid.u32;
	s1 =	rddreg [dreg:$0x0]  }
0x3: {  	s14 =	simm.s32 $0x5;
	s16 =	simm.s32 $0x50;
	s17 =	simm.s32 $0x4E20  }
0x4: {  	s18 =	simm.s32 $0x7620;
	s19 =	simm.s32 $0x9E20;
	s20 =	simm.s32 $0xA320  }
0x5: {  	s21 =	simm.s32 $0x1;
	s22 =	simm.s32 $0xA820;
	s23 =	simm.s32 $0xD020  }
0x6: {  	s28 =	simm.s32 $0x3;
	s29 =	simm.s32 $0x4;
	s30 =	simm.s32 $0x0  }
0x7: {  	s0 =	sand.u32 $0x1, s0;
	s3 =	sshll.u32 s2, $0x1;
	s2 =	simm.s32 $0x0  }
0x8: {  	s4 =	sadd.s32 $0x1CC00, s1;
	s5 =	sadd.s32 $0x43E00, s1;
	s3 =	sor.u32 s0, s3  }
0x9: {  	s6 =	sadd.s32 $0x17C00, s1;
	s0 =	ssub.s32 $0x2, s0;
	s3 =	smul.u32 $0x2710, s3  }
0xa: {  	s8 =	sadd.s32 $0x6B000, s1;
	[smem:$0x7FF] =	sst s2;
	s24 =	sshrl.u32 s0, $0x1  }
0xb: {  	_ =	strace $0x80000047;
	s0 =	ssub.s32 s0, s24;
	s7 =	sshrl.u32 s3, $0x3  }
0xc: {  	s10 =	sadd.s32 $0x26C0, s3;
	s0 =	smax.u32 s0, $0x1;
	s9 =	sadd.s32 s7, s1  }
0xd: {  	s7 =	sadd.s32 $0x107400, s1;
	[dreg:$0x6] =	wrdreg s0;
	s25 =	sadd.s32 $0x4000, s9  }
0xe: {  	s26 =	sshll.u32 s10, $0x4;
	s9 =	sadd.s32 $0xDE00, s9;
	[dreg:$0x2] =	wrdreg s25  }
0xf: {  	s31 =	sshll.u32 s10, $0x1;
	s1 =	sadd.s32 s7, s26;
	[dreg:$0x3] =	wrdreg s9  }
0x10: {  	s24 =	simm.s32 $0xF820;
	[dreg:$0x4] =	wrdreg s1;
	s1 =	sadd.s32 s8, s31  }
0x11: {  	s26 =	simm.s32 $0x2;
	s25 =	simm.s32 $0xFD20;
	[dreg:$0x5] =	wrdreg s1  }
.LBB2_1:
0x12: {  	s0 =	rddreg [dreg:$0x2]  }
0x13: {  	[tilespmem:s2], [sflag:$0x5] =	stream.linear.gather [hbm4b:s0+s2], $0x2710, $0x38;
	[tilespmem:$0x10220] =	vst v63  }
0x14: {  	_ =	swait.ge [sflag:s14], $0x2710  }
0x15: {  	[sflag:s14] =	ssyncset.done $0x0  }
0x16: {  	s1 =	simm.s32 $0x2710;
	s15 =	rddreg [dreg:$0x3];
	[sflag:s14] =	ssyncadd.s32 $0xFFFFD8F0  }
0x17: {  	[tilespmem:s1], [sflag:$0x5] =	stream.linear.gather [hbm4b:s15+s2], $0x2710, $0x38;
	[tilespmem:$0x10220] =	vst v63  }
0x18: {  	_ =	swait.ge [sflag:s14], $0x2710  }
0x19: {  	[sflag:s14] =	ssyncset.done $0x0  }
0x1a: {  	[sflag:s14] =	ssyncadd.s32 $0xFFFFD8F0  }
0x1b: {  	[tilespmem:s17], [sflag:$0x1] =	stream.indirect.gather [hbm4b:s4+s16], $0x80, s2, s16, $0xb8;
	[tilespmem:$0x10220] =	vst v63  }
0x1c: {  	_ = 	snop  }
0x1d: {  	[tilespmem:s18], [sflag:$0x1] =	stream.indirect.gather [hbm4b:s5+s16], $0x80, s1, s16, $0xb8;
	[tilespmem:$0x10220] =	vst v63  }
0x1e: {  	_ = 	snop  }
0x1f: {  	[tilespmem:s19], [sflag:$0x1] =	stream.indirect.gather [hbm4b:s6+s16], $0x10, s2, s16, $0xb8;
	[tilespmem:$0x10220] =	vst v63  }
0x20: {  	s31 =	simm.s32 $0x0  }
0x21: {  	[tilespmem:s20], [sflag:$0x1] =	stream.indirect.gather [hbm4b:s6+s16], $0x10, s1, s16, $0xb8;
	[tilespmem:$0x10220] =	vst v63  }
.LBB2_2:
0x22: {  	_ =	swait.ge [sflag:s21], $0x2800  }
0x23: {  	[sflag:s21] =	ssyncset.done $0x0  }
0x24: {  	[sflag:s21] =	ssyncadd.s32 $0xFFFFD800  }
0x25: {  	_ =	swait.ge [sflag:s21], $0x2800  }
0x26: {  	[sflag:s21] =	ssyncset.done $0x0  }
0x27: {  	[sflag:s21] =	ssyncadd.s32 $0xFFFFD800  }
0x28: {  	_ =	swait.ge [sflag:s21], $0x500  }
0x29: {  	[sflag:s21] =	ssyncset.done $0x0  }
0x2a: {  	[sflag:s21] =	ssyncadd.s32 $0xFFFFFB00  }
0x2b: {  	_ =	swait.ge [sflag:s21], $0x500  }
0x2c: {  	p0 =	seq.s32 s31, $0x0;
	[sflag:s21] =	ssyncset.done $0x0  }
0x2d: {  	s1 =	simm.s32 @!p0 $0x4;
	[sflag:s21] =	ssyncadd.s32 $0xFFFFFB00  }
0x2e: {  	_ =	swait.ge @!p0 [sflag:s1], $0x2800  }
0x2f: {  	[sflag:s1] =	ssyncset.done @!p0 $0x0  }
0x30: {  	[sflag:s1] =	ssyncadd.s32 @!p0 $0xFFFFD800  }
0x31: {  	s0 =	smul.u32 $0xA0, s31;
	_ =	swait.ge @!p0 [sflag:s1], $0x500  }
0x32: {  	[sflag:s1] =	ssyncset.done @!p0 $0x0  }
0x33: {  	[sflag:s1] =	ssyncadd.s32 @!p0 $0xFFFFFB00;
	s1 =	sadd.s32 $0x50, s0  }
0x34: {  	[tilespmem:s22], [sflag:$0x2] =	stream.indirect.gather [hbm4b:s4+s16], $0x80, s1, s16, $0xb8;
	[tilespmem:$0x10220] =	vst v63  }
0x35: {  	s9 =	sadd.s32 $0x2760, s0  }
0x36: {  	[tilespmem:s23], [sflag:$0x2] =	stream.indirect.gather [hbm4b:s5+s16], $0x80, s9, s16, $0xb8;
	[tilespmem:$0x10220] =	vst v63  }
0x37: {  	_ = 	snop  }
0x38: {  	[tilespmem:s24], [sflag:$0x2] =	stream.indirect.gather [hbm4b:s6+s16], $0x10, s1, s16, $0xb8;
	[tilespmem:$0x10220] =	vst v63  }
0x39: {  	s11 =	simm.s32 $0x4EA0  }
0x3a: {  	[tilespmem:s25], [sflag:$0x2] =	stream.indirect.gather [hbm4b:s6+s16], $0x10, s9, s16, $0xb8;
	[tilespmem:$0x10220] =	vst v63  }
0x3b: {  	s12 =	simm.s32 $0x76A0;
	v0 =	vld [tilespmem:s11+$0xFFFFFF80]  }
0x3c: {  	v1 =	vld [tilespmem:s12+$0xFFFFFF80];
	_ =	sdelay $0x4  }
0x3d: {  	v0 =	vadd.f32 v1, v0;
	_ =	sdelay $0x1  }
0x3e: {  	[tilespmem:s11+$0xFFFFFF80] =	vst v0;
	v0 =	vld [tilespmem:s11+$0xFFFFFF90]  }
0x3f: {  	v1 =	vld [tilespmem:s12+$0xFFFFFF90];
	_ =	sdelay $0x4  }
0x40: {  	v0 =	vadd.f32 v1, v0;
	_ =	sdelay $0x1  }
0x41: {  	[tilespmem:s11+$0xFFFFFF90] =	vst v0;
	v0 =	vld [tilespmem:s11+$0xFFFFFFA0]  }
0x42: {  	v1 =	vld [tilespmem:s12+$0xFFFFFFA0];
	_ =	sdelay $0x4  }
0x43: {  	v0 =	vadd.f32 v1, v0;
	_ =	sdelay $0x1  }
0x44: {  	[tilespmem:s11+$0xFFFFFFA0] =	vst v0;
	v0 =	vld [tilespmem:s11+$0xFFFFFFB0]  }
0x45: {  	v1 =	vld [tilespmem:s12+$0xFFFFFFB0];
	_ =	sdelay $0x4  }
0x46: {  	v0 =	vadd.f32 v1, v0;
	_ =	sdelay $0x1  }
0x47: {  	[tilespmem:s11+$0xFFFFFFB0] =	vst v0;
	v0 =	vld [tilespmem:s11+$0xFFFFFFC0]  }
0x48: {  	v1 =	vld [tilespmem:s12+$0xFFFFFFC0];
	_ =	sdelay $0x4  }
0x49: {  	v0 =	vadd.f32 v1, v0;
	_ =	sdelay $0x1  }
0x4a: {  	[tilespmem:s11+$0xFFFFFFC0] =	vst v0;
	v0 =	vld [tilespmem:s11+$0xFFFFFFD0]  }
0x4b: {  	v1 =	vld [tilespmem:s12+$0xFFFFFFD0];
	_ =	sdelay $0x4  }
0x4c: {  	v0 =	vadd.f32 v1, v0;
	_ =	sdelay $0x1  }
0x4d: {  	[tilespmem:s11+$0xFFFFFFD0] =	vst v0;
	v0 =	vld [tilespmem:s11+$0xFFFFFFE0]  }
0x4e: {  	v1 =	vld [tilespmem:s12+$0xFFFFFFE0];
	_ =	sdelay $0x4  }
0x4f: {  	v0 =	vadd.f32 v1, v0;
	_ =	sdelay $0x1  }
0x50: {  	[tilespmem:s11+$0xFFFFFFE0] =	vst v0;
	v0 =	vld [tilespmem:s11+$0xFFFFFFF0]  }
0x51: {  	v1 =	vld [tilespmem:s12+$0xFFFFFFF0];
	_ =	sdelay $0x4  }
0x52: {  	v0 =	vadd.f32 v1, v0;
	_ =	sdelay $0x1  }
0x53: {  	s9 =	simm.s32 $0x9E30;
	[tilespmem:s11+$0xFFFFFFF0] =	vst v0  }
0x54: {  	s10 =	simm.s32 $0xA330;
	v0 =	vld [tilespmem:s9+$0xFFFFFFF0]  }
0x55: {  	v1 =	vld [tilespmem:s10+$0xFFFFFFF0];
	_ =	sdelay $0x4  }
0x56: {  	v0 =	vsub.f32 v0, v1;
	_ =	sdelay $0x1  }
0x57: {  	[tilespmem:s9+$0xFFFFFFF0] =	vst v0  }
0x58: {  	v0 =	vld [tilespmem:s11+$0x0]  }
0x59: {  	v1 =	vld [tilespmem:s12+$0x0];
	_ =	sdelay $0x4  }
0x5a: {  	v0 =	vadd.f32 v1, v0;
	_ =	sdelay $0x1  }
0x5b: {  	v1 =	vld [tilespmem:s11+$0x10];
	[tilespmem:s11+$0x0] =	vst v0  }
0x5c: {  	v0 =	vld [tilespmem:s12+$0x10];
	_ =	sdelay $0x4  }
0x5d: {  	v0 =	vadd.f32 v0, v1;
	_ =	sdelay $0x1  }
0x5e: {  	v1 =	vld [tilespmem:s11+$0x20];
	[tilespmem:s11+$0x10] =	vst v0  }
0x5f: {  	v0 =	vld [tilespmem:s12+$0x20];
	_ =	sdelay $0x4  }
0x60: {  	v0 =	vadd.f32 v0, v1;
	_ =	sdelay $0x1  }
0x61: {  	v1 =	vld [tilespmem:s11+$0x30];
	[tilespmem:s11+$0x20] =	vst v0  }
0x62: {  	v0 =	vld [tilespmem:s12+$0x30];
	_ =	sdelay $0x4  }
0x63: {  	v0 =	vadd.f32 v0, v1;
	_ =	sdelay $0x1  }
0x64: {  	v1 =	vld [tilespmem:s11+$0x40];
	[tilespmem:s11+$0x30] =	vst v0  }
0x65: {  	v0 =	vld [tilespmem:s12+$0x40];
	_ =	sdelay $0x4  }
0x66: {  	v0 =	vadd.f32 v0, v1;
	_ =	sdelay $0x1  }
0x67: {  	v1 =	vld [tilespmem:s11+$0x50];
	[tilespmem:s11+$0x40] =	vst v0  }
0x68: {  	v0 =	vld [tilespmem:s12+$0x50];
	_ =	sdelay $0x4  }
0x69: {  	v0 =	vadd.f32 v0, v1;
	_ =	sdelay $0x1  }
0x6a: {  	v1 =	vld [tilespmem:s11+$0x60];
	[tilespmem:s11+$0x50] =	vst v0  }
0x6b: {  	v0 =	vld [tilespmem:s12+$0x60];
	_ =	sdelay $0x4  }
0x6c: {  	v0 =	vadd.f32 v0, v1;
	_ =	sdelay $0x1  }
0x6d: {  	v1 =	vld [tilespmem:s11+$0x70];
	[tilespmem:s11+$0x60] =	vst v0  }
0x6e: {  	v0 =	vld [tilespmem:s12+$0x70];
	_ =	sdelay $0x4  }
0x6f: {  	v0 =	vadd.f32 v0, v1;
	_ =	sdelay $0x1  }
0x70: {  	[tilespmem:s11+$0x70] =	vst v0  }
0x71: {  	v0 =	vld [tilespmem:s9+$0x0]  }
0x72: {  	v1 =	vld [tilespmem:s10+$0x0];
	_ =	sdelay $0x1  }
0x73: {  	s13 =	simm.s32 $0x4FA0  }
0x74: {  	s15 =	simm.s32 $0x77A0;
	s12 =	simm.s32 $0x9E30;
	s11 =	simm.s32 $0x0  }
.LBB2_3:
0x75: {  	s11 =	sadd.s32 $0x2, s11;
	s9 =	sadd.s32 $0x20, s9;
	s10 =	sadd.s32 $0x20, s10  }
0x76: {  	p0 =	slt.u32 s11, $0x4E;
	v0 =	vsub.f32 v0, v1;
	_ =	sdelay $0x1  }
0x77: {  	[tilespmem:s12+$0x0] =	vst v0;
	s12 =	smov.u32 s9  }
0x78: {  	v0 =	vld [tilespmem:s13+$0xFFFFFF80]  }
0x79: {  	v1 =	vld [tilespmem:s15+$0xFFFFFF80];
	_ =	sdelay $0x4  }
0x7a: {  	v0 =	vadd.f32 v1, v0;
	_ =	sdelay $0x1  }
0x7b: {  	[tilespmem:s13+$0xFFFFFF80] =	vst v0;
	v0 =	vld [tilespmem:s13+$0xFFFFFF90]  }
0x7c: {  	v1 =	vld [tilespmem:s15+$0xFFFFFF90];
	_ =	sdelay $0x4  }
0x7d: {  	v0 =	vadd.f32 v1, v0;
	_ =	sdelay $0x1  }
0x7e: {  	[tilespmem:s13+$0xFFFFFF90] =	vst v0;
	v0 =	vld [tilespmem:s13+$0xFFFFFFA0]  }
0x7f: {  	v1 =	vld [tilespmem:s15+$0xFFFFFFA0];
	_ =	sdelay $0x4  }
0x80: {  	v0 =	vadd.f32 v1, v0;
	_ =	sdelay $0x1  }
0x81: {  	[tilespmem:s13+$0xFFFFFFA0] =	vst v0;
	v0 =	vld [tilespmem:s13+$0xFFFFFFB0]  }
0x82: {  	v1 =	vld [tilespmem:s15+$0xFFFFFFB0];
	_ =	sdelay $0x4  }
0x83: {  	v0 =	vadd.f32 v1, v0;
	_ =	sdelay $0x1  }
0x84: {  	[tilespmem:s13+$0xFFFFFFB0] =	vst v0;
	v0 =	vld [tilespmem:s13+$0xFFFFFFC0]  }
0x85: {  	v1 =	vld [tilespmem:s15+$0xFFFFFFC0];
	_ =	sdelay $0x4  }
0x86: {  	v0 =	vadd.f32 v1, v0;
	_ =	sdelay $0x1  }
0x87: {  	[tilespmem:s13+$0xFFFFFFC0] =	vst v0;
	v0 =	vld [tilespmem:s13+$0xFFFFFFD0]  }
0x88: {  	v1 =	vld [tilespmem:s15+$0xFFFFFFD0];
	_ =	sdelay $0x4  }
0x89: {  	v0 =	vadd.f32 v1, v0;
	_ =	sdelay $0x1  }
0x8a: {  	[tilespmem:s13+$0xFFFFFFD0] =	vst v0;
	v0 =	vld [tilespmem:s13+$0xFFFFFFE0]  }
0x8b: {  	v1 =	vld [tilespmem:s15+$0xFFFFFFE0];
	_ =	sdelay $0x4  }
0x8c: {  	v0 =	vadd.f32 v1, v0;
	_ =	sdelay $0x1  }
0x8d: {  	[tilespmem:s13+$0xFFFFFFE0] =	vst v0;
	v0 =	vld [tilespmem:s13+$0xFFFFFFF0]  }
0x8e: {  	v1 =	vld [tilespmem:s15+$0xFFFFFFF0];
	_ =	sdelay $0x4  }
0x8f: {  	v0 =	vadd.f32 v1, v0;
	_ =	sdelay $0x1  }
0x90: {  	[tilespmem:s13+$0xFFFFFFF0] =	vst v0  }
0x91: {  	v0 =	vld [tilespmem:s9+$0xFFFFFFF0]  }
0x92: {  	v1 =	vld [tilespmem:s10+$0xFFFFFFF0];
	_ =	sdelay $0x4  }
0x93: {  	v0 =	vsub.f32 v0, v1;
	_ =	sdelay $0x1  }
0x94: {  	[tilespmem:s9+$0xFFFFFFF0] =	vst v0  }
0x95: {  	v0 =	vld [tilespmem:s13+$0x0]  }
0x96: {  	v1 =	vld [tilespmem:s15+$0x0];
	_ =	sdelay $0x4  }
0x97: {  	v0 =	vadd.f32 v1, v0  }
0x98: {  	v1 =	vld [tilespmem:s13+$0x10]  }
0x99: {  	[tilespmem:s13+$0x0] =	vst v0  }
0x9a: {  	v0 =	vld [tilespmem:s15+$0x10];
	_ =	sdelay $0x4  }
0x9b: {  	v0 =	vadd.f32 v0, v1  }
0x9c: {  	v1 =	vld [tilespmem:s13+$0x20]  }
0x9d: {  	[tilespmem:s13+$0x10] =	vst v0  }
0x9e: {  	v0 =	vld [tilespmem:s15+$0x20];
	_ =	sdelay $0x4  }
0x9f: {  	v0 =	vadd.f32 v0, v1  }
0xa0: {  	v1 =	vld [tilespmem:s13+$0x30]  }
0xa1: {  	[tilespmem:s13+$0x20] =	vst v0  }
0xa2: {  	v0 =	vld [tilespmem:s15+$0x30];
	_ =	sdelay $0x4  }
0xa3: {  	v0 =	vadd.f32 v0, v1  }
0xa4: {  	v1 =	vld [tilespmem:s13+$0x40]  }
0xa5: {  	[tilespmem:s13+$0x30] =	vst v0  }
0xa6: {  	v0 =	vld [tilespmem:s15+$0x40];
	_ =	sdelay $0x4  }
0xa7: {  	v0 =	vadd.f32 v0, v1  }
0xa8: {  	v1 =	vld [tilespmem:s13+$0x50]  }
0xa9: {  	[tilespmem:s13+$0x40] =	vst v0  }
0xaa: {  	v0 =	vld [tilespmem:s15+$0x50];
	_ =	sdelay $0x4  }
0xab: {  	v0 =	vadd.f32 v0, v1  }
0xac: {  	v1 =	vld [tilespmem:s13+$0x60]  }
0xad: {  	[tilespmem:s13+$0x50] =	vst v0  }
0xae: {  	v0 =	vld [tilespmem:s15+$0x60];
	_ =	sdelay $0x4  }
0xaf: {  	v0 =	vadd.f32 v0, v1  }
0xb0: {  	v1 =	vld [tilespmem:s13+$0x70]  }
0xb1: {  	[tilespmem:s13+$0x60] =	vst v0  }
0xb2: {  	v0 =	vld [tilespmem:s15+$0x70];
	_ =	sdelay $0x4  }
0xb3: {  	v0 =	vadd.f32 v0, v1;
	_ =	sdelay $0x1  }
0xb4: {  	[tilespmem:s13+$0x70] =	vst v0  }
.Ltmp0:
0xb5: {  	v0 =	vld [tilespmem:s9+$0x0];
	(pc) =	sbr.rel @p0 .LBB2_3-.Ltmp0, $2  }
0xb6: {  	v1 =	vld [tilespmem:s10+$0x0];
	_ =	sdelay $0x2  }
0xb7: {  	s15 =	sadd.s32 $0x100, s15;
	s13 =	sadd.s32 $0x100, s13  }
0xb8: {  	_ = 	snop  }
0xb9: {  	s9 =	sadd.s32 s3, s0;
	v0 =	vsub.f32 v0, v1  }
0xba: {  	s10 =	sshll.u32 s9, $0x4  }
0xbb: {  	s9 =	sshll.u32 s9, $0x1;
	s10 =	sadd.s32 s7, s10;
	[tilespmem:s12+$0x0] =	vst v0  }
0xbc: {  	[hbm4b:s10+s2] =	stream.linear.scatter [tilespmem:s17], [sflag:$0x3], $0x2800, $0x38;
	[tilespmem:$0x10220] =	vst v63  }
0xbd: {  	s9 =	sadd.s32 s8, s9  }
0xbe: {  	[hbm4b:s9+s2] =	stream.linear.scatter [tilespmem:s19], [sflag:$0x3], $0x500, $0x38;
	[tilespmem:$0x10220] =	vst v63  }
0xbf: {  	_ =	swait.ge [sflag:s26], $0x2800  }
0xc0: {  	[sflag:s26] =	ssyncset.done $0x0  }
0xc1: {  	[sflag:s26] =	ssyncadd.s32 $0xFFFFD800  }
0xc2: {  	_ =	swait.ge [sflag:s26], $0x2800  }
0xc3: {  	[sflag:s26] =	ssyncset.done $0x0  }
0xc4: {  	[sflag:s26] =	ssyncadd.s32 $0xFFFFD800  }
0xc5: {  	_ =	swait.ge [sflag:s26], $0x500  }
0xc6: {  	[sflag:s26] =	ssyncset.done $0x0  }
0xc7: {  	[sflag:s26] =	ssyncadd.s32 $0xFFFFFB00  }
0xc8: {  	_ =	swait.ge [sflag:s26], $0x500  }
0xc9: {  	[sflag:s26] =	ssyncset.done $0x0  }
0xca: {  	[sflag:s26] =	ssyncadd.s32 $0xFFFFFB00  }
0xcb: {  	_ =	swait.ge [sflag:s28], $0x2800  }
0xcc: {  	[sflag:s28] =	ssyncset.done $0x0  }
0xcd: {  	[sflag:s28] =	ssyncadd.s32 $0xFFFFD800  }
0xce: {  	_ =	swait.ge [sflag:s28], $0x500  }
0xcf: {  	[sflag:s28] =	ssyncset.done $0x0  }
0xd0: {  	s12 =	sadd.s32 $0xA0, s0;
	[sflag:s28] =	ssyncadd.s32 $0xFFFFFB00  }
0xd1: {  	[tilespmem:s17], [sflag:$0x1] =	stream.indirect.gather [hbm4b:s4+s16], $0x80, s12, s16, $0xb8;
	[tilespmem:$0x10220] =	vst v63  }
0xd2: {  	s13 =	sadd.s32 $0x27B0, s0  }
0xd3: {  	[tilespmem:s18], [sflag:$0x1] =	stream.indirect.gather [hbm4b:s5+s16], $0x80, s13, s16, $0xb8;
	[tilespmem:$0x10220] =	vst v63  }
0xd4: {  	_ = 	snop  }
0xd5: {  	[tilespmem:s19], [sflag:$0x1] =	stream.indirect.gather [hbm4b:s6+s16], $0x10, s12, s16, $0xb8;
	[tilespmem:$0x10220] =	vst v63  }
0xd6: {  	s15 =	simm.s32 $0xA8A0  }
0xd7: {  	[tilespmem:s20], [sflag:$0x1] =	stream.indirect.gather [hbm4b:s6+s16], $0x10, s13, s16, $0xb8;
	[tilespmem:$0x10220] =	vst v63  }
0xd8: {  	s11 =	simm.s32 $0xD0A0;
	v0 =	vld [tilespmem:s15+$0xFFFFFF80]  }
0xd9: {  	v1 =	vld [tilespmem:s11+$0xFFFFFF80];
	_ =	sdelay $0x4  }
0xda: {  	v0 =	vadd.f32 v1, v0;
	_ =	sdelay $0x1  }
0xdb: {  	[tilespmem:s15+$0xFFFFFF80] =	vst v0;
	v0 =	vld [tilespmem:s15+$0xFFFFFF90]  }
0xdc: {  	v1 =	vld [tilespmem:s11+$0xFFFFFF90];
	_ =	sdelay $0x4  }
0xdd: {  	v0 =	vadd.f32 v1, v0;
	_ =	sdelay $0x1  }
0xde: {  	[tilespmem:s15+$0xFFFFFF90] =	vst v0;
	v0 =	vld [tilespmem:s15+$0xFFFFFFA0]  }
0xdf: {  	v1 =	vld [tilespmem:s11+$0xFFFFFFA0];
	_ =	sdelay $0x4  }
0xe0: {  	v0 =	vadd.f32 v1, v0;
	_ =	sdelay $0x1  }
0xe1: {  	[tilespmem:s15+$0xFFFFFFA0] =	vst v0;
	v0 =	vld [tilespmem:s15+$0xFFFFFFB0]  }
0xe2: {  	v1 =	vld [tilespmem:s11+$0xFFFFFFB0];
	_ =	sdelay $0x4  }
0xe3: {  	v0 =	vadd.f32 v1, v0;
	_ =	sdelay $0x1  }
0xe4: {  	[tilespmem:s15+$0xFFFFFFB0] =	vst v0;
	v0 =	vld [tilespmem:s15+$0xFFFFFFC0]  }
0xe5: {  	v1 =	vld [tilespmem:s11+$0xFFFFFFC0];
	_ =	sdelay $0x4  }
0xe6: {  	v0 =	vadd.f32 v1, v0;
	_ =	sdelay $0x1  }
0xe7: {  	[tilespmem:s15+$0xFFFFFFC0] =	vst v0;
	v0 =	vld [tilespmem:s15+$0xFFFFFFD0]  }
0xe8: {  	v1 =	vld [tilespmem:s11+$0xFFFFFFD0];
	_ =	sdelay $0x4  }
0xe9: {  	v0 =	vadd.f32 v1, v0;
	_ =	sdelay $0x1  }
0xea: {  	[tilespmem:s15+$0xFFFFFFD0] =	vst v0;
	v0 =	vld [tilespmem:s15+$0xFFFFFFE0]  }
0xeb: {  	v1 =	vld [tilespmem:s11+$0xFFFFFFE0];
	_ =	sdelay $0x4  }
0xec: {  	v0 =	vadd.f32 v1, v0;
	_ =	sdelay $0x1  }
0xed: {  	[tilespmem:s15+$0xFFFFFFE0] =	vst v0;
	v0 =	vld [tilespmem:s15+$0xFFFFFFF0]  }
0xee: {  	v1 =	vld [tilespmem:s11+$0xFFFFFFF0];
	_ =	sdelay $0x4  }
0xef: {  	v0 =	vadd.f32 v1, v0;
	_ =	sdelay $0x1  }
0xf0: {  	s0 =	simm.s32 $0xF830;
	[tilespmem:s15+$0xFFFFFFF0] =	vst v0  }
0xf1: {  	s9 =	simm.s32 $0xFD30;
	v0 =	vld [tilespmem:s0+$0xFFFFFFF0]  }
0xf2: {  	v1 =	vld [tilespmem:s9+$0xFFFFFFF0];
	_ =	sdelay $0x4  }
0xf3: {  	v0 =	vsub.f32 v0, v1;
	_ =	sdelay $0x1  }
0xf4: {  	[tilespmem:s0+$0xFFFFFFF0] =	vst v0  }
0xf5: {  	v0 =	vld [tilespmem:s15+$0x0]  }
0xf6: {  	v1 =	vld [tilespmem:s11+$0x0];
	_ =	sdelay $0x4  }
0xf7: {  	v0 =	vadd.f32 v1, v0;
	_ =	sdelay $0x1  }
0xf8: {  	v1 =	vld [tilespmem:s15+$0x10];
	[tilespmem:s15+$0x0] =	vst v0  }
0xf9: {  	v0 =	vld [tilespmem:s11+$0x10];
	_ =	sdelay $0x4  }
0xfa: {  	v0 =	vadd.f32 v0, v1;
	_ =	sdelay $0x1  }
0xfb: {  	v1 =	vld [tilespmem:s15+$0x20];
	[tilespmem:s15+$0x10] =	vst v0  }
0xfc: {  	v0 =	vld [tilespmem:s11+$0x20];
	_ =	sdelay $0x4  }
0xfd: {  	v0 =	vadd.f32 v0, v1;
	_ =	sdelay $0x1  }
0xfe: {  	v1 =	vld [tilespmem:s15+$0x30];
	[tilespmem:s15+$0x20] =	vst v0  }
0xff: {  	v0 =	vld [tilespmem:s11+$0x30];
	_ =	sdelay $0x4  }
0x100: {  	v0 =	vadd.f32 v0, v1;
	_ =	sdelay $0x1  }
0x101: {  	v1 =	vld [tilespmem:s15+$0x40];
	[tilespmem:s15+$0x30] =	vst v0  }
0x102: {  	v0 =	vld [tilespmem:s11+$0x40];
	_ =	sdelay $0x4  }
0x103: {  	v0 =	vadd.f32 v0, v1;
	_ =	sdelay $0x1  }
0x104: {  	v1 =	vld [tilespmem:s15+$0x50];
	[tilespmem:s15+$0x40] =	vst v0  }
0x105: {  	v0 =	vld [tilespmem:s11+$0x50];
	_ =	sdelay $0x4  }
0x106: {  	v0 =	vadd.f32 v0, v1;
	_ =	sdelay $0x1  }
0x107: {  	v1 =	vld [tilespmem:s15+$0x60];
	[tilespmem:s15+$0x50] =	vst v0  }
0x108: {  	v0 =	vld [tilespmem:s11+$0x60];
	_ =	sdelay $0x4  }
0x109: {  	v0 =	vadd.f32 v0, v1;
	_ =	sdelay $0x1  }
0x10a: {  	v1 =	vld [tilespmem:s15+$0x70];
	[tilespmem:s15+$0x60] =	vst v0  }
0x10b: {  	v0 =	vld [tilespmem:s11+$0x70];
	_ =	sdelay $0x4  }
0x10c: {  	v0 =	vadd.f32 v0, v1;
	_ =	sdelay $0x1  }
0x10d: {  	[tilespmem:s15+$0x70] =	vst v0  }
0x10e: {  	v0 =	vld [tilespmem:s0+$0x0]  }
0x10f: {  	v1 =	vld [tilespmem:s9+$0x0];
	_ =	sdelay $0x1  }
0x110: {  	s10 =	simm.s32 $0x0  }
0x111: {  	s12 =	simm.s32 $0xA9A0;
	s13 =	simm.s32 $0xD1A0;
	s11 =	simm.s32 $0xF830  }
.LBB2_5:
0x112: {  	s10 =	sadd.s32 $0x2, s10;
	s0 =	sadd.s32 $0x20, s0;
	s9 =	sadd.s32 $0x20, s9  }
0x113: {  	p0 =	slt.u32 s10, $0x4E;
	v0 =	vsub.f32 v0, v1;
	_ =	sdelay $0x1  }
0x114: {  	[tilespmem:s11+$0x0] =	vst v0;
	s11 =	smov.u32 s0  }
0x115: {  	v0 =	vld [tilespmem:s12+$0xFFFFFF80]  }
0x116: {  	v1 =	vld [tilespmem:s13+$0xFFFFFF80];
	_ =	sdelay $0x4  }
0x117: {  	v0 =	vadd.f32 v1, v0;
	_ =	sdelay $0x1  }
0x118: {  	[tilespmem:s12+$0xFFFFFF80] =	vst v0;
	v0 =	vld [tilespmem:s12+$0xFFFFFF90]  }
0x119: {  	v1 =	vld [tilespmem:s13+$0xFFFFFF90];
	_ =	sdelay $0x4  }
0x11a: {  	v0 =	vadd.f32 v1, v0;
	_ =	sdelay $0x1  }
0x11b: {  	[tilespmem:s12+$0xFFFFFF90] =	vst v0;
	v0 =	vld [tilespmem:s12+$0xFFFFFFA0]  }
0x11c: {  	v1 =	vld [tilespmem:s13+$0xFFFFFFA0];
	_ =	sdelay $0x4  }
0x11d: {  	v0 =	vadd.f32 v1, v0;
	_ =	sdelay $0x1  }
0x11e: {  	[tilespmem:s12+$0xFFFFFFA0] =	vst v0;
	v0 =	vld [tilespmem:s12+$0xFFFFFFB0]  }
0x11f: {  	v1 =	vld [tilespmem:s13+$0xFFFFFFB0];
	_ =	sdelay $0x4  }
0x120: {  	v0 =	vadd.f32 v1, v0;
	_ =	sdelay $0x1  }
0x121: {  	[tilespmem:s12+$0xFFFFFFB0] =	vst v0;
	v0 =	vld [tilespmem:s12+$0xFFFFFFC0]  }
0x122: {  	v1 =	vld [tilespmem:s13+$0xFFFFFFC0];
	_ =	sdelay $0x4  }
0x123: {  	v0 =	vadd.f32 v1, v0;
	_ =	sdelay $0x1  }
0x124: {  	[tilespmem:s12+$0xFFFFFFC0] =	vst v0;
	v0 =	vld [tilespmem:s12+$0xFFFFFFD0]  }
0x125: {  	v1 =	vld [tilespmem:s13+$0xFFFFFFD0];
	_ =	sdelay $0x4  }
0x126: {  	v0 =	vadd.f32 v1, v0;
	_ =	sdelay $0x1  }
0x127: {  	[tilespmem:s12+$0xFFFFFFD0] =	vst v0;
	v0 =	vld [tilespmem:s12+$0xFFFFFFE0]  }
0x128: {  	v1 =	vld [tilespmem:s13+$0xFFFFFFE0];
	_ =	sdelay $0x4  }
0x129: {  	v0 =	vadd.f32 v1, v0;
	_ =	sdelay $0x1  }
0x12a: {  	[tilespmem:s12+$0xFFFFFFE0] =	vst v0;
	v0 =	vld [tilespmem:s12+$0xFFFFFFF0]  }
0x12b: {  	v1 =	vld [tilespmem:s13+$0xFFFFFFF0];
	_ =	sdelay $0x4  }
0x12c: {  	v0 =	vadd.f32 v1, v0;
	_ =	sdelay $0x1  }
0x12d: {  	[tilespmem:s12+$0xFFFFFFF0] =	vst v0  }
0x12e: {  	v0 =	vld [tilespmem:s0+$0xFFFFFFF0]  }
0x12f: {  	v1 =	vld [tilespmem:s9+$0xFFFFFFF0];
	_ =	sdelay $0x4  }
0x130: {  	v0 =	vsub.f32 v0, v1;
	_ =	sdelay $0x1  }
0x131: {  	[tilespmem:s0+$0xFFFFFFF0] =	vst v0  }
0x132: {  	v0 =	vld [tilespmem:s12+$0x0]  }
0x133: {  	v1 =	vld [tilespmem:s13+$0x0];
	_ =	sdelay $0x4  }
0x134: {  	v0 =	vadd.f32 v1, v0  }
0x135: {  	v1 =	vld [tilespmem:s12+$0x10]  }
0x136: {  	[tilespmem:s12+$0x0] =	vst v0  }
0x137: {  	v0 =	vld [tilespmem:s13+$0x10];
	_ =	sdelay $0x4  }
0x138: {  	v0 =	vadd.f32 v0, v1  }
0x139: {  	v1 =	vld [tilespmem:s12+$0x20]  }
0x13a: {  	[tilespmem:s12+$0x10] =	vst v0  }
0x13b: {  	v0 =	vld [tilespmem:s13+$0x20];
	_ =	sdelay $0x4  }
0x13c: {  	v0 =	vadd.f32 v0, v1  }
0x13d: {  	v1 =	vld [tilespmem:s12+$0x30]  }
0x13e: {  	[tilespmem:s12+$0x20] =	vst v0  }
0x13f: {  	v0 =	vld [tilespmem:s13+$0x30];
	_ =	sdelay $0x4  }
0x140: {  	v0 =	vadd.f32 v0, v1  }
0x141: {  	v1 =	vld [tilespmem:s12+$0x40]  }
0x142: {  	[tilespmem:s12+$0x30] =	vst v0  }
0x143: {  	v0 =	vld [tilespmem:s13+$0x40];
	_ =	sdelay $0x4  }
0x144: {  	v0 =	vadd.f32 v0, v1  }
0x145: {  	v1 =	vld [tilespmem:s12+$0x50]  }
0x146: {  	[tilespmem:s12+$0x40] =	vst v0  }
0x147: {  	v0 =	vld [tilespmem:s13+$0x50];
	_ =	sdelay $0x4  }
0x148: {  	v0 =	vadd.f32 v0, v1  }
0x149: {  	v1 =	vld [tilespmem:s12+$0x60]  }
0x14a: {  	[tilespmem:s12+$0x50] =	vst v0  }
0x14b: {  	v0 =	vld [tilespmem:s13+$0x60];
	_ =	sdelay $0x4  }
0x14c: {  	v0 =	vadd.f32 v0, v1  }
0x14d: {  	v1 =	vld [tilespmem:s12+$0x70]  }
0x14e: {  	[tilespmem:s12+$0x60] =	vst v0  }
0x14f: {  	v0 =	vld [tilespmem:s13+$0x70];
	_ =	sdelay $0x4  }
0x150: {  	v0 =	vadd.f32 v0, v1;
	_ =	sdelay $0x1  }
0x151: {  	[tilespmem:s12+$0x70] =	vst v0  }
.Ltmp1:
0x152: {  	v0 =	vld [tilespmem:s0+$0x0];
	(pc) =	sbr.rel @p0 .LBB2_5-.Ltmp1, $2  }
0x153: {  	v1 =	vld [tilespmem:s9+$0x0];
	_ =	sdelay $0x2  }
0x154: {  	s13 =	sadd.s32 $0x100, s13;
	s12 =	sadd.s32 $0x100, s12  }
0x155: {  	s0 =	sadd.s32 s3, s1;
	s31 =	sadd.s32 $0x1, s31  }
0x156: {  	v0 =	vsub.f32 v0, v1;
	s1 =	sshll.u32 s0, $0x4;
	p0 =	sne.s32 s31, $0x3E  }
.Ltmp2:
0x157: {  	s0 =	sshll.u32 s0, $0x1;
	s1 =	sand.u32 $0x1FFFFF00, s1;
	(pc) =	sbr.rel @p0 .LBB2_2-.Ltmp2, $4  }
0x158: {  	s0 =	sand.u32 $0x1FFFFFE0, s0;
	[tilespmem:s11+$0x0] =	vst v0;
	s1 =	sadd.s32 s7, s1  }
0x159: {  	[hbm4b:s1+s2] =	stream.linear.scatter [tilespmem:s22], [sflag:$0x4], $0x2800, $0x38;
	[tilespmem:$0x10220] =	vst v63  }
0x15a: {  	s0 =	sadd.s32 s8, s0  }
0x15b: {  	[hbm4b:s0+s2] =	stream.linear.scatter [tilespmem:s24], [sflag:$0x4], $0x500, $0x38;
	[tilespmem:$0x10220] =	vst v63  }
0x15c: {  	_ =	swait.ge [sflag:s21], $0x2800  }
0x15d: {  	[sflag:s21] =	ssyncset.done $0x0  }
0x15e: {  	[sflag:s21] =	ssyncadd.s32 $0xFFFFD800  }
0x15f: {  	_ =	swait.ge [sflag:s21], $0x2800  }
0x160: {  	[sflag:s21] =	ssyncset.done $0x0  }
0x161: {  	[sflag:s21] =	ssyncadd.s32 $0xFFFFD800  }
0x162: {  	_ =	swait.ge [sflag:s21], $0x500  }
0x163: {  	[sflag:s21] =	ssyncset.done $0x0  }
0x164: {  	[sflag:s21] =	ssyncadd.s32 $0xFFFFFB00  }
0x165: {  	_ =	swait.ge [sflag:s21], $0x500  }
0x166: {  	[sflag:s21] =	ssyncset.done $0x0  }
0x167: {  	s9 =	simm.s32 $0x4EA0;
	[sflag:s21] =	ssyncadd.s32 $0xFFFFFB00  }
0x168: {  	s10 =	simm.s32 $0x76A0;
	v0 =	vld [tilespmem:s9+$0xFFFFFF80]  }
0x169: {  	v1 =	vld [tilespmem:s10+$0xFFFFFF80];
	_ =	sdelay $0x4  }
0x16a: {  	v0 =	vadd.f32 v1, v0;
	_ =	sdelay $0x1  }
0x16b: {  	[tilespmem:s9+$0xFFFFFF80] =	vst v0;
	v0 =	vld [tilespmem:s9+$0xFFFFFF90]  }
0x16c: {  	v1 =	vld [tilespmem:s10+$0xFFFFFF90];
	_ =	sdelay $0x4  }
0x16d: {  	v0 =	vadd.f32 v1, v0;
	_ =	sdelay $0x1  }
0x16e: {  	[tilespmem:s9+$0xFFFFFF90] =	vst v0;
	v0 =	vld [tilespmem:s9+$0xFFFFFFA0]  }
0x16f: {  	v1 =	vld [tilespmem:s10+$0xFFFFFFA0];
	_ =	sdelay $0x4  }
0x170: {  	v0 =	vadd.f32 v1, v0;
	_ =	sdelay $0x1  }
0x171: {  	[tilespmem:s9+$0xFFFFFFA0] =	vst v0;
	v0 =	vld [tilespmem:s9+$0xFFFFFFB0]  }
0x172: {  	v1 =	vld [tilespmem:s10+$0xFFFFFFB0];
	_ =	sdelay $0x4  }
0x173: {  	v0 =	vadd.f32 v1, v0;
	_ =	sdelay $0x1  }
0x174: {  	[tilespmem:s9+$0xFFFFFFB0] =	vst v0;
	v0 =	vld [tilespmem:s9+$0xFFFFFFC0]  }
0x175: {  	v1 =	vld [tilespmem:s10+$0xFFFFFFC0];
	_ =	sdelay $0x4  }
0x176: {  	v0 =	vadd.f32 v1, v0;
	_ =	sdelay $0x1  }
0x177: {  	[tilespmem:s9+$0xFFFFFFC0] =	vst v0;
	v0 =	vld [tilespmem:s9+$0xFFFFFFD0]  }
0x178: {  	v1 =	vld [tilespmem:s10+$0xFFFFFFD0];
	_ =	sdelay $0x4  }
0x179: {  	v0 =	vadd.f32 v1, v0;
	_ =	sdelay $0x1  }
0x17a: {  	[tilespmem:s9+$0xFFFFFFD0] =	vst v0;
	v0 =	vld [tilespmem:s9+$0xFFFFFFE0]  }
0x17b: {  	v1 =	vld [tilespmem:s10+$0xFFFFFFE0];
	_ =	sdelay $0x4  }
0x17c: {  	v0 =	vadd.f32 v1, v0;
	_ =	sdelay $0x1  }
0x17d: {  	[tilespmem:s9+$0xFFFFFFE0] =	vst v0;
	v0 =	vld [tilespmem:s9+$0xFFFFFFF0]  }
0x17e: {  	v1 =	vld [tilespmem:s10+$0xFFFFFFF0];
	_ =	sdelay $0x4  }
0x17f: {  	v0 =	vadd.f32 v1, v0;
	_ =	sdelay $0x1  }
0x180: {  	s0 =	simm.s32 $0x9E30;
	[tilespmem:s9+$0xFFFFFFF0] =	vst v0  }
0x181: {  	s1 =	simm.s32 $0xA330;
	v0 =	vld [tilespmem:s0+$0xFFFFFFF0]  }
0x182: {  	v1 =	vld [tilespmem:s1+$0xFFFFFFF0];
	_ =	sdelay $0x4  }
0x183: {  	v0 =	vsub.f32 v0, v1;
	_ =	sdelay $0x1  }
0x184: {  	[tilespmem:s0+$0xFFFFFFF0] =	vst v0  }
0x185: {  	v0 =	vld [tilespmem:s9+$0x0]  }
0x186: {  	v1 =	vld [tilespmem:s10+$0x0];
	_ =	sdelay $0x4  }
0x187: {  	v0 =	vadd.f32 v1, v0;
	_ =	sdelay $0x1  }
0x188: {  	v1 =	vld [tilespmem:s9+$0x10];
	[tilespmem:s9+$0x0] =	vst v0  }
0x189: {  	v0 =	vld [tilespmem:s10+$0x10];
	_ =	sdelay $0x4  }
0x18a: {  	v0 =	vadd.f32 v0, v1;
	_ =	sdelay $0x1  }
0x18b: {  	v1 =	vld [tilespmem:s9+$0x20];
	[tilespmem:s9+$0x10] =	vst v0  }
0x18c: {  	v0 =	vld [tilespmem:s10+$0x20];
	_ =	sdelay $0x4  }
0x18d: {  	v0 =	vadd.f32 v0, v1;
	_ =	sdelay $0x1  }
0x18e: {  	v1 =	vld [tilespmem:s9+$0x30];
	[tilespmem:s9+$0x20] =	vst v0  }
0x18f: {  	v0 =	vld [tilespmem:s10+$0x30];
	_ =	sdelay $0x4  }
0x190: {  	v0 =	vadd.f32 v0, v1;
	_ =	sdelay $0x1  }
0x191: {  	v1 =	vld [tilespmem:s9+$0x40];
	[tilespmem:s9+$0x30] =	vst v0  }
0x192: {  	v0 =	vld [tilespmem:s10+$0x40];
	_ =	sdelay $0x4  }
0x193: {  	v0 =	vadd.f32 v0, v1;
	_ =	sdelay $0x1  }
0x194: {  	v1 =	vld [tilespmem:s9+$0x50];
	[tilespmem:s9+$0x40] =	vst v0  }
0x195: {  	v0 =	vld [tilespmem:s10+$0x50];
	_ =	sdelay $0x4  }
0x196: {  	v0 =	vadd.f32 v0, v1;
	_ =	sdelay $0x1  }
0x197: {  	v1 =	vld [tilespmem:s9+$0x60];
	[tilespmem:s9+$0x50] =	vst v0  }
0x198: {  	v0 =	vld [tilespmem:s10+$0x60];
	_ =	sdelay $0x4  }
0x199: {  	v0 =	vadd.f32 v0, v1;
	_ =	sdelay $0x1  }
0x19a: {  	v1 =	vld [tilespmem:s9+$0x70];
	[tilespmem:s9+$0x60] =	vst v0  }
0x19b: {  	v0 =	vld [tilespmem:s10+$0x70];
	_ =	sdelay $0x4  }
0x19c: {  	v0 =	vadd.f32 v0, v1;
	_ =	sdelay $0x1  }
0x19d: {  	[tilespmem:s9+$0x70] =	vst v0  }
0x19e: {  	v0 =	vld [tilespmem:s0+$0x0]  }
0x19f: {  	v1 =	vld [tilespmem:s1+$0x0];
	_ =	sdelay $0x1  }
0x1a0: {  	s12 =	simm.s32 $0x77A0  }
0x1a1: {  	s11 =	simm.s32 $0x9E30;
	s10 =	simm.s32 $0x4FA0;
	s9 =	simm.s32 $0x0  }
.LBB2_8:
0x1a2: {  	s9 =	sadd.s32 $0x2, s9;
	s0 =	sadd.s32 $0x20, s0;
	s1 =	sadd.s32 $0x20, s1  }
0x1a3: {  	p0 =	slt.u32 s9, $0x4E;
	v0 =	vsub.f32 v0, v1;
	_ =	sdelay $0x1  }
0x1a4: {  	[tilespmem:s11+$0x0] =	vst v0;
	s11 =	smov.u32 s0  }
0x1a5: {  	v0 =	vld [tilespmem:s10+$0xFFFFFF80]  }
0x1a6: {  	v1 =	vld [tilespmem:s12+$0xFFFFFF80];
	_ =	sdelay $0x4  }
0x1a7: {  	v0 =	vadd.f32 v1, v0;
	_ =	sdelay $0x1  }
0x1a8: {  	[tilespmem:s10+$0xFFFFFF80] =	vst v0;
	v0 =	vld [tilespmem:s10+$0xFFFFFF90]  }
0x1a9: {  	v1 =	vld [tilespmem:s12+$0xFFFFFF90];
	_ =	sdelay $0x4  }
0x1aa: {  	v0 =	vadd.f32 v1, v0;
	_ =	sdelay $0x1  }
0x1ab: {  	[tilespmem:s10+$0xFFFFFF90] =	vst v0;
	v0 =	vld [tilespmem:s10+$0xFFFFFFA0]  }
0x1ac: {  	v1 =	vld [tilespmem:s12+$0xFFFFFFA0];
	_ =	sdelay $0x4  }
0x1ad: {  	v0 =	vadd.f32 v1, v0;
	_ =	sdelay $0x1  }
0x1ae: {  	[tilespmem:s10+$0xFFFFFFA0] =	vst v0;
	v0 =	vld [tilespmem:s10+$0xFFFFFFB0]  }
0x1af: {  	v1 =	vld [tilespmem:s12+$0xFFFFFFB0];
	_ =	sdelay $0x4  }
0x1b0: {  	v0 =	vadd.f32 v1, v0;
	_ =	sdelay $0x1  }
0x1b1: {  	[tilespmem:s10+$0xFFFFFFB0] =	vst v0;
	v0 =	vld [tilespmem:s10+$0xFFFFFFC0]  }
0x1b2: {  	v1 =	vld [tilespmem:s12+$0xFFFFFFC0];
	_ =	sdelay $0x4  }
0x1b3: {  	v0 =	vadd.f32 v1, v0;
	_ =	sdelay $0x1  }
0x1b4: {  	[tilespmem:s10+$0xFFFFFFC0] =	vst v0;
	v0 =	vld [tilespmem:s10+$0xFFFFFFD0]  }
0x1b5: {  	v1 =	vld [tilespmem:s12+$0xFFFFFFD0];
	_ =	sdelay $0x4  }
0x1b6: {  	v0 =	vadd.f32 v1, v0;
	_ =	sdelay $0x1  }
0x1b7: {  	[tilespmem:s10+$0xFFFFFFD0] =	vst v0;
	v0 =	vld [tilespmem:s10+$0xFFFFFFE0]  }
0x1b8: {  	v1 =	vld [tilespmem:s12+$0xFFFFFFE0];
	_ =	sdelay $0x4  }
0x1b9: {  	v0 =	vadd.f32 v1, v0;
	_ =	sdelay $0x1  }
0x1ba: {  	[tilespmem:s10+$0xFFFFFFE0] =	vst v0;
	v0 =	vld [tilespmem:s10+$0xFFFFFFF0]  }
0x1bb: {  	v1 =	vld [tilespmem:s12+$0xFFFFFFF0];
	_ =	sdelay $0x4  }
0x1bc: {  	v0 =	vadd.f32 v1, v0;
	_ =	sdelay $0x1  }
0x1bd: {  	[tilespmem:s10+$0xFFFFFFF0] =	vst v0  }
0x1be: {  	v0 =	vld [tilespmem:s0+$0xFFFFFFF0]  }
0x1bf: {  	v1 =	vld [tilespmem:s1+$0xFFFFFFF0];
	_ =	sdelay $0x4  }
0x1c0: {  	v0 =	vsub.f32 v0, v1;
	_ =	sdelay $0x1  }
0x1c1: {  	[tilespmem:s0+$0xFFFFFFF0] =	vst v0  }
0x1c2: {  	v0 =	vld [tilespmem:s10+$0x0]  }
0x1c3: {  	v1 =	vld [tilespmem:s12+$0x0];
	_ =	sdelay $0x4  }
0x1c4: {  	v0 =	vadd.f32 v1, v0  }
0x1c5: {  	v1 =	vld [tilespmem:s10+$0x10]  }
0x1c6: {  	[tilespmem:s10+$0x0] =	vst v0  }
0x1c7: {  	v0 =	vld [tilespmem:s12+$0x10];
	_ =	sdelay $0x4  }
0x1c8: {  	v0 =	vadd.f32 v0, v1  }
0x1c9: {  	v1 =	vld [tilespmem:s10+$0x20]  }
0x1ca: {  	[tilespmem:s10+$0x10] =	vst v0  }
0x1cb: {  	v0 =	vld [tilespmem:s12+$0x20];
	_ =	sdelay $0x4  }
0x1cc: {  	v0 =	vadd.f32 v0, v1  }
0x1cd: {  	v1 =	vld [tilespmem:s10+$0x30]  }
0x1ce: {  	[tilespmem:s10+$0x20] =	vst v0  }
0x1cf: {  	v0 =	vld [tilespmem:s12+$0x30];
	_ =	sdelay $0x4  }
0x1d0: {  	v0 =	vadd.f32 v0, v1  }
0x1d1: {  	v1 =	vld [tilespmem:s10+$0x40]  }
0x1d2: {  	[tilespmem:s10+$0x30] =	vst v0  }
0x1d3: {  	v0 =	vld [tilespmem:s12+$0x40];
	_ =	sdelay $0x4  }
0x1d4: {  	v0 =	vadd.f32 v0, v1  }
0x1d5: {  	v1 =	vld [tilespmem:s10+$0x50]  }
0x1d6: {  	[tilespmem:s10+$0x40] =	vst v0  }
0x1d7: {  	v0 =	vld [tilespmem:s12+$0x50];
	_ =	sdelay $0x4  }
0x1d8: {  	v0 =	vadd.f32 v0, v1  }
0x1d9: {  	v1 =	vld [tilespmem:s10+$0x60]  }
0x1da: {  	[tilespmem:s10+$0x50] =	vst v0  }
0x1db: {  	v0 =	vld [tilespmem:s12+$0x60];
	_ =	sdelay $0x4  }
0x1dc: {  	v0 =	vadd.f32 v0, v1  }
0x1dd: {  	v1 =	vld [tilespmem:s10+$0x70]  }
0x1de: {  	[tilespmem:s10+$0x60] =	vst v0  }
0x1df: {  	v0 =	vld [tilespmem:s12+$0x70];
	_ =	sdelay $0x4  }
0x1e0: {  	v0 =	vadd.f32 v0, v1;
	_ =	sdelay $0x1  }
0x1e1: {  	[tilespmem:s10+$0x70] =	vst v0  }
.Ltmp3:
0x1e2: {  	v0 =	vld [tilespmem:s0+$0x0];
	(pc) =	sbr.rel @p0 .LBB2_8-.Ltmp3, $2  }
0x1e3: {  	v1 =	vld [tilespmem:s1+$0x0];
	_ =	sdelay $0x2  }
0x1e4: {  	s12 =	sadd.s32 $0x100, s12;
	s10 =	sadd.s32 $0x100, s10  }
0x1e5: {  	_ = 	snop  }
0x1e6: {  	v0 =	vsub.f32 v0, v1;
	_ =	sdelay $0x1  }
0x1e7: {  	[tilespmem:s11+$0x0] =	vst v0  }
0x1e8: {  	_ =	swait.ge [sflag:s29], $0x2800  }
0x1e9: {  	[sflag:s29] =	ssyncset.done $0x0  }
0x1ea: {  	[sflag:s29] =	ssyncadd.s32 $0xFFFFD800  }
0x1eb: {  	_ =	swait.ge [sflag:s29], $0x500  }
0x1ec: {  	[sflag:s29] =	ssyncset.done $0x0  }
0x1ed: {  	s0 =	rddreg [dreg:$0x4];
	[sflag:s29] =	ssyncadd.s32 $0xFFFFFB00  }
0x1ee: {  	[hbm4b:s0+s2] =	stream.linear.scatter [tilespmem:s17], [sflag:$0x3], $0x2800, $0x38;
	[tilespmem:$0x10220] =	vst v63  }
0x1ef: {  	s15 =	rddreg [dreg:$0x5]  }
0x1f0: {  	[hbm4b:s15+s2] =	stream.linear.scatter [tilespmem:s19], [sflag:$0x3], $0x500, $0x38;
	[tilespmem:$0x10220] =	vst v63  }
0x1f1: {  	_ =	swait.ge [sflag:s28], $0x2800  }
0x1f2: {  	[sflag:s28] =	ssyncset.done $0x0  }
0x1f3: {  	[sflag:s28] =	ssyncadd.s32 $0xFFFFD800  }
0x1f4: {  	_ =	swait.ge [sflag:s28], $0x500  }
0x1f5: {  	s30 =	sadd.s32 $0x1, s30;
	s31 =	rddreg [dreg:$0x6]  }
0x1f6: {  	p0 =	sne.s32 s30, s31  }
.Ltmp4:
0x1f7: {  	_ = 	snop;
	(pc) =	sbr.rel @p0 .LBB2_1-.Ltmp4, $3  }
0x1f8: {  	_ =	sdelay $0x1  }
0x1f9: {  	[sflag:s28] =	ssyncset.done $0x0  }
0x1fa: {  	[sflag:s28] =	ssyncadd.s32 $0xFFFFFB00  }
0x1fb: {  	_ =	sfence.sel $0x180000  }
0x1fc: {  	[bflag:$0x0] =	sbarrier.arrive $0xFFFF  }
0x1fd: {  	_ =	strace $0x90000047  }
0x1fe: {  	s0 =	stileid.u32;
	[bflag:$0x2] =	sbarrier.arrive $0xFFFF  }
0x1ff: {  	p0 =	sne.s32 s0, $0x0;
	s0 =	rddreg [dreg:$0x1]  }
0x200: {  	s0 =	sadd.s32 @!p0 $0x100000, s0  }
0x201: {  	[sflag:s0] =	ssyncadd.tile.s32 @!p0 $0x1;
	_ =	shalt  }
.Lfunc_end2:
_tile_overlayer_lowered:
.L_overlay_start_2:
0x202: {  	(tag) =	ssettag $0x2  }
0x203: {  	s0 =	rddreg [dreg:$0x0];
	s2 =	stileid.u32  }
0x204: {  	s1 =	rddreg [dreg:$0x1];
	p0 =	sne.s32 s2, $0x0  }
0x205: {  	s3 =	rddreg [dreg:$0x2];
	[bflag:$0x3] =	sbarrier.arrive $0xFFFF;
	s2 =	simm.s32 @!p0 $0x1C05  }
0x206: {  	[timem:s3], [sflag:s2] =	dma.local @!p0 [hbm:s0], s1  }
0x207: {  	s0 =	simm.s32 @!p0 $0x5  }
0x208: {  	_ =	swait.ge @!p0 [sflag:s0], s1  }
0x209: {  	s1 =	ssub.s32 @!p0 $0x0, s1;
	[sflag:s0] =	ssyncset.done @!p0 $0x0  }
0x20a: {  	[sflag:s0] =	ssyncadd.s32 @!p0 s1  }
0x20b: {  	[bflag:$0x3] =	sbarrier.arrive $0xFFFF  }
0x20c: {  	_ =	shalt  }

</sc_bundles>
